<compile_context>
chip_gen: v7x
topology: tpu7x:2x2x1
jax: 0.10.2.dev20260603
libtpu: 0.0.44.dev20260713+nightly
codegen_flags: <defaults>
</compile_context>

<pallas_src>
import functools

import jax
import jax.numpy as jnp
from jax import lax
from jax.experimental import pallas as pl
from jax.experimental.pallas import tpu as pltpu
from jax.experimental.pallas import tpu_sc as plsc

B = 8
N = 512
DS = 256
VOCAB = 32
R2 = 36.0
NLAYERS = 4

NW = 32
RPW = (B * N) // NW
SLABS_PER_B = N // RPW
ECAP = RPW * N
TILE = 1024
LANES = 16
CH = 16


def _adjacency_xla(tokens, coords):
    coord = coords.reshape(-1, 3)
    valid = (tokens != 0).reshape(-1)
    batch = jnp.repeat(jnp.arange(B), N)
    sq = jnp.sum(coord * coord, axis=-1)
    d2 = sq[:, None] + sq[None, :] - 2.0 * (coord @ coord.T)
    d2 = jnp.maximum(d2, 0.0)
    same = batch[:, None] == batch[None, :]
    m = coord.shape[0]
    adj = (d2 < R2) & same & (~jnp.eye(m, dtype=bool))
    adj = adj & valid[:, None] & valid[None, :]
    adjd = jnp.stack([adj[i * N:(i + 1) * N, i * N:(i + 1) * N]
                      for i in range(B)])
    return adjd.astype(jnp.int32)


def _sc_compact_body(adj_hbm, edges_hbm, counts_hbm, rows_v, edges_v, cnt_v):
    cid = lax.axis_index("c")
    sid = lax.axis_index("s")
    w = cid * 16 + sid
    rb0 = (w % SLABS_PER_B) * RPW
    iota16 = lax.iota(jnp.int32, LANES)
    vpc = CH * N // LANES
    rpc = CH * N // 128

    def chunk_loop(ch, off):
        pltpu.sync_copy(
            adj_hbm.at[pl.ds(pl.multiple_of((w * RPW + ch * CH) * N // 128, 8), rpc)],
            rows_v)
        pkb = (rb0 + ch * CH) * N

        def vec_loop(p, off):
            flatv = iota16 + p * LANES
            vec = plsc.load_gather(rows_v, [flatv >> 7, flatv & 127])
            mask = vec != 0
            mvec = mask.astype(jnp.int32)
            cum = jnp.cumsum(mvec)
            pk = flatv + pkb
            pos = jnp.where(mask, off + cum - 1, ECAP + iota16)
            plsc.store_scatter(edges_v, [pos >> 7, pos & 127], pk)
            return off + jnp.sum(mvec)

        return lax.fori_loop(0, vpc, vec_loop, off)

    total = lax.fori_loop(0, RPW // CH, chunk_loop, jnp.int32(0))
    pltpu.sync_copy(edges_v.at[pl.ds(0, ECAP // 128)], edges_hbm.at[w])
    cnt_v[0] = jnp.zeros((LANES,), jnp.int32) + total
    pltpu.sync_copy(cnt_v, counts_hbm.at[w])


def _compact_edges_sc(adj):
    f = pl.kernel(
        _sc_compact_body,
        mesh=plsc.VectorSubcoreMesh(core_axis_name="c", subcore_axis_name="s"),
        out_type=[
            jax.ShapeDtypeStruct((NW, ECAP // 128, 128), jnp.int32),
            jax.ShapeDtypeStruct((NW, 8, LANES), jnp.int32),
        ],
        scratch_types=[
            pltpu.VMEM((CH * N // 128, 128), jnp.int32),
            pltpu.VMEM((ECAP // 128 + 1, 128), jnp.int32),
            pltpu.VMEM((8, LANES), jnp.int32),
        ],
        compiler_params=pltpu.CompilerParams(needs_layout_passes=False),
    )
    edges, counts = f(adj.reshape(B * N * N // 128, 128))
    return edges.reshape(B, SLABS_PER_B, ECAP), counts[:, 0, 0]


def _silu(x):
    return x * jax.nn.sigmoid(x)


def _dot(x, y):
    return lax.dot_general(x, y, (((1,), (0,)), ((), ())),
                           preferred_element_type=jnp.float32)


def _dot_t(x, y):
    return lax.dot_general(x, y, (((0,), (0,)), ((), ())),
                           preferred_element_type=jnp.float32)


def _mp_body(counts_ref, tokc_ref, deg_ref, edges_ref, emb_ref,
             at_ref, bt_ref, b1_ref, w2t_ref, b2_ref,
             u1t_ref, bu1_ref, u2t_ref, bu2_ref, out_ref):
    b = pl.program_id(0)
    tok_c = tokc_ref[0]
    deg = deg_ref[0]
    onehot = (tok_c == lax.broadcasted_iota(jnp.int32, (N, VOCAB), 1))
    s = _dot(onehot.astype(jnp.float32), emb_ref[...])
    lane = lax.broadcasted_iota(jnp.int32, (1, TILE), 1)
    row_iota = lax.broadcasted_iota(jnp.int32, (RPW, TILE), 0)
    col_iota = lax.broadcasted_iota(jnp.int32, (N, TILE), 0)

    for l in range(NLAYERS):
        a = _dot(s, at_ref[l]) + b1_ref[l]
        bm = _dot(s, bt_ref[l])
        aggs = []
        for reg in range(SLABS_PER_B):
            cnt = counts_ref[b * SLABS_PER_B + reg]
            a_slab = a[reg * RPW:(reg + 1) * RPW, :]

            def tile_body(t, hslab, _reg=reg, _cnt=cnt, _a_slab=a_slab, _bm=bm):
                base = t * TILE
                e = edges_ref[0, _reg, pl.ds(base, TILE)].reshape(1, TILE)
                r = e >> 9
                c = e & (N - 1)
                ev = (base + lane) < _cnt
                grt = (((row_iota + _reg * RPW) == r) & ev).astype(jnp.float32)
                gct = ((col_iota == c) & ev).astype(jnp.float32)
                ar = _dot_t(grt, _a_slab)
                bc = _dot_t(gct, _bm)
                h = _silu(ar + bc)
                return hslab + _dot(grt, h)

            n_tiles = (cnt + (TILE - 1)) // TILE
            hslab = lax.fori_loop(0, n_tiles, tile_body,
                                  jnp.zeros((RPW, 2 * DS), jnp.float32))
            aggs.append(_dot(hslab, w2t_ref[l]))
        agg = jnp.concatenate(aggs, axis=0) + deg * b2_ref[l]
        u = _silu(_dot(agg, u1t_ref[l]) + bu1_ref[l])
        s = s + _dot(u, u2t_ref[l]) + bu2_ref[l]

    out_ref[0] = jnp.where(tok_c != 0, s, 0.0)


def _message_passing(counts, tok_c, deg, edges, emb, stacked):
    at, bt, b1, w2t, b2, u1t, bu1, u2t, bu2 = stacked
    full = lambda shape: pl.BlockSpec(shape, lambda b, *_: tuple(0 for _ in shape))
    grid_spec = pltpu.PrefetchScalarGridSpec(
        num_scalar_prefetch=1,
        grid=(B,),
        in_specs=[
            pl.BlockSpec((1, N, 1), lambda b, *_: (b, 0, 0)),
            pl.BlockSpec((1, N, 1), lambda b, *_: (b, 0, 0)),
            pl.BlockSpec((1, SLABS_PER_B, ECAP), lambda b, *_: (b, 0, 0)),
            full((VOCAB, DS)),
            full((NLAYERS, DS, 2 * DS)),
            full((NLAYERS, DS, 2 * DS)),
            full((NLAYERS, 1, 2 * DS)),
            full((NLAYERS, 2 * DS, DS)),
            full((NLAYERS, 1, DS)),
            full((NLAYERS, DS, DS)),
            full((NLAYERS, 1, DS)),
            full((NLAYERS, DS, DS)),
            full((NLAYERS, 1, DS)),
        ],
        out_specs=pl.BlockSpec((1, N, DS), lambda b, *_: (b, 0, 0)),
    )
    return pl.pallas_call(
        _mp_body,
        grid_spec=grid_spec,
        out_shape=jax.ShapeDtypeStruct((B, N, DS), jnp.float32),
    )(counts, tok_c, deg, edges, emb, at, bt, b1, w2t, b2, u1t, bu1, u2t, bu2)


def _stack_weights(params):
    ls = params["layers"]
    at = jnp.stack([lp["edge_s1"]["W"][:, :DS].T for lp in ls])
    bt = jnp.stack([lp["edge_s1"]["W"][:, DS:].T for lp in ls])
    b1 = jnp.stack([lp["edge_s1"]["b"].reshape(1, 2 * DS) for lp in ls])
    w2t = jnp.stack([lp["edge_s2"]["W"].T for lp in ls])
    b2 = jnp.stack([lp["edge_s2"]["b"].reshape(1, DS) for lp in ls])
    u1t = jnp.stack([lp["upd_s1"]["W"].T for lp in ls])
    bu1 = jnp.stack([lp["upd_s1"]["b"].reshape(1, DS) for lp in ls])
    u2t = jnp.stack([lp["upd_s2"]["W"].T for lp in ls])
    bu2 = jnp.stack([lp["upd_s2"]["b"].reshape(1, DS) for lp in ls])
    return at, bt, b1, w2t, b2, u1t, bu1, u2t, bu2


@jax.jit
def kernel(src_tokens, padded_coordinates, src_distance, src_edge_type, params):
    del src_distance, src_edge_type
    tokens = src_tokens.astype(jnp.int32)
    padding_mask = src_tokens == 0
    adj = _adjacency_xla(tokens, padded_coordinates)
    deg = jnp.sum(adj.astype(jnp.float32), axis=2).reshape(B, N, 1)
    edges, counts = _compact_edges_sc(adj)
    tok_c = tokens.reshape(B, N, 1)
    stacked = _stack_weights(params)
    out = _message_passing(counts, tok_c, deg, edges, params["emb"], stacked)
    return out, padding_mask

# --- scband reference (transcript-rebuilt; emitter-appended) ---
"""Pipeline reference for scband-simple-gvpgnnmodel-37220186587481 (READ-ONLY COPY).

The authoritative reference and input builder live on the scoring server;
editing this copy changes nothing except your own understanding.
"""

import jax, jax.numpy as jnp
import numpy as np

PAD = 0
VOCAB = 32
DIM_S = 256
DIM_V = 3
NUM_LAYERS = 4
B, N = 8, 512
R = 6.0
COORD_SCALE = 12.0


def _linear(key, din, dout):
    k1, k2 = jax.random.split(key)
    lim = 1.0 / np.sqrt(din)
    W = jax.random.uniform(k1, (dout, din), minval=-lim, maxval=lim, dtype=jnp.float32)
    b = jax.random.uniform(k2, (dout,), minval=-lim, maxval=lim, dtype=jnp.float32)
    return {"W": W, "b": b}


def _lin(p, x):
    return x @ p["W"].T + p["b"]


def _silu(x):
    return x * jax.nn.sigmoid(x)


def _radius_graph(coord, batch, r, valid, e_max):
    # pairwise within-batch radius graph, no self loops (mirrors torch_geometric.radius_graph)
    sq = jnp.sum(coord * coord, axis=-1)
    d2 = sq[:, None] + sq[None, :] - 2.0 * (coord @ coord.T)
    d2 = jnp.maximum(d2, 0.0)
    same = batch[:, None] == batch[None, :]
    M = coord.shape[0]
    adj = (d2 < r * r) & same & (~jnp.eye(M, dtype=bool))
    adj = adj & valid[:, None] & valid[None, :]
    row, col = jnp.nonzero(adj, size=e_max, fill_value=M)
    return jnp.stack([row, col], axis=0)


def _forward(src_tokens, coords, params, edge_index, node_mask):
    Bn, Nn = src_tokens.shape
    s = jnp.take(params["emb"], src_tokens.reshape(-1), axis=0)
    coord = coords.reshape(-1, 3)
    v = _lin(params["init_vec"], coord)
    row, col = edge_index[0], edge_index[1]
    for lp in params["layers"]:
        def _edge_fn(rc, _lp=lp, _s=s, _coord=coord):
            r_, c_ = rc
            ds = jnp.concatenate([_s[r_], _s[c_]], axis=-1)
            dv = _coord[r_] - _coord[c_]
            dist = jnp.linalg.norm(dv, axis=-1, keepdims=True)  # computed, unused (as in original)
            es = _lin(_lp["edge_s2"], _silu(_lin(_lp["edge_s1"], ds)))
            ev = _lin(_lp["edge_v2"], _silu(_lin(_lp["edge_v1"], dv)))
            return es, ev
        es, ev = jax.lax.map(_edge_fn, (row.reshape(Nn, -1), col.reshape(Nn, -1)))
        es = es.reshape(-1, es.shape[-1])
        ev = ev.reshape(-1, ev.shape[-1])
        agg_s = jnp.zeros_like(s).at[row].add(es)
        agg_v = jnp.zeros_like(v).at[row].add(ev)
        s = s + _lin(lp["upd_s2"], _silu(_lin(lp["upd_s1"], agg_s)))
        v = v + _lin(lp["upd_v2"], _silu(_lin(lp["upd_v1"], agg_v)))
    out = jnp.where(node_mask[:, None], s, jnp.zeros((), dtype=s.dtype))
    return out.reshape(Bn, Nn, -1)


def setup_inputs(seed: int = 0):
    key = jax.random.key(seed)
    ks = jax.random.split(key, 7)
    src_tokens = jax.random.randint(ks[0], (B, N), 0, VOCAB)
    padded_coordinates = jax.random.normal(ks[1], (B, N, 3), dtype=jnp.float32) * COORD_SCALE
    src_distance = jax.random.uniform(ks[2], (B, N, N), dtype=jnp.float32)
    src_edge_type = jax.random.randint(ks[3], (B, N, N), 0, VOCAB)
    emb = jax.random.normal(ks[4], (VOCAB, DIM_S), dtype=jnp.float32) * 0.02
    emb = emb.at[PAD].set(0.0)
    params = {"emb": emb, "init_vec": _linear(ks[5], 3, DIM_V), "layers": []}
    lk = ks[6]
    for _ in range(NUM_LAYERS):
        subs = jax.random.split(lk, 9)
        lk = subs[0]
        params["layers"].append({
            "edge_s1": _linear(subs[1], 2 * DIM_S, 2 * DIM_S),
            "edge_s2": _linear(subs[2], 2 * DIM_S, DIM_S),
            "edge_v1": _linear(subs[3], DIM_V, DIM_V),
            "edge_v2": _linear(subs[4], DIM_V, DIM_V),
            "upd_s1": _linear(subs[5], DIM_S, DIM_S),
            "upd_s2": _linear(subs[6], DIM_S, DIM_S),
            "upd_v1": _linear(subs[7], DIM_V, DIM_V),
            "upd_v2": _linear(subs[8], DIM_V, DIM_V),
        })
    return {"src_tokens": src_tokens, "padded_coordinates": padded_coordinates,
            "src_distance": src_distance, "src_edge_type": src_edge_type, "params": params}


def reference(src_tokens, padded_coordinates, src_distance, src_edge_type, params):
    padding_mask = src_tokens == PAD
    mask = ~padding_mask.reshape(-1)
    coord = padded_coordinates.reshape(-1, 3)
    batch = jnp.repeat(jnp.arange(src_tokens.shape[0]), src_tokens.shape[1])
    Bn, Nn = src_tokens.shape
    e_max = Bn * Nn * (Nn - 1)
    edge_index = _radius_graph(coord, batch, R, mask, e_max)
    encoder_rep = _forward(src_tokens, padded_coordinates, params, edge_index, mask)
    return (encoder_rep, padding_mask)

if __name__ == "__main__":
    import jax
    _d = setup_inputs()
    print(jax.jit(kernel)(*tuple(_d.values())))

</pallas_src>

<mosaic_0001>
#map = affine_map<(d0, d1) -> (0, 0)>
#map1 = affine_map<(d0, d1) -> (0, 0, 0)>
module attributes {stable_mosaic.version = 14 : i64} {
  func.func @_sc_compact_body(%arg0: i32, %arg1: i32, %arg2: memref<16384x128xi32, #tpu.memory_space<hbm>>, %arg3: memref<32x512x128xi32, #tpu.memory_space<hbm>>, %arg4: memref<32x8x16xi32, #tpu.memory_space<hbm>>, %arg5: memref<64x128xi32, #tpu.memory_space<vmem>>, %arg6: memref<513x128xi32, #tpu.memory_space<vmem>>, %arg7: memref<8x16xi32, #tpu.memory_space<vmem>>) attributes {dimension_semantics = [#tpu.dimension_semantics<core_parallel>, #tpu.dimension_semantics<subcore_parallel>], iteration_bounds = array<i64: 2, 16>, scalar_prefetch = 0 : i64, scratch_operands = 3 : i64, tpu.core_type = #tpu.core_type<sc_vector_subcore>, window_params = [{transform_indices = #map}, {transform_indices = #map1}, {transform_indices = #map1}]} {
    %mul3A = arith.constant 16 : i32
    %mul3A_0 = arith.muli %arg0, %mul3A : i32
    %add3A = arith.addi %mul3A_0, %arg1 : i32
    %jit3A = arith.constant 4 : i32
    %eq3A = arith.constant 0 : i32
    %eq3A_1 = arith.cmpi eq, %jit3A, %eq3A : i32
    %jit3A_2 = arith.constant 1 : i32
    %select_n3A = arith.select %eq3A_1, %jit3A_2, %jit3A : i32
    %rem3A = arith.remsi %add3A, %select_n3A : i32
    %ne3A = arith.constant 0 : i32
    %ne3A_3 = arith.cmpi ne, %rem3A, %ne3A : i32
    %lt3A = arith.constant 0 : i32
    %lt3A_4 = arith.cmpi slt, %rem3A, %lt3A : i32
    %lt3A_5 = arith.constant 0 : i32
    %lt3A_6 = arith.cmpi slt, %select_n3A, %lt3A_5 : i32
    %ne3A_7 = arith.xori %lt3A_4, %lt3A_6 : i1
    %and3A = arith.andi %ne3A_7, %ne3A_3 : i1
    %add3A_8 = arith.addi %rem3A, %select_n3A : i32
    %select_n3A_9 = arith.select %and3A, %add3A_8, %rem3A : i32
    %mul3A_10 = arith.constant 128 : i32
    %mul3A_11 = arith.muli %select_n3A_9, %mul3A_10 : i32
    %iota3A = tpu.iota {dimensions = array<i32: 0>} : vector<16xi32>
    %scan3A = arith.constant 0 : i32
    %scan3A_12 = arith.constant 0 : i32
    %scan3A_13 = arith.constant 8 : i32
    %scan3A_14 = arith.addi %scan3A_12, %scan3A_13 : i32
    %scan3A_15 = arith.constant 1 : i32
    %scan3A_16 = scf.for %scan3A_24 = %scan3A_12 to %scan3A_14 step %scan3A_15 iter_args(%scan3A_25 = %scan3A) -> (i32)  : i32 {
      %mul3A_26 = arith.constant 128 : i32
      %mul3A_27 = arith.muli %add3A, %mul3A_26 : i32
      %mul3A_28 = arith.constant 16 : i32
      %mul3A_29 = arith.muli %scan3A_24, %mul3A_28 : i32
      %add3A_30 = arith.addi %mul3A_27, %mul3A_29 : i32
      %mul3A_31 = arith.constant 512 : i32
      %mul3A_32 = arith.muli %add3A_30, %mul3A_31 : i32
      %jit3A_33 = arith.constant 128 : i32
      %div3A = arith.divsi %mul3A_32, %jit3A_33 : i32
      %sign3A = arith.constant 0 : i32
      %sign3A_34 = arith.cmpi sgt, %mul3A_32, %sign3A : i32
      %sign3A_35 = arith.extui %sign3A_34 : i1 to i32
      %sign3A_36 = arith.constant 0 : i32
      %sign3A_37 = arith.cmpi slt, %mul3A_32, %sign3A_36 : i32
      %sign3A_38 = arith.extui %sign3A_37 : i1 to i32
      %sign3A_39 = arith.subi %sign3A_35, %sign3A_38 : i32
      %sign3A_40 = arith.constant 0 : i32
      %sign3A_41 = arith.cmpi sgt, %jit3A_33, %sign3A_40 : i32
      %sign3A_42 = arith.extui %sign3A_41 : i1 to i32
      %sign3A_43 = arith.constant 0 : i32
      %sign3A_44 = arith.cmpi slt, %jit3A_33, %sign3A_43 : i32
      %sign3A_45 = arith.extui %sign3A_44 : i1 to i32
      %sign3A_46 = arith.subi %sign3A_42, %sign3A_45 : i32
      %ne3A_47 = arith.cmpi ne, %sign3A_39, %sign3A_46 : i32
      %rem3A_48 = arith.remsi %mul3A_32, %jit3A_33 : i32
      %ne3A_49 = arith.constant 0 : i32
      %ne3A_50 = arith.cmpi ne, %rem3A_48, %ne3A_49 : i32
      %and3A_51 = arith.andi %ne3A_47, %ne3A_50 : i1
      %sub3A = arith.constant 1 : i32
      %sub3A_52 = arith.subi %div3A, %sub3A : i32
      %select_n3A_53 = arith.select %and3A_51, %sub3A_52, %div3A : i32
      %multiple_of3A = tpu.assume_multiple %select_n3A_53, 8 : i32
      "tpu.region"() ({
        %run_scoped3A = tpu.sem_alloc : memref<!tpu.dma_semaphore, #tpu.memory_space<semaphore_mem>>
        %dma_start3A = arith.constant 0 : i32
        %dma_start3A_65 = tpu.memref_slice %arg2[%multiple_of3A, %dma_start3A] : memref<16384x128xi32, #tpu.memory_space<hbm>> -> memref<64x128xi32, #tpu.memory_space<hbm>>
        %dma_start3A_66 = arith.constant 0 : i32
        %dma_start3A_67 = tpu.memref_slice %arg2[%multiple_of3A, %dma_start3A_66] : memref<16384x128xi32, #tpu.memory_space<hbm>> -> memref<64x128xi32, #tpu.memory_space<hbm>>
        tpu.enqueue_dma source(%dma_start3A_67 : memref<64x128xi32, #tpu.memory_space<hbm>>) target(%arg5 : memref<64x128xi32, #tpu.memory_space<vmem>>) target_semaphore(%run_scoped3A : memref<!tpu.dma_semaphore, #tpu.memory_space<semaphore_mem>>)
        %dma_wait3A = arith.constant 0 : i32
        %dma_wait3A_68 = tpu.memref_slice %arg2[%multiple_of3A, %dma_wait3A] : memref<16384x128xi32, #tpu.memory_space<hbm>> -> memref<64x128xi32, #tpu.memory_space<hbm>>
        %dma_wait3A_69 = arith.constant 0 : i32
        %dma_wait3A_70 = tpu.memref_slice %arg2[%multiple_of3A, %dma_wait3A_69] : memref<16384x128xi32, #tpu.memory_space<hbm>> -> memref<64x128xi32, #tpu.memory_space<hbm>>
        tpu.wait_dma2 semaphore(%run_scoped3A : memref<!tpu.dma_semaphore, #tpu.memory_space<semaphore_mem>>) src(%dma_wait3A_70 : memref<64x128xi32, #tpu.memory_space<hbm>>) dst(%arg5 : memref<64x128xi32, #tpu.memory_space<vmem>>)
        tpu.yield
      }) : () -> ()
      %mul3A_54 = arith.constant 16 : i32
      %mul3A_55 = arith.muli %scan3A_24, %mul3A_54 : i32
      %add3A_56 = arith.addi %mul3A_11, %mul3A_55 : i32
      %mul3A_57 = arith.constant 512 : i32
      %mul3A_58 = arith.muli %add3A_56, %mul3A_57 : i32
      %scan3A_59 = arith.constant 0 : i32
      %scan3A_60 = arith.constant 512 : i32
      %scan3A_61 = arith.addi %scan3A_59, %scan3A_60 : i32
      %scan3A_62 = arith.constant 1 : i32
      %scan3A_63 = scf.for %scan3A_65 = %scan3A_59 to %scan3A_61 step %scan3A_62 iter_args(%scan3A_66 = %scan3A_25) -> (i32)  : i32 {
        %mul3A_67 = arith.constant 16 : i32
        %mul3A_68 = arith.muli %scan3A_65, %mul3A_67 : i32
        %add3A_69 = vector.broadcast %mul3A_68 : i32 to vector<16xi32>
        %add3A_70 = arith.addi %iota3A, %add3A_69 : vector<16xi32>
        %shift_right_arithmetic3A = arith.constant 7 : i32
        %shift_right_arithmetic3A_71 = vector.broadcast %shift_right_arithmetic3A : i32 to vector<16xi32>
        %shift_right_arithmetic3A_72 = arith.shrsi %add3A_70, %shift_right_arithmetic3A_71 : vector<16xi32>
        %and3A_73 = arith.constant 127 : i32
        %and3A_74 = vector.broadcast %and3A_73 : i32 to vector<16xi32>
        %and3A_75 = arith.andi %add3A_70, %and3A_74 : vector<16xi32>
        %gather3A = tpu.vector_load_idx %arg5[%shift_right_arithmetic3A_72, %and3A_75] : memref<64x128xi32, #tpu.memory_space<vmem>>[vector<16xi32>, vector<16xi32>], vector<16xi32>,
        %ne3A_76 = arith.constant 0 : i32
        %ne3A_77 = vector.broadcast %ne3A_76 : i32 to vector<16xi32>
        %ne3A_78 = arith.cmpi ne, %gather3A, %ne3A_77 : vector<16xi32>
        %convert_element_type3A = arith.extui %ne3A_78 : vector<16xi1> to vector<16xi32>
        %cumsum3A = arith.constant true
        %cumsum3A_79 = vector.broadcast %cumsum3A : i1 to vector<16xi1>
        %cumsum3A_80 = tpu.scan <sum>, %convert_element_type3A masked %cumsum3A_79 : vector<16xi32>, vector<16xi1> -> vector<16xi32>
        %add3A_81 = vector.broadcast %mul3A_58 : i32 to vector<16xi32>
        %add3A_82 = arith.addi %add3A_70, %add3A_81 : vector<16xi32>
        %add3A_83 = vector.broadcast %scan3A_66 : i32 to vector<16xi32>
        %add3A_84 = arith.addi %add3A_83, %cumsum3A_80 : vector<16xi32>
        %sub3A_85 = arith.constant 1 : i32
        %sub3A_86 = vector.broadcast %sub3A_85 : i32 to vector<16xi32>
        %sub3A_87 = arith.subi %add3A_84, %sub3A_86 : vector<16xi32>
        %add3A_88 = arith.constant 65536 : i32
        %add3A_89 = vector.broadcast %add3A_88 : i32 to vector<16xi32>
        %add3A_90 = arith.addi %add3A_89, %iota3A : vector<16xi32>
        %select_n3A_91 = arith.select %ne3A_78, %sub3A_87, %add3A_90 : vector<16xi1>, vector<16xi32>
        %shift_right_arithmetic3A_92 = arith.constant 7 : i32
        %shift_right_arithmetic3A_93 = vector.broadcast %shift_right_arithmetic3A_92 : i32 to vector<16xi32>
        %shift_right_arithmetic3A_94 = arith.shrsi %select_n3A_91, %shift_right_arithmetic3A_93 : vector<16xi32>
        %and3A_95 = arith.constant 127 : i32
        %and3A_96 = vector.broadcast %and3A_95 : i32 to vector<16xi32>
        %and3A_97 = arith.andi %select_n3A_91, %and3A_96 : vector<16xi32>
        tpu.vector_store_idx %arg6[%shift_right_arithmetic3A_94, %and3A_97], %add3A_82 : memref<513x128xi32, #tpu.memory_space<vmem>>[vector<16xi32>, vector<16xi32>], vector<16xi32>,
        %reduce_sum3A = arith.constant true
        %reduce_sum3A_98 = vector.broadcast %reduce_sum3A : i1 to vector<16xi1>
        %reduce_sum3A_99 = tpu.scan <sum>, %convert_element_type3A masked %reduce_sum3A_98 : vector<16xi32>, vector<16xi1> -> vector<16xi32>
        %reduce_sum3A_100 = vector.extract %reduce_sum3A_99[15] : i32 from vector<16xi32>
        %add3A_101 = arith.addi %scan3A_66, %reduce_sum3A_100 : i32
        scf.yield %add3A_101 : i32
      }
      %scan3A_64 = arith.constant 512 : i32
      scf.yield %scan3A_63 : i32
    }
    %scan3A_17 = arith.constant 8 : i32
    "tpu.region"() ({
      %run_scoped3A = tpu.sem_alloc : memref<!tpu.dma_semaphore, #tpu.memory_space<semaphore_mem>>
      %dma_start3A = arith.constant 0 : i32
      %dma_start3A_24 = arith.constant 0 : i32
      %dma_start3A_25 = tpu.memref_slice %arg6[%dma_start3A, %dma_start3A_24] : memref<513x128xi32, #tpu.memory_space<vmem>> -> memref<512x128xi32, #tpu.memory_space<vmem>>
      %dma_start3A_26 = arith.constant 0 : i32
      %dma_start3A_27 = arith.constant 0 : i32
      %dma_start3A_28 = tpu.memref_slice %arg3[%add3A, %dma_start3A_26, %dma_start3A_27] : memref<32x512x128xi32, #tpu.memory_space<hbm>> -> memref<1x512x128xi32, #tpu.memory_space<hbm>>
      %dma_start3A_29 = tpu.memref_squeeze %dma_start3A_28 : memref<1x512x128xi32, #tpu.memory_space<hbm>> -> memref<512x128xi32, #tpu.memory_space<hbm>>
      %dma_start3A_30 = arith.constant 0 : i32
      %dma_start3A_31 = arith.constant 0 : i32
      %dma_start3A_32 = tpu.memref_slice %arg3[%add3A, %dma_start3A_30, %dma_start3A_31] : memref<32x512x128xi32, #tpu.memory_space<hbm>> -> memref<1x512x128xi32, #tpu.memory_space<hbm>>
      %dma_start3A_33 = tpu.memref_squeeze %dma_start3A_32 : memref<1x512x128xi32, #tpu.memory_space<hbm>> -> memref<512x128xi32, #tpu.memory_space<hbm>>
      %dma_start3A_34 = arith.constant 0 : i32
      %dma_start3A_35 = arith.constant 0 : i32
      %dma_start3A_36 = tpu.memref_slice %arg6[%dma_start3A_34, %dma_start3A_35] : memref<513x128xi32, #tpu.memory_space<vmem>> -> memref<512x128xi32, #tpu.memory_space<vmem>>
      tpu.enqueue_dma source(%dma_start3A_36 : memref<512x128xi32, #tpu.memory_space<vmem>>) target(%dma_start3A_33 : memref<512x128xi32, #tpu.memory_space<hbm>>) target_semaphore(%run_scoped3A : memref<!tpu.dma_semaphore, #tpu.memory_space<semaphore_mem>>)
      %dma_wait3A = arith.constant 0 : i32
      %dma_wait3A_37 = arith.constant 0 : i32
      %dma_wait3A_38 = tpu.memref_slice %arg6[%dma_wait3A, %dma_wait3A_37] : memref<513x128xi32, #tpu.memory_space<vmem>> -> memref<512x128xi32, #tpu.memory_space<vmem>>
      %dma_wait3A_39 = arith.constant 0 : i32
      %dma_wait3A_40 = arith.constant 0 : i32
      %dma_wait3A_41 = tpu.memref_slice %arg3[%add3A, %dma_wait3A_39, %dma_wait3A_40] : memref<32x512x128xi32, #tpu.memory_space<hbm>> -> memref<1x512x128xi32, #tpu.memory_space<hbm>>
      %dma_wait3A_42 = tpu.memref_squeeze %dma_wait3A_41 : memref<1x512x128xi32, #tpu.memory_space<hbm>> -> memref<512x128xi32, #tpu.memory_space<hbm>>
      %dma_wait3A_43 = arith.constant 0 : i32
      %dma_wait3A_44 = arith.constant 0 : i32
      %dma_wait3A_45 = tpu.memref_slice %arg3[%add3A, %dma_wait3A_43, %dma_wait3A_44] : memref<32x512x128xi32, #tpu.memory_space<hbm>> -> memref<1x512x128xi32, #tpu.memory_space<hbm>>
      %dma_wait3A_46 = tpu.memref_squeeze %dma_wait3A_45 : memref<1x512x128xi32, #tpu.memory_space<hbm>> -> memref<512x128xi32, #tpu.memory_space<hbm>>
      %dma_wait3A_47 = arith.constant 0 : i32
      %dma_wait3A_48 = arith.constant 0 : i32
      %dma_wait3A_49 = tpu.memref_slice %arg6[%dma_wait3A_47, %dma_wait3A_48] : memref<513x128xi32, #tpu.memory_space<vmem>> -> memref<512x128xi32, #tpu.memory_space<vmem>>
      tpu.wait_dma2 semaphore(%run_scoped3A : memref<!tpu.dma_semaphore, #tpu.memory_space<semaphore_mem>>) src(%dma_wait3A_49 : memref<512x128xi32, #tpu.memory_space<vmem>>) dst(%dma_wait3A_46 : memref<512x128xi32, #tpu.memory_space<hbm>>)
      tpu.yield
    }) : () -> ()
    %broadcast_in_dim3A = arith.constant 0 : i32
    %broadcast_in_dim3A_18 = vector.broadcast %broadcast_in_dim3A : i32 to vector<16xi32>
    %add3A_19 = vector.broadcast %scan3A_16 : i32 to vector<16xi32>
    %add3A_20 = arith.addi %broadcast_in_dim3A_18, %add3A_19 : vector<16xi32>
    %swap3A = arith.constant 0 : i32
    %swap3A_21 = arith.index_cast %swap3A : i32 to index
    %swap3A_22 = arith.constant 0 : index
    %swap3A_23 = tpu.vector_load %arg7[%swap3A_21, %swap3A_22] {strides = array<i32>} : memref<8x16xi32, #tpu.memory_space<vmem>>, vector<16xi32>,
    tpu.vector_store %arg7[%swap3A_21, %swap3A_22], %add3A_20 {strides = array<i32>} : memref<8x16xi32, #tpu.memory_space<vmem>>, vector<16xi32>,
    "tpu.region"() ({
      %run_scoped3A = tpu.sem_alloc : memref<!tpu.dma_semaphore, #tpu.memory_space<semaphore_mem>>
      %dma_start3A = arith.constant 0 : i32
      %dma_start3A_24 = arith.constant 0 : i32
      %dma_start3A_25 = tpu.memref_slice %arg4[%add3A, %dma_start3A, %dma_start3A_24] : memref<32x8x16xi32, #tpu.memory_space<hbm>> -> memref<1x8x16xi32, #tpu.memory_space<hbm>>
      %dma_start3A_26 = tpu.memref_squeeze %dma_start3A_25 : memref<1x8x16xi32, #tpu.memory_space<hbm>> -> memref<8x16xi32, #tpu.memory_space<hbm>>
      %dma_start3A_27 = arith.constant 0 : i32
      %dma_start3A_28 = arith.constant 0 : i32
      %dma_start3A_29 = tpu.memref_slice %arg4[%add3A, %dma_start3A_27, %dma_start3A_28] : memref<32x8x16xi32, #tpu.memory_space<hbm>> -> memref<1x8x16xi32, #tpu.memory_space<hbm>>
      %dma_start3A_30 = tpu.memref_squeeze %dma_start3A_29 : memref<1x8x16xi32, #tpu.memory_space<hbm>> -> memref<8x16xi32, #tpu.memory_space<hbm>>
      tpu.enqueue_dma source(%arg7 : memref<8x16xi32, #tpu.memory_space<vmem>>) target(%dma_start3A_30 : memref<8x16xi32, #tpu.memory_space<hbm>>) target_semaphore(%run_scoped3A : memref<!tpu.dma_semaphore, #tpu.memory_space<semaphore_mem>>)
      %dma_wait3A = arith.constant 0 : i32
      %dma_wait3A_31 = arith.constant 0 : i32
      %dma_wait3A_32 = tpu.memref_slice %arg4[%add3A, %dma_wait3A, %dma_wait3A_31] : memref<32x8x16xi32, #tpu.memory_space<hbm>> -> memref<1x8x16xi32, #tpu.memory_space<hbm>>
      %dma_wait3A_33 = tpu.memref_squeeze %dma_wait3A_32 : memref<1x8x16xi32, #tpu.memory_space<hbm>> -> memref<8x16xi32, #tpu.memory_space<hbm>>
      %dma_wait3A_34 = arith.constant 0 : i32
      %dma_wait3A_35 = arith.constant 0 : i32
      %dma_wait3A_36 = tpu.memref_slice %arg4[%add3A, %dma_wait3A_34, %dma_wait3A_35] : memref<32x8x16xi32, #tpu.memory_space<hbm>> -> memref<1x8x16xi32, #tpu.memory_space<hbm>>
      %dma_wait3A_37 = tpu.memref_squeeze %dma_wait3A_36 : memref<1x8x16xi32, #tpu.memory_space<hbm>> -> memref<8x16xi32, #tpu.memory_space<hbm>>
      tpu.wait_dma2 semaphore(%run_scoped3A : memref<!tpu.dma_semaphore, #tpu.memory_space<semaphore_mem>>) src(%arg7 : memref<8x16xi32, #tpu.memory_space<vmem>>) dst(%dma_wait3A_37 : memref<8x16xi32, #tpu.memory_space<hbm>>)
      tpu.yield
    }) : () -> ()
    return
  }
}

module attributes {stable_mosaic.version = 14 : i64} {
  func.func @_mp_body(%arg0: i32, %arg1: memref<32xi32, #tpu.memory_space<smem>>, %arg2: memref<1x512x1xi32, #tpu.memory_space<vmem>>, %arg3: memref<1x512x1xf32, #tpu.memory_space<vmem>>, %arg4: memref<1x4x65536xi32, #tpu.memory_space<vmem>>, %arg5: memref<32x256xf32, #tpu.memory_space<vmem>>, %arg6: memref<4x256x512xf32, #tpu.memory_space<vmem>>, %arg7: memref<4x256x512xf32, #tpu.memory_space<vmem>>, %arg8: memref<4x1x512xf32, #tpu.memory_space<vmem>>, %arg9: memref<4x512x256xf32, #tpu.memory_space<vmem>>, %arg10: memref<4x1x256xf32, #tpu.memory_space<vmem>>, %arg11: memref<4x256x256xf32, #tpu.memory_space<vmem>>, %arg12: memref<4x1x256xf32, #tpu.memory_space<vmem>>, %arg13: memref<4x256x256xf32, #tpu.memory_space<vmem>>, %arg14: memref<4x1x256xf32, #tpu.memory_space<vmem>>, %arg15: memref<1x512x256xf32, #tpu.memory_space<vmem>>) attributes {dimension_semantics = [#tpu.dimension_semantics<arbitrary>], iteration_bounds = array<i64: 8>, scalar_prefetch = 1 : i64, scratch_operands = 0 : i64, tpu.core_type = #tpu.core_type<tc>, window_params = [{transform_indices = @transform_0, window_bounds = array<i64: 1, 512, 1>}, {transform_indices = @transform_1, window_bounds = array<i64: 1, 512, 1>}, {transform_indices = @transform_2, window_bounds = array<i64: 1, 4, 65536>}, {pipeline_mode = #tpu.pipeline_mode<synchronous>, transform_indices = @transform_3, window_bounds = array<i64: 32, 256>}, {pipeline_mode = #tpu.pipeline_mode<synchronous>, transform_indices = @transform_4, window_bounds = array<i64: 4, 256, 512>}, {pipeline_mode = #tpu.pipeline_mode<synchronous>, transform_indices = @transform_5, window_bounds = array<i64: 4, 256, 512>}, {pipeline_mode = #tpu.pipeline_mode<synchronous>, transform_indices = @transform_6, window_bounds = array<i64: 4, 1, 512>}, {pipeline_mode = #tpu.pipeline_mode<synchronous>, transform_indices = @transform_7, window_bounds = array<i64: 4, 512, 256>}, {pipeline_mode = #tpu.pipeline_mode<synchronous>, transform_indices = @transform_8, window_bounds = array<i64: 4, 1, 256>}, {pipeline_mode = #tpu.pipeline_mode<synchronous>, transform_indices = @transform_9, window_bounds = array<i64: 4, 256, 256>}, {pipeline_mode = #tpu.pipeline_mode<synchronous>, transform_indices = @transform_10, window_bounds = array<i64: 4, 1, 256>}, {pipeline_mode = #tpu.pipeline_mode<synchronous>, transform_indices = @transform_11, window_bounds = array<i64: 4, 256, 256>}, {pipeline_mode = #tpu.pipeline_mode<synchronous>, transform_indices = @transform_12, window_bounds = array<i64: 4, 1, 256>}, {transform_indices = @transform_13, window_bounds = array<i64: 1, 512, 256>}]} {
    %get3A = arith.constant 0 : index
    %get3A_0 = arith.constant 0 : index
    %get3A_1 = arith.constant 0 : index
    %get3A_2 = vector.load %arg2[%get3A, %get3A_0, %get3A_1] : memref<1x512x1xi32, #tpu.memory_space<vmem>>, vector<1x512x1xi32>
    %get3A_3 = vector.shape_cast %get3A_2 : vector<1x512x1xi32> to vector<512x1xi32>
    %get3A_4 = arith.constant 0 : index
    %get3A_5 = arith.constant 0 : index
    %get3A_6 = arith.constant 0 : index
    %get3A_7 = vector.load %arg3[%get3A_4, %get3A_5, %get3A_6] : memref<1x512x1xf32, #tpu.memory_space<vmem>>, vector<1x512x1xf32>
    %get3A_8 = vector.shape_cast %get3A_7 : vector<1x512x1xf32> to vector<512x1xf32>
    %iota3A = tpu.iota {dimensions = array<i32: 1>} : vector<512x32xi32>
    %eq3A = vector.broadcast %get3A_3 : vector<512x1xi32> to vector<512x32xi32>
    %eq3A_9 = arith.cmpi eq, %eq3A, %iota3A : vector<512x32xi32>
    %convert_element_type3A = arith.extui %eq3A_9 : vector<512x32xi1> to vector<512x32xi32>
    %convert_element_type3A_10 = arith.sitofp %convert_element_type3A : vector<512x32xi32> to vector<512x32xf32>
    %get3A_11 = arith.constant 0 : index
    %get3A_12 = arith.constant 0 : index
    %get3A_13 = vector.load %arg5[%get3A_11, %get3A_12] : memref<32x256xf32, #tpu.memory_space<vmem>>, vector<32x256xf32>
    %dot_general3A = arith.constant dense<0.000000e+00> : vector<512x256xf32>
    %dot_general3A_14 = tpu.matmul %convert_element_type3A_10, %get3A_13, %dot_general3A {dimension_numbers = #tpu.dot_dimension_numbers<[1], [0], [0], [1], [0, 0, 1, 1], [], []>, transpose_lhs_hint = false} : vector<512x32xf32>, vector<32x256xf32>, vector<512x256xf32> -> vector<512x256xf32>
    %iota3A_15 = tpu.iota {dimensions = array<i32: 1>} : vector<1x1024xi32>
    %iota3A_16 = tpu.iota {dimensions = array<i32: 0>} : vector<128x1024xi32>
    %iota3A_17 = tpu.iota {dimensions = array<i32: 0>} : vector<512x1024xi32>
    %get3A_18 = arith.constant 0 : index
    %get3A_19 = arith.constant 0 : index
    %get3A_20 = arith.constant 0 : index
    %get3A_21 = vector.load %arg6[%get3A_18, %get3A_19, %get3A_20] : memref<4x256x512xf32, #tpu.memory_space<vmem>>, vector<1x256x512xf32>
    %get3A_22 = vector.shape_cast %get3A_21 : vector<1x256x512xf32> to vector<256x512xf32>
    %dot_general3A_23 = arith.constant dense<0.000000e+00> : vector<512x512xf32>
    %dot_general3A_24 = tpu.matmul %dot_general3A_14, %get3A_22, %dot_general3A_23 {dimension_numbers = #tpu.dot_dimension_numbers<[1], [0], [0], [1], [0, 0, 1, 1], [], []>, transpose_lhs_hint = false} : vector<512x256xf32>, vector<256x512xf32>, vector<512x512xf32> -> vector<512x512xf32>
    %get3A_25 = arith.constant 0 : index
    %get3A_26 = arith.constant 0 : index
    %get3A_27 = arith.constant 0 : index
    %get3A_28 = vector.load %arg8[%get3A_25, %get3A_26, %get3A_27] : memref<4x1x512xf32, #tpu.memory_space<vmem>>, vector<1x1x512xf32>
    %get3A_29 = vector.shape_cast %get3A_28 : vector<1x1x512xf32> to vector<1x512xf32>
    %add3A = vector.broadcast %get3A_29 : vector<1x512xf32> to vector<512x512xf32>
    %add3A_30 = arith.addf %dot_general3A_24, %add3A : vector<512x512xf32>
    %get3A_31 = arith.constant 0 : index
    %get3A_32 = arith.constant 0 : index
    %get3A_33 = arith.constant 0 : index
    %get3A_34 = vector.load %arg7[%get3A_31, %get3A_32, %get3A_33] : memref<4x256x512xf32, #tpu.memory_space<vmem>>, vector<1x256x512xf32>
    %get3A_35 = vector.shape_cast %get3A_34 : vector<1x256x512xf32> to vector<256x512xf32>
    %dot_general3A_36 = arith.constant dense<0.000000e+00> : vector<512x512xf32>
    %dot_general3A_37 = tpu.matmul %dot_general3A_14, %get3A_35, %dot_general3A_36 {dimension_numbers = #tpu.dot_dimension_numbers<[1], [0], [0], [1], [0, 0, 1, 1], [], []>, transpose_lhs_hint = false} : vector<512x256xf32>, vector<256x512xf32>, vector<512x512xf32> -> vector<512x512xf32>
    %mul3A = arith.constant 4 : i32
    %mul3A_38 = arith.muli %arg0, %mul3A : i32
    %add3A_39 = arith.constant 0 : i32
    %add3A_40 = arith.addi %mul3A_38, %add3A_39 : i32
    %get3A_41 = arith.index_cast %add3A_40 : i32 to index
    %get3A_42 = memref.load %arg1[%get3A_41] : memref<32xi32, #tpu.memory_space<smem>>
    %slice3A = vector.extract_strided_slice %add3A_30 {offsets = [0, 0], sizes = [128, 512], strides = [1, 1]} : vector<512x512xf32> to vector<128x512xf32>
    %add3A_43 = arith.constant 1023 : i32
    %add3A_44 = arith.addi %get3A_42, %add3A_43 : i32
    %jit3A = arith.constant 1024 : i32
    %div3A = arith.divsi %add3A_44, %jit3A : i32
    %sign3A = arith.constant 0 : i32
    %sign3A_45 = arith.cmpi sgt, %add3A_44, %sign3A : i32
    %sign3A_46 = arith.extui %sign3A_45 : i1 to i32
    %sign3A_47 = arith.constant 0 : i32
    %sign3A_48 = arith.cmpi slt, %add3A_44, %sign3A_47 : i32
    %sign3A_49 = arith.extui %sign3A_48 : i1 to i32
    %sign3A_50 = arith.subi %sign3A_46, %sign3A_49 : i32
    %sign3A_51 = arith.constant 0 : i32
    %sign3A_52 = arith.cmpi sgt, %jit3A, %sign3A_51 : i32
    %sign3A_53 = arith.extui %sign3A_52 : i1 to i32
    %sign3A_54 = arith.constant 0 : i32
    %sign3A_55 = arith.cmpi slt, %jit3A, %sign3A_54 : i32
    %sign3A_56 = arith.extui %sign3A_55 : i1 to i32
    %sign3A_57 = arith.subi %sign3A_53, %sign3A_56 : i32
    %ne3A = arith.cmpi ne, %sign3A_50, %sign3A_57 : i32
    %rem3A = arith.remsi %add3A_44, %jit3A : i32
    %ne3A_58 = arith.constant 0 : i32
    %ne3A_59 = arith.cmpi ne, %rem3A, %ne3A_58 : i32
    %and3A = arith.andi %ne3A, %ne3A_59 : i1
    %sub3A = arith.constant 1 : i32
    %sub3A_60 = arith.subi %div3A, %sub3A : i32
    %select_n3A = arith.select %and3A, %sub3A_60, %div3A : i32
    %broadcast_in_dim3A = arith.constant 0.000000e+00 : f32
    %broadcast_in_dim3A_61 = vector.broadcast %broadcast_in_dim3A : f32 to vector<128x512xf32>
    %while3A = arith.constant 0 : i32
    %while3A_62 = arith.subi %select_n3A, %while3A : i32
    %while3A_63 = arith.addi %while3A, %while3A_62 : i32
    %while3A_64 = arith.constant 1 : i32
    %while3A_65 = arith.divsi %while3A_62, %while3A_64 : i32
    %while3A_66 = arith.muli %while3A_65, %while3A_64 : i32
    %while3A_67 = arith.addi %while3A, %while3A_66 : i32
    %while3A_68 = arith.constant 1 : i32
    %while3A_69 = scf.for %while3A_1132 = %while3A to %while3A_67 step %while3A_68 iter_args(%while3A_1133 = %broadcast_in_dim3A_61) -> (vector<128x512xf32>)  : i32 {
      %mul3A_1134 = arith.constant 1024 : i32
      %mul3A_1135 = arith.muli %while3A_1132, %mul3A_1134 : i32
      %get3A_1136 = arith.constant 0 : index
      %get3A_1137 = arith.constant 0 : index
      %get3A_1138 = arith.index_cast %mul3A_1135 : i32 to index
      %get3A_1139 = vector.load %arg4[%get3A_1136, %get3A_1137, %get3A_1138] : memref<1x4x65536xi32, #tpu.memory_space<vmem>>, vector<1x1x1024xi32>
      %get3A_1140 = vector.shape_cast %get3A_1139 : vector<1x1x1024xi32> to vector<1024xi32>
      %reshape3A = vector.shape_cast %get3A_1140 : vector<1024xi32> to vector<1x1024xi32>
      %shift_right_arithmetic3A = arith.constant 9 : i32
      %shift_right_arithmetic3A_1141 = vector.broadcast %shift_right_arithmetic3A : i32 to vector<1x1024xi32>
      %shift_right_arithmetic3A_1142 = arith.shrsi %reshape3A, %shift_right_arithmetic3A_1141 : vector<1x1024xi32>
      %and3A_1143 = arith.constant 511 : i32
      %and3A_1144 = vector.broadcast %and3A_1143 : i32 to vector<1x1024xi32>
      %and3A_1145 = arith.andi %reshape3A, %and3A_1144 : vector<1x1024xi32>
      %add3A_1146 = vector.broadcast %mul3A_1135 : i32 to vector<1x1024xi32>
      %add3A_1147 = arith.addi %add3A_1146, %iota3A_15 : vector<1x1024xi32>
      %lt3A = vector.broadcast %get3A_42 : i32 to vector<1x1024xi32>
      %lt3A_1148 = arith.cmpi slt, %add3A_1147, %lt3A : vector<1x1024xi32>
      %add3A_1149 = arith.constant 0 : i32
      %add3A_1150 = vector.broadcast %add3A_1149 : i32 to vector<128x1024xi32>
      %add3A_1151 = arith.addi %iota3A_16, %add3A_1150 : vector<128x1024xi32>
      %eq3A_1152 = vector.broadcast %shift_right_arithmetic3A_1142 : vector<1x1024xi32> to vector<128x1024xi32>
      %eq3A_1153 = arith.cmpi eq, %add3A_1151, %eq3A_1152 : vector<128x1024xi32>
      %and3A_1154 = vector.broadcast %lt3A_1148 : vector<1x1024xi1> to vector<128x1024xi1>
      %and3A_1155 = arith.andi %eq3A_1153, %and3A_1154 : vector<128x1024xi1>
      %convert_element_type3A_1156 = arith.extui %and3A_1155 : vector<128x1024xi1> to vector<128x1024xi32>
      %convert_element_type3A_1157 = arith.sitofp %convert_element_type3A_1156 : vector<128x1024xi32> to vector<128x1024xf32>
      %eq3A_1158 = vector.broadcast %and3A_1145 : vector<1x1024xi32> to vector<512x1024xi32>
      %eq3A_1159 = arith.cmpi eq, %iota3A_17, %eq3A_1158 : vector<512x1024xi32>
      %and3A_1160 = vector.broadcast %lt3A_1148 : vector<1x1024xi1> to vector<512x1024xi1>
      %and3A_1161 = arith.andi %eq3A_1159, %and3A_1160 : vector<512x1024xi1>
      %convert_element_type3A_1162 = arith.extui %and3A_1161 : vector<512x1024xi1> to vector<512x1024xi32>
      %convert_element_type3A_1163 = arith.sitofp %convert_element_type3A_1162 : vector<512x1024xi32> to vector<512x1024xf32>
      %dot_general3A_1164 = arith.constant dense<0.000000e+00> : vector<1024x512xf32>
      %dot_general3A_1165 = tpu.matmul %convert_element_type3A_1157, %slice3A, %dot_general3A_1164 {dimension_numbers = #tpu.dot_dimension_numbers<[0], [0], [1], [1], [0, 1, 1, 1], [], []>, transpose_lhs_hint = false} : vector<128x1024xf32>, vector<128x512xf32>, vector<1024x512xf32> -> vector<1024x512xf32>
      %dot_general3A_1166 = arith.constant dense<0.000000e+00> : vector<1024x512xf32>
      %dot_general3A_1167 = tpu.matmul %convert_element_type3A_1163, %dot_general3A_37, %dot_general3A_1166 {dimension_numbers = #tpu.dot_dimension_numbers<[0], [0], [1], [1], [0, 1, 1, 1], [], []>, transpose_lhs_hint = false} : vector<512x1024xf32>, vector<512x512xf32>, vector<1024x512xf32> -> vector<1024x512xf32>
      %add3A_1168 = arith.addf %dot_general3A_1165, %dot_general3A_1167 : vector<1024x512xf32>
      %logistic3A_1169 = arith.negf %add3A_1168 : vector<1024x512xf32>
      %logistic3A_1170 = math.exp %logistic3A_1169 : vector<1024x512xf32>
      %logistic3A_1171 = arith.constant 1.000000e+00 : f32
      %logistic3A_1172 = vector.broadcast %logistic3A_1171 : f32 to vector<1024x512xf32>
      %logistic3A_1173 = arith.addf %logistic3A_1172, %logistic3A_1170 : vector<1024x512xf32>
      %logistic3A_1174 = arith.divf %logistic3A_1172, %logistic3A_1173 : vector<1024x512xf32>
      %mul3A_1175 = arith.mulf %add3A_1168, %logistic3A_1174 : vector<1024x512xf32>
      %dot_general3A_1176 = arith.constant dense<0.000000e+00> : vector<128x512xf32>
      %dot_general3A_1177 = tpu.matmul %convert_element_type3A_1157, %mul3A_1175, %dot_general3A_1176 {dimension_numbers = #tpu.dot_dimension_numbers<[1], [0], [0], [1], [0, 0, 1, 1], [], []>, transpose_lhs_hint = false} : vector<128x1024xf32>, vector<1024x512xf32>, vector<128x512xf32> -> vector<128x512xf32>
      %add3A_1178 = arith.addf %while3A_1133, %dot_general3A_1177 : vector<128x512xf32>
      scf.yield %add3A_1178 : vector<128x512xf32>
    }
    %while3A_70 = arith.constant 1 : i32
    %while3A_71 = scf.for %while3A_1132 = %while3A_67 to %while3A_63 step %while3A_70 iter_args(%while3A_1133 = %while3A_69) -> (vector<128x512xf32>)  : i32 {
      %mul3A_1134 = arith.constant 1024 : i32
      %mul3A_1135 = arith.muli %while3A_1132, %mul3A_1134 : i32
      %get3A_1136 = arith.constant 0 : index
      %get3A_1137 = arith.constant 0 : index
      %get3A_1138 = arith.index_cast %mul3A_1135 : i32 to index
      %get3A_1139 = vector.load %arg4[%get3A_1136, %get3A_1137, %get3A_1138] : memref<1x4x65536xi32, #tpu.memory_space<vmem>>, vector<1x1x1024xi32>
      %get3A_1140 = vector.shape_cast %get3A_1139 : vector<1x1x1024xi32> to vector<1024xi32>
      %reshape3A = vector.shape_cast %get3A_1140 : vector<1024xi32> to vector<1x1024xi32>
      %shift_right_arithmetic3A = arith.constant 9 : i32
      %shift_right_arithmetic3A_1141 = vector.broadcast %shift_right_arithmetic3A : i32 to vector<1x1024xi32>
      %shift_right_arithmetic3A_1142 = arith.shrsi %reshape3A, %shift_right_arithmetic3A_1141 : vector<1x1024xi32>
      %and3A_1143 = arith.constant 511 : i32
      %and3A_1144 = vector.broadcast %and3A_1143 : i32 to vector<1x1024xi32>
      %and3A_1145 = arith.andi %reshape3A, %and3A_1144 : vector<1x1024xi32>
      %add3A_1146 = vector.broadcast %mul3A_1135 : i32 to vector<1x1024xi32>
      %add3A_1147 = arith.addi %add3A_1146, %iota3A_15 : vector<1x1024xi32>
      %lt3A = vector.broadcast %get3A_42 : i32 to vector<1x1024xi32>
      %lt3A_1148 = arith.cmpi slt, %add3A_1147, %lt3A : vector<1x1024xi32>
      %add3A_1149 = arith.constant 0 : i32
      %add3A_1150 = vector.broadcast %add3A_1149 : i32 to vector<128x1024xi32>
      %add3A_1151 = arith.addi %iota3A_16, %add3A_1150 : vector<128x1024xi32>
      %eq3A_1152 = vector.broadcast %shift_right_arithmetic3A_1142 : vector<1x1024xi32> to vector<128x1024xi32>
      %eq3A_1153 = arith.cmpi eq, %add3A_1151, %eq3A_1152 : vector<128x1024xi32>
      %and3A_1154 = vector.broadcast %lt3A_1148 : vector<1x1024xi1> to vector<128x1024xi1>
      %and3A_1155 = arith.andi %eq3A_1153, %and3A_1154 : vector<128x1024xi1>
      %convert_element_type3A_1156 = arith.extui %and3A_1155 : vector<128x1024xi1> to vector<128x1024xi32>
      %convert_element_type3A_1157 = arith.sitofp %convert_element_type3A_1156 : vector<128x1024xi32> to vector<128x1024xf32>
      %eq3A_1158 = vector.broadcast %and3A_1145 : vector<1x1024xi32> to vector<512x1024xi32>
      %eq3A_1159 = arith.cmpi eq, %iota3A_17, %eq3A_1158 : vector<512x1024xi32>
      %and3A_1160 = vector.broadcast %lt3A_1148 : vector<1x1024xi1> to vector<512x1024xi1>
      %and3A_1161 = arith.andi %eq3A_1159, %and3A_1160 : vector<512x1024xi1>
      %convert_element_type3A_1162 = arith.extui %and3A_1161 : vector<512x1024xi1> to vector<512x1024xi32>
      %convert_element_type3A_1163 = arith.sitofp %convert_element_type3A_1162 : vector<512x1024xi32> to vector<512x1024xf32>
      %dot_general3A_1164 = arith.constant dense<0.000000e+00> : vector<1024x512xf32>
      %dot_general3A_1165 = tpu.matmul %convert_element_type3A_1157, %slice3A, %dot_general3A_1164 {dimension_numbers = #tpu.dot_dimension_numbers<[0], [0], [1], [1], [0, 1, 1, 1], [], []>, transpose_lhs_hint = false} : vector<128x1024xf32>, vector<128x512xf32>, vector<1024x512xf32> -> vector<1024x512xf32>
      %dot_general3A_1166 = arith.constant dense<0.000000e+00> : vector<1024x512xf32>
      %dot_general3A_1167 = tpu.matmul %convert_element_type3A_1163, %dot_general3A_37, %dot_general3A_1166 {dimension_numbers = #tpu.dot_dimension_numbers<[0], [0], [1], [1], [0, 1, 1, 1], [], []>, transpose_lhs_hint = false} : vector<512x1024xf32>, vector<512x512xf32>, vector<1024x512xf32> -> vector<1024x512xf32>
      %add3A_1168 = arith.addf %dot_general3A_1165, %dot_general3A_1167 : vector<1024x512xf32>
      %logistic3A_1169 = arith.negf %add3A_1168 : vector<1024x512xf32>
      %logistic3A_1170 = math.exp %logistic3A_1169 : vector<1024x512xf32>
      %logistic3A_1171 = arith.constant 1.000000e+00 : f32
      %logistic3A_1172 = vector.broadcast %logistic3A_1171 : f32 to vector<1024x512xf32>
      %logistic3A_1173 = arith.addf %logistic3A_1172, %logistic3A_1170 : vector<1024x512xf32>
      %logistic3A_1174 = arith.divf %logistic3A_1172, %logistic3A_1173 : vector<1024x512xf32>
      %mul3A_1175 = arith.mulf %add3A_1168, %logistic3A_1174 : vector<1024x512xf32>
      %dot_general3A_1176 = arith.constant dense<0.000000e+00> : vector<128x512xf32>
      %dot_general3A_1177 = tpu.matmul %convert_element_type3A_1157, %mul3A_1175, %dot_general3A_1176 {dimension_numbers = #tpu.dot_dimension_numbers<[1], [0], [0], [1], [0, 0, 1, 1], [], []>, transpose_lhs_hint = false} : vector<128x1024xf32>, vector<1024x512xf32>, vector<128x512xf32> -> vector<128x512xf32>
      %add3A_1178 = arith.addf %while3A_1133, %dot_general3A_1177 : vector<128x512xf32>
      scf.yield %add3A_1178 : vector<128x512xf32>
    }
    %get3A_72 = arith.constant 0 : index
    %get3A_73 = arith.constant 0 : index
    %get3A_74 = arith.constant 0 : index
    %get3A_75 = vector.load %arg9[%get3A_72, %get3A_73, %get3A_74] : memref<4x512x256xf32, #tpu.memory_space<vmem>>, vector<1x512x256xf32>
    %get3A_76 = vector.shape_cast %get3A_75 : vector<1x512x256xf32> to vector<512x256xf32>
    %dot_general3A_77 = arith.constant dense<0.000000e+00> : vector<128x256xf32>
    %dot_general3A_78 = tpu.matmul %while3A_71, %get3A_76, %dot_general3A_77 {dimension_numbers = #tpu.dot_dimension_numbers<[1], [0], [0], [1], [0, 0, 1, 1], [], []>, transpose_lhs_hint = false} : vector<128x512xf32>, vector<512x256xf32>, vector<128x256xf32> -> vector<128x256xf32>
    %mul3A_79 = arith.constant 4 : i32
    %mul3A_80 = arith.muli %arg0, %mul3A_79 : i32
    %add3A_81 = arith.constant 1 : i32
    %add3A_82 = arith.addi %mul3A_80, %add3A_81 : i32
    %get3A_83 = arith.index_cast %add3A_82 : i32 to index
    %get3A_84 = memref.load %arg1[%get3A_83] : memref<32xi32, #tpu.memory_space<smem>>
    %slice3A_85 = vector.extract_strided_slice %add3A_30 {offsets = [128, 0], sizes = [128, 512], strides = [1, 1]} : vector<512x512xf32> to vector<128x512xf32>
    %add3A_86 = arith.constant 1023 : i32
    %add3A_87 = arith.addi %get3A_84, %add3A_86 : i32
    %jit3A_88 = arith.constant 1024 : i32
    %div3A_89 = arith.divsi %add3A_87, %jit3A_88 : i32
    %sign3A_90 = arith.constant 0 : i32
    %sign3A_91 = arith.cmpi sgt, %add3A_87, %sign3A_90 : i32
    %sign3A_92 = arith.extui %sign3A_91 : i1 to i32
    %sign3A_93 = arith.constant 0 : i32
    %sign3A_94 = arith.cmpi slt, %add3A_87, %sign3A_93 : i32
    %sign3A_95 = arith.extui %sign3A_94 : i1 to i32
    %sign3A_96 = arith.subi %sign3A_92, %sign3A_95 : i32
    %sign3A_97 = arith.constant 0 : i32
    %sign3A_98 = arith.cmpi sgt, %jit3A_88, %sign3A_97 : i32
    %sign3A_99 = arith.extui %sign3A_98 : i1 to i32
    %sign3A_100 = arith.constant 0 : i32
    %sign3A_101 = arith.cmpi slt, %jit3A_88, %sign3A_100 : i32
    %sign3A_102 = arith.extui %sign3A_101 : i1 to i32
    %sign3A_103 = arith.subi %sign3A_99, %sign3A_102 : i32
    %ne3A_104 = arith.cmpi ne, %sign3A_96, %sign3A_103 : i32
    %rem3A_105 = arith.remsi %add3A_87, %jit3A_88 : i32
    %ne3A_106 = arith.constant 0 : i32
    %ne3A_107 = arith.cmpi ne, %rem3A_105, %ne3A_106 : i32
    %and3A_108 = arith.andi %ne3A_104, %ne3A_107 : i1
    %sub3A_109 = arith.constant 1 : i32
    %sub3A_110 = arith.subi %div3A_89, %sub3A_109 : i32
    %select_n3A_111 = arith.select %and3A_108, %sub3A_110, %div3A_89 : i32
    %broadcast_in_dim3A_112 = arith.constant 0.000000e+00 : f32
    %broadcast_in_dim3A_113 = vector.broadcast %broadcast_in_dim3A_112 : f32 to vector<128x512xf32>
    %while3A_114 = arith.constant 0 : i32
    %while3A_115 = arith.subi %select_n3A_111, %while3A_114 : i32
    %while3A_116 = arith.addi %while3A_114, %while3A_115 : i32
    %while3A_117 = arith.constant 1 : i32
    %while3A_118 = arith.divsi %while3A_115, %while3A_117 : i32
    %while3A_119 = arith.muli %while3A_118, %while3A_117 : i32
    %while3A_120 = arith.addi %while3A_114, %while3A_119 : i32
    %while3A_121 = arith.constant 1 : i32
    %while3A_122 = scf.for %while3A_1132 = %while3A_114 to %while3A_120 step %while3A_121 iter_args(%while3A_1133 = %broadcast_in_dim3A_113) -> (vector<128x512xf32>)  : i32 {
      %mul3A_1134 = arith.constant 1024 : i32
      %mul3A_1135 = arith.muli %while3A_1132, %mul3A_1134 : i32
      %get3A_1136 = arith.constant 0 : index
      %get3A_1137 = arith.constant 1 : index
      %get3A_1138 = arith.index_cast %mul3A_1135 : i32 to index
      %get3A_1139 = vector.load %arg4[%get3A_1136, %get3A_1137, %get3A_1138] : memref<1x4x65536xi32, #tpu.memory_space<vmem>>, vector<1x1x1024xi32>
      %get3A_1140 = vector.shape_cast %get3A_1139 : vector<1x1x1024xi32> to vector<1024xi32>
      %reshape3A = vector.shape_cast %get3A_1140 : vector<1024xi32> to vector<1x1024xi32>
      %shift_right_arithmetic3A = arith.constant 9 : i32
      %shift_right_arithmetic3A_1141 = vector.broadcast %shift_right_arithmetic3A : i32 to vector<1x1024xi32>
      %shift_right_arithmetic3A_1142 = arith.shrsi %reshape3A, %shift_right_arithmetic3A_1141 : vector<1x1024xi32>
      %and3A_1143 = arith.constant 511 : i32
      %and3A_1144 = vector.broadcast %and3A_1143 : i32 to vector<1x1024xi32>
      %and3A_1145 = arith.andi %reshape3A, %and3A_1144 : vector<1x1024xi32>
      %add3A_1146 = vector.broadcast %mul3A_1135 : i32 to vector<1x1024xi32>
      %add3A_1147 = arith.addi %add3A_1146, %iota3A_15 : vector<1x1024xi32>
      %lt3A = vector.broadcast %get3A_84 : i32 to vector<1x1024xi32>
      %lt3A_1148 = arith.cmpi slt, %add3A_1147, %lt3A : vector<1x1024xi32>
      %add3A_1149 = arith.constant 128 : i32
      %add3A_1150 = vector.broadcast %add3A_1149 : i32 to vector<128x1024xi32>
      %add3A_1151 = arith.addi %iota3A_16, %add3A_1150 : vector<128x1024xi32>
      %eq3A_1152 = vector.broadcast %shift_right_arithmetic3A_1142 : vector<1x1024xi32> to vector<128x1024xi32>
      %eq3A_1153 = arith.cmpi eq, %add3A_1151, %eq3A_1152 : vector<128x1024xi32>
      %and3A_1154 = vector.broadcast %lt3A_1148 : vector<1x1024xi1> to vector<128x1024xi1>
      %and3A_1155 = arith.andi %eq3A_1153, %and3A_1154 : vector<128x1024xi1>
      %convert_element_type3A_1156 = arith.extui %and3A_1155 : vector<128x1024xi1> to vector<128x1024xi32>
      %convert_element_type3A_1157 = arith.sitofp %convert_element_type3A_1156 : vector<128x1024xi32> to vector<128x1024xf32>
      %eq3A_1158 = vector.broadcast %and3A_1145 : vector<1x1024xi32> to vector<512x1024xi32>
      %eq3A_1159 = arith.cmpi eq, %iota3A_17, %eq3A_1158 : vector<512x1024xi32>
      %and3A_1160 = vector.broadcast %lt3A_1148 : vector<1x1024xi1> to vector<512x1024xi1>
      %and3A_1161 = arith.andi %eq3A_1159, %and3A_1160 : vector<512x1024xi1>
      %convert_element_type3A_1162 = arith.extui %and3A_1161 : vector<512x1024xi1> to vector<512x1024xi32>
      %convert_element_type3A_1163 = arith.sitofp %convert_element_type3A_1162 : vector<512x1024xi32> to vector<512x1024xf32>
      %dot_general3A_1164 = arith.constant dense<0.000000e+00> : vector<1024x512xf32>
      %dot_general3A_1165 = tpu.matmul %convert_element_type3A_1157, %slice3A_85, %dot_general3A_1164 {dimension_numbers = #tpu.dot_dimension_numbers<[0], [0], [1], [1], [0, 1, 1, 1], [], []>, transpose_lhs_hint = false} : vector<128x1024xf32>, vector<128x512xf32>, vector<1024x512xf32> -> vector<1024x512xf32>
      %dot_general3A_1166 = arith.constant dense<0.000000e+00> : vector<1024x512xf32>
      %dot_general3A_1167 = tpu.matmul %convert_element_type3A_1163, %dot_general3A_37, %dot_general3A_1166 {dimension_numbers = #tpu.dot_dimension_numbers<[0], [0], [1], [1], [0, 1, 1, 1], [], []>, transpose_lhs_hint = false} : vector<512x1024xf32>, vector<512x512xf32>, vector<1024x512xf32> -> vector<1024x512xf32>
      %add3A_1168 = arith.addf %dot_general3A_1165, %dot_general3A_1167 : vector<1024x512xf32>
      %logistic3A_1169 = arith.negf %add3A_1168 : vector<1024x512xf32>
      %logistic3A_1170 = math.exp %logistic3A_1169 : vector<1024x512xf32>
      %logistic3A_1171 = arith.constant 1.000000e+00 : f32
      %logistic3A_1172 = vector.broadcast %logistic3A_1171 : f32 to vector<1024x512xf32>
      %logistic3A_1173 = arith.addf %logistic3A_1172, %logistic3A_1170 : vector<1024x512xf32>
      %logistic3A_1174 = arith.divf %logistic3A_1172, %logistic3A_1173 : vector<1024x512xf32>
      %mul3A_1175 = arith.mulf %add3A_1168, %logistic3A_1174 : vector<1024x512xf32>
      %dot_general3A_1176 = arith.constant dense<0.000000e+00> : vector<128x512xf32>
      %dot_general3A_1177 = tpu.matmul %convert_element_type3A_1157, %mul3A_1175, %dot_general3A_1176 {dimension_numbers = #tpu.dot_dimension_numbers<[1], [0], [0], [1], [0, 0, 1, 1], [], []>, transpose_lhs_hint = false} : vector<128x1024xf32>, vector<1024x512xf32>, vector<128x512xf32> -> vector<128x512xf32>
      %add3A_1178 = arith.addf %while3A_1133, %dot_general3A_1177 : vector<128x512xf32>
      scf.yield %add3A_1178 : vector<128x512xf32>
    }
    %while3A_123 = arith.constant 1 : i32
    %while3A_124 = scf.for %while3A_1132 = %while3A_120 to %while3A_116 step %while3A_123 iter_args(%while3A_1133 = %while3A_122) -> (vector<128x512xf32>)  : i32 {
      %mul3A_1134 = arith.constant 1024 : i32
      %mul3A_1135 = arith.muli %while3A_1132, %mul3A_1134 : i32
      %get3A_1136 = arith.constant 0 : index
      %get3A_1137 = arith.constant 1 : index
      %get3A_1138 = arith.index_cast %mul3A_1135 : i32 to index
      %get3A_1139 = vector.load %arg4[%get3A_1136, %get3A_1137, %get3A_1138] : memref<1x4x65536xi32, #tpu.memory_space<vmem>>, vector<1x1x1024xi32>
      %get3A_1140 = vector.shape_cast %get3A_1139 : vector<1x1x1024xi32> to vector<1024xi32>
      %reshape3A = vector.shape_cast %get3A_1140 : vector<1024xi32> to vector<1x1024xi32>
      %shift_right_arithmetic3A = arith.constant 9 : i32
      %shift_right_arithmetic3A_1141 = vector.broadcast %shift_right_arithmetic3A : i32 to vector<1x1024xi32>
      %shift_right_arithmetic3A_1142 = arith.shrsi %reshape3A, %shift_right_arithmetic3A_1141 : vector<1x1024xi32>
      %and3A_1143 = arith.constant 511 : i32
      %and3A_1144 = vector.broadcast %and3A_1143 : i32 to vector<1x1024xi32>
      %and3A_1145 = arith.andi %reshape3A, %and3A_1144 : vector<1x1024xi32>
      %add3A_1146 = vector.broadcast %mul3A_1135 : i32 to vector<1x1024xi32>
      %add3A_1147 = arith.addi %add3A_1146, %iota3A_15 : vector<1x1024xi32>
      %lt3A = vector.broadcast %get3A_84 : i32 to vector<1x1024xi32>
      %lt3A_1148 = arith.cmpi slt, %add3A_1147, %lt3A : vector<1x1024xi32>
      %add3A_1149 = arith.constant 128 : i32
      %add3A_1150 = vector.broadcast %add3A_1149 : i32 to vector<128x1024xi32>
      %add3A_1151 = arith.addi %iota3A_16, %add3A_1150 : vector<128x1024xi32>
      %eq3A_1152 = vector.broadcast %shift_right_arithmetic3A_1142 : vector<1x1024xi32> to vector<128x1024xi32>
      %eq3A_1153 = arith.cmpi eq, %add3A_1151, %eq3A_1152 : vector<128x1024xi32>
      %and3A_1154 = vector.broadcast %lt3A_1148 : vector<1x1024xi1> to vector<128x1024xi1>
      %and3A_1155 = arith.andi %eq3A_1153, %and3A_1154 : vector<128x1024xi1>
      %convert_element_type3A_1156 = arith.extui %and3A_1155 : vector<128x1024xi1> to vector<128x1024xi32>
      %convert_element_type3A_1157 = arith.sitofp %convert_element_type3A_1156 : vector<128x1024xi32> to vector<128x1024xf32>
      %eq3A_1158 = vector.broadcast %and3A_1145 : vector<1x1024xi32> to vector<512x1024xi32>
      %eq3A_1159 = arith.cmpi eq, %iota3A_17, %eq3A_1158 : vector<512x1024xi32>
      %and3A_1160 = vector.broadcast %lt3A_1148 : vector<1x1024xi1> to vector<512x1024xi1>
      %and3A_1161 = arith.andi %eq3A_1159, %and3A_1160 : vector<512x1024xi1>
      %convert_element_type3A_1162 = arith.extui %and3A_1161 : vector<512x1024xi1> to vector<512x1024xi32>
      %convert_element_type3A_1163 = arith.sitofp %convert_element_type3A_1162 : vector<512x1024xi32> to vector<512x1024xf32>
      %dot_general3A_1164 = arith.constant dense<0.000000e+00> : vector<1024x512xf32>
      %dot_general3A_1165 = tpu.matmul %convert_element_type3A_1157, %slice3A_85, %dot_general3A_1164 {dimension_numbers = #tpu.dot_dimension_numbers<[0], [0], [1], [1], [0, 1, 1, 1], [], []>, transpose_lhs_hint = false} : vector<128x1024xf32>, vector<128x512xf32>, vector<1024x512xf32> -> vector<1024x512xf32>
      %dot_general3A_1166 = arith.constant dense<0.000000e+00> : vector<1024x512xf32>
      %dot_general3A_1167 = tpu.matmul %convert_element_type3A_1163, %dot_general3A_37, %dot_general3A_1166 {dimension_numbers = #tpu.dot_dimension_numbers<[0], [0], [1], [1], [0, 1, 1, 1], [], []>, transpose_lhs_hint = false} : vector<512x1024xf32>, vector<512x512xf32>, vector<1024x512xf32> -> vector<1024x512xf32>
      %add3A_1168 = arith.addf %dot_general3A_1165, %dot_general3A_1167 : vector<1024x512xf32>
      %logistic3A_1169 = arith.negf %add3A_1168 : vector<1024x512xf32>
      %logistic3A_1170 = math.exp %logistic3A_1169 : vector<1024x512xf32>
      %logistic3A_1171 = arith.constant 1.000000e+00 : f32
      %logistic3A_1172 = vector.broadcast %logistic3A_1171 : f32 to vector<1024x512xf32>
      %logistic3A_1173 = arith.addf %logistic3A_1172, %logistic3A_1170 : vector<1024x512xf32>
      %logistic3A_1174 = arith.divf %logistic3A_1172, %logistic3A_1173 : vector<1024x512xf32>
      %mul3A_1175 = arith.mulf %add3A_1168, %logistic3A_1174 : vector<1024x512xf32>
      %dot_general3A_1176 = arith.constant dense<0.000000e+00> : vector<128x512xf32>
      %dot_general3A_1177 = tpu.matmul %convert_element_type3A_1157, %mul3A_1175, %dot_general3A_1176 {dimension_numbers = #tpu.dot_dimension_numbers<[1], [0], [0], [1], [0, 0, 1, 1], [], []>, transpose_lhs_hint = false} : vector<128x1024xf32>, vector<1024x512xf32>, vector<128x512xf32> -> vector<128x512xf32>
      %add3A_1178 = arith.addf %while3A_1133, %dot_general3A_1177 : vector<128x512xf32>
      scf.yield %add3A_1178 : vector<128x512xf32>
    }
    %get3A_125 = arith.constant 0 : index
    %get3A_126 = arith.constant 0 : index
    %get3A_127 = arith.constant 0 : index
    %get3A_128 = vector.load %arg9[%get3A_125, %get3A_126, %get3A_127] : memref<4x512x256xf32, #tpu.memory_space<vmem>>, vector<1x512x256xf32>
    %get3A_129 = vector.shape_cast %get3A_128 : vector<1x512x256xf32> to vector<512x256xf32>
    %dot_general3A_130 = arith.constant dense<0.000000e+00> : vector<128x256xf32>
    %dot_general3A_131 = tpu.matmul %while3A_124, %get3A_129, %dot_general3A_130 {dimension_numbers = #tpu.dot_dimension_numbers<[1], [0], [0], [1], [0, 0, 1, 1], [], []>, transpose_lhs_hint = false} : vector<128x512xf32>, vector<512x256xf32>, vector<128x256xf32> -> vector<128x256xf32>
    %mul3A_132 = arith.constant 4 : i32
    %mul3A_133 = arith.muli %arg0, %mul3A_132 : i32
    %add3A_134 = arith.constant 2 : i32
    %add3A_135 = arith.addi %mul3A_133, %add3A_134 : i32
    %get3A_136 = arith.index_cast %add3A_135 : i32 to index
    %get3A_137 = memref.load %arg1[%get3A_136] : memref<32xi32, #tpu.memory_space<smem>>
    %slice3A_138 = vector.extract_strided_slice %add3A_30 {offsets = [256, 0], sizes = [128, 512], strides = [1, 1]} : vector<512x512xf32> to vector<128x512xf32>
    %add3A_139 = arith.constant 1023 : i32
    %add3A_140 = arith.addi %get3A_137, %add3A_139 : i32
    %jit3A_141 = arith.constant 1024 : i32
    %div3A_142 = arith.divsi %add3A_140, %jit3A_141 : i32
    %sign3A_143 = arith.constant 0 : i32
    %sign3A_144 = arith.cmpi sgt, %add3A_140, %sign3A_143 : i32
    %sign3A_145 = arith.extui %sign3A_144 : i1 to i32
    %sign3A_146 = arith.constant 0 : i32
    %sign3A_147 = arith.cmpi slt, %add3A_140, %sign3A_146 : i32
    %sign3A_148 = arith.extui %sign3A_147 : i1 to i32
    %sign3A_149 = arith.subi %sign3A_145, %sign3A_148 : i32
    %sign3A_150 = arith.constant 0 : i32
    %sign3A_151 = arith.cmpi sgt, %jit3A_141, %sign3A_150 : i32
    %sign3A_152 = arith.extui %sign3A_151 : i1 to i32
    %sign3A_153 = arith.constant 0 : i32
    %sign3A_154 = arith.cmpi slt, %jit3A_141, %sign3A_153 : i32
    %sign3A_155 = arith.extui %sign3A_154 : i1 to i32
    %sign3A_156 = arith.subi %sign3A_152, %sign3A_155 : i32
    %ne3A_157 = arith.cmpi ne, %sign3A_149, %sign3A_156 : i32
    %rem3A_158 = arith.remsi %add3A_140, %jit3A_141 : i32
    %ne3A_159 = arith.constant 0 : i32
    %ne3A_160 = arith.cmpi ne, %rem3A_158, %ne3A_159 : i32
    %and3A_161 = arith.andi %ne3A_157, %ne3A_160 : i1
    %sub3A_162 = arith.constant 1 : i32
    %sub3A_163 = arith.subi %div3A_142, %sub3A_162 : i32
    %select_n3A_164 = arith.select %and3A_161, %sub3A_163, %div3A_142 : i32
    %broadcast_in_dim3A_165 = arith.constant 0.000000e+00 : f32
    %broadcast_in_dim3A_166 = vector.broadcast %broadcast_in_dim3A_165 : f32 to vector<128x512xf32>
    %while3A_167 = arith.constant 0 : i32
    %while3A_168 = arith.subi %select_n3A_164, %while3A_167 : i32
    %while3A_169 = arith.addi %while3A_167, %while3A_168 : i32
    %while3A_170 = arith.constant 1 : i32
    %while3A_171 = arith.divsi %while3A_168, %while3A_170 : i32
    %while3A_172 = arith.muli %while3A_171, %while3A_170 : i32
    %while3A_173 = arith.addi %while3A_167, %while3A_172 : i32
    %while3A_174 = arith.constant 1 : i32
    %while3A_175 = scf.for %while3A_1132 = %while3A_167 to %while3A_173 step %while3A_174 iter_args(%while3A_1133 = %broadcast_in_dim3A_166) -> (vector<128x512xf32>)  : i32 {
      %mul3A_1134 = arith.constant 1024 : i32
      %mul3A_1135 = arith.muli %while3A_1132, %mul3A_1134 : i32
      %get3A_1136 = arith.constant 0 : index
      %get3A_1137 = arith.constant 2 : index
      %get3A_1138 = arith.index_cast %mul3A_1135 : i32 to index
      %get3A_1139 = vector.load %arg4[%get3A_1136, %get3A_1137, %get3A_1138] : memref<1x4x65536xi32, #tpu.memory_space<vmem>>, vector<1x1x1024xi32>
      %get3A_1140 = vector.shape_cast %get3A_1139 : vector<1x1x1024xi32> to vector<1024xi32>
      %reshape3A = vector.shape_cast %get3A_1140 : vector<1024xi32> to vector<1x1024xi32>
      %shift_right_arithmetic3A = arith.constant 9 : i32
      %shift_right_arithmetic3A_1141 = vector.broadcast %shift_right_arithmetic3A : i32 to vector<1x1024xi32>
      %shift_right_arithmetic3A_1142 = arith.shrsi %reshape3A, %shift_right_arithmetic3A_1141 : vector<1x1024xi32>
      %and3A_1143 = arith.constant 511 : i32
      %and3A_1144 = vector.broadcast %and3A_1143 : i32 to vector<1x1024xi32>
      %and3A_1145 = arith.andi %reshape3A, %and3A_1144 : vector<1x1024xi32>
      %add3A_1146 = vector.broadcast %mul3A_1135 : i32 to vector<1x1024xi32>
      %add3A_1147 = arith.addi %add3A_1146, %iota3A_15 : vector<1x1024xi32>
      %lt3A = vector.broadcast %get3A_137 : i32 to vector<1x1024xi32>
      %lt3A_1148 = arith.cmpi slt, %add3A_1147, %lt3A : vector<1x1024xi32>
      %add3A_1149 = arith.constant 256 : i32
      %add3A_1150 = vector.broadcast %add3A_1149 : i32 to vector<128x1024xi32>
      %add3A_1151 = arith.addi %iota3A_16, %add3A_1150 : vector<128x1024xi32>
      %eq3A_1152 = vector.broadcast %shift_right_arithmetic3A_1142 : vector<1x1024xi32> to vector<128x1024xi32>
      %eq3A_1153 = arith.cmpi eq, %add3A_1151, %eq3A_1152 : vector<128x1024xi32>
      %and3A_1154 = vector.broadcast %lt3A_1148 : vector<1x1024xi1> to vector<128x1024xi1>
      %and3A_1155 = arith.andi %eq3A_1153, %and3A_1154 : vector<128x1024xi1>
      %convert_element_type3A_1156 = arith.extui %and3A_1155 : vector<128x1024xi1> to vector<128x1024xi32>
      %convert_element_type3A_1157 = arith.sitofp %convert_element_type3A_1156 : vector<128x1024xi32> to vector<128x1024xf32>
      %eq3A_1158 = vector.broadcast %and3A_1145 : vector<1x1024xi32> to vector<512x1024xi32>
      %eq3A_1159 = arith.cmpi eq, %iota3A_17, %eq3A_1158 : vector<512x1024xi32>
      %and3A_1160 = vector.broadcast %lt3A_1148 : vector<1x1024xi1> to vector<512x1024xi1>
      %and3A_1161 = arith.andi %eq3A_1159, %and3A_1160 : vector<512x1024xi1>
      %convert_element_type3A_1162 = arith.extui %and3A_1161 : vector<512x1024xi1> to vector<512x1024xi32>
      %convert_element_type3A_1163 = arith.sitofp %convert_element_type3A_1162 : vector<512x1024xi32> to vector<512x1024xf32>
      %dot_general3A_1164 = arith.constant dense<0.000000e+00> : vector<1024x512xf32>
      %dot_general3A_1165 = tpu.matmul %convert_element_type3A_1157, %slice3A_138, %dot_general3A_1164 {dimension_numbers = #tpu.dot_dimension_numbers<[0], [0], [1], [1], [0, 1, 1, 1], [], []>, transpose_lhs_hint = false} : vector<128x1024xf32>, vector<128x512xf32>, vector<1024x512xf32> -> vector<1024x512xf32>
      %dot_general3A_1166 = arith.constant dense<0.000000e+00> : vector<1024x512xf32>
      %dot_general3A_1167 = tpu.matmul %convert_element_type3A_1163, %dot_general3A_37, %dot_general3A_1166 {dimension_numbers = #tpu.dot_dimension_numbers<[0], [0], [1], [1], [0, 1, 1, 1], [], []>, transpose_lhs_hint = false} : vector<512x1024xf32>, vector<512x512xf32>, vector<1024x512xf32> -> vector<1024x512xf32>
      %add3A_1168 = arith.addf %dot_general3A_1165, %dot_general3A_1167 : vector<1024x512xf32>
      %logistic3A_1169 = arith.negf %add3A_1168 : vector<1024x512xf32>
      %logistic3A_1170 = math.exp %logistic3A_1169 : vector<1024x512xf32>
      %logistic3A_1171 = arith.constant 1.000000e+00 : f32
      %logistic3A_1172 = vector.broadcast %logistic3A_1171 : f32 to vector<1024x512xf32>
      %logistic3A_1173 = arith.addf %logistic3A_1172, %logistic3A_1170 : vector<1024x512xf32>
      %logistic3A_1174 = arith.divf %logistic3A_1172, %logistic3A_1173 : vector<1024x512xf32>
      %mul3A_1175 = arith.mulf %add3A_1168, %logistic3A_1174 : vector<1024x512xf32>
      %dot_general3A_1176 = arith.constant dense<0.000000e+00> : vector<128x512xf32>
      %dot_general3A_1177 = tpu.matmul %convert_element_type3A_1157, %mul3A_1175, %dot_general3A_1176 {dimension_numbers = #tpu.dot_dimension_numbers<[1], [0], [0], [1], [0, 0, 1, 1], [], []>, transpose_lhs_hint = false} : vector<128x1024xf32>, vector<1024x512xf32>, vector<128x512xf32> -> vector<128x512xf32>
      %add3A_1178 = arith.addf %while3A_1133, %dot_general3A_1177 : vector<128x512xf32>
      scf.yield %add3A_1178 : vector<128x512xf32>
    }
    %while3A_176 = arith.constant 1 : i32
    %while3A_177 = scf.for %while3A_1132 = %while3A_173 to %while3A_169 step %while3A_176 iter_args(%while3A_1133 = %while3A_175) -> (vector<128x512xf32>)  : i32 {
      %mul3A_1134 = arith.constant 1024 : i32
      %mul3A_1135 = arith.muli %while3A_1132, %mul3A_1134 : i32
      %get3A_1136 = arith.constant 0 : index
      %get3A_1137 = arith.constant 2 : index
      %get3A_1138 = arith.index_cast %mul3A_1135 : i32 to index
      %get3A_1139 = vector.load %arg4[%get3A_1136, %get3A_1137, %get3A_1138] : memref<1x4x65536xi32, #tpu.memory_space<vmem>>, vector<1x1x1024xi32>
      %get3A_1140 = vector.shape_cast %get3A_1139 : vector<1x1x1024xi32> to vector<1024xi32>
      %reshape3A = vector.shape_cast %get3A_1140 : vector<1024xi32> to vector<1x1024xi32>
      %shift_right_arithmetic3A = arith.constant 9 : i32
      %shift_right_arithmetic3A_1141 = vector.broadcast %shift_right_arithmetic3A : i32 to vector<1x1024xi32>
      %shift_right_arithmetic3A_1142 = arith.shrsi %reshape3A, %shift_right_arithmetic3A_1141 : vector<1x1024xi32>
      %and3A_1143 = arith.constant 511 : i32
      %and3A_1144 = vector.broadcast %and3A_1143 : i32 to vector<1x1024xi32>
      %and3A_1145 = arith.andi %reshape3A, %and3A_1144 : vector<1x1024xi32>
      %add3A_1146 = vector.broadcast %mul3A_1135 : i32 to vector<1x1024xi32>
      %add3A_1147 = arith.addi %add3A_1146, %iota3A_15 : vector<1x1024xi32>
      %lt3A = vector.broadcast %get3A_137 : i32 to vector<1x1024xi32>
      %lt3A_1148 = arith.cmpi slt, %add3A_1147, %lt3A : vector<1x1024xi32>
      %add3A_1149 = arith.constant 256 : i32
      %add3A_1150 = vector.broadcast %add3A_1149 : i32 to vector<128x1024xi32>
      %add3A_1151 = arith.addi %iota3A_16, %add3A_1150 : vector<128x1024xi32>
      %eq3A_1152 = vector.broadcast %shift_right_arithmetic3A_1142 : vector<1x1024xi32> to vector<128x1024xi32>
      %eq3A_1153 = arith.cmpi eq, %add3A_1151, %eq3A_1152 : vector<128x1024xi32>
      %and3A_1154 = vector.broadcast %lt3A_1148 : vector<1x1024xi1> to vector<128x1024xi1>
      %and3A_1155 = arith.andi %eq3A_1153, %and3A_1154 : vector<128x1024xi1>
      %convert_element_type3A_1156 = arith.extui %and3A_1155 : vector<128x1024xi1> to vector<128x1024xi32>
      %convert_element_type3A_1157 = arith.sitofp %convert_element_type3A_1156 : vector<128x1024xi32> to vector<128x1024xf32>
      %eq3A_1158 = vector.broadcast %and3A_1145 : vector<1x1024xi32> to vector<512x1024xi32>
      %eq3A_1159 = arith.cmpi eq, %iota3A_17, %eq3A_1158 : vector<512x1024xi32>
      %and3A_1160 = vector.broadcast %lt3A_1148 : vector<1x1024xi1> to vector<512x1024xi1>
      %and3A_1161 = arith.andi %eq3A_1159, %and3A_1160 : vector<512x1024xi1>
      %convert_element_type3A_1162 = arith.extui %and3A_1161 : vector<512x1024xi1> to vector<512x1024xi32>
      %convert_element_type3A_1163 = arith.sitofp %convert_element_type3A_1162 : vector<512x1024xi32> to vector<512x1024xf32>
      %dot_general3A_1164 = arith.constant dense<0.000000e+00> : vector<1024x512xf32>
      %dot_general3A_1165 = tpu.matmul %convert_element_type3A_1157, %slice3A_138, %dot_general3A_1164 {dimension_numbers = #tpu.dot_dimension_numbers<[0], [0], [1], [1], [0, 1, 1, 1], [], []>, transpose_lhs_hint = false} : vector<128x1024xf32>, vector<128x512xf32>, vector<1024x512xf32> -> vector<1024x512xf32>
      %dot_general3A_1166 = arith.constant dense<0.000000e+00> : vector<1024x512xf32>
      %dot_general3A_1167 = tpu.matmul %convert_element_type3A_1163, %dot_general3A_37, %dot_general3A_1166 {dimension_numbers = #tpu.dot_dimension_numbers<[0], [0], [1], [1], [0, 1, 1, 1], [], []>, transpose_lhs_hint = false} : vector<512x1024xf32>, vector<512x512xf32>, vector<1024x512xf32> -> vector<1024x512xf32>
      %add3A_1168 = arith.addf %dot_general3A_1165, %dot_general3A_1167 : vector<1024x512xf32>
      %logistic3A_1169 = arith.negf %add3A_1168 : vector<1024x512xf32>
      %logistic3A_1170 = math.exp %logistic3A_1169 : vector<1024x512xf32>
      %logistic3A_1171 = arith.constant 1.000000e+00 : f32
      %logistic3A_1172 = vector.broadcast %logistic3A_1171 : f32 to vector<1024x512xf32>
      %logistic3A_1173 = arith.addf %logistic3A_1172, %logistic3A_1170 : vector<1024x512xf32>
      %logistic3A_1174 = arith.divf %logistic3A_1172, %logistic3A_1173 : vector<1024x512xf32>
      %mul3A_1175 = arith.mulf %add3A_1168, %logistic3A_1174 : vector<1024x512xf32>
      %dot_general3A_1176 = arith.constant dense<0.000000e+00> : vector<128x512xf32>
      %dot_general3A_1177 = tpu.matmul %convert_element_type3A_1157, %mul3A_1175, %dot_general3A_1176 {dimension_numbers = #tpu.dot_dimension_numbers<[1], [0], [0], [1], [0, 0, 1, 1], [], []>, transpose_lhs_hint = false} : vector<128x1024xf32>, vector<1024x512xf32>, vector<128x512xf32> -> vector<128x512xf32>
      %add3A_1178 = arith.addf %while3A_1133, %dot_general3A_1177 : vector<128x512xf32>
      scf.yield %add3A_1178 : vector<128x512xf32>
    }
    %get3A_178 = arith.constant 0 : index
    %get3A_179 = arith.constant 0 : index
    %get3A_180 = arith.constant 0 : index
    %get3A_181 = vector.load %arg9[%get3A_178, %get3A_179, %get3A_180] : memref<4x512x256xf32, #tpu.memory_space<vmem>>, vector<1x512x256xf32>
    %get3A_182 = vector.shape_cast %get3A_181 : vector<1x512x256xf32> to vector<512x256xf32>
    %dot_general3A_183 = arith.constant dense<0.000000e+00> : vector<128x256xf32>
    %dot_general3A_184 = tpu.matmul %while3A_177, %get3A_182, %dot_general3A_183 {dimension_numbers = #tpu.dot_dimension_numbers<[1], [0], [0], [1], [0, 0, 1, 1], [], []>, transpose_lhs_hint = false} : vector<128x512xf32>, vector<512x256xf32>, vector<128x256xf32> -> vector<128x256xf32>
    %mul3A_185 = arith.constant 4 : i32
    %mul3A_186 = arith.muli %arg0, %mul3A_185 : i32
    %add3A_187 = arith.constant 3 : i32
    %add3A_188 = arith.addi %mul3A_186, %add3A_187 : i32
    %get3A_189 = arith.index_cast %add3A_188 : i32 to index
    %get3A_190 = memref.load %arg1[%get3A_189] : memref<32xi32, #tpu.memory_space<smem>>
    %slice3A_191 = vector.extract_strided_slice %add3A_30 {offsets = [384, 0], sizes = [128, 512], strides = [1, 1]} : vector<512x512xf32> to vector<128x512xf32>
    %add3A_192 = arith.constant 1023 : i32
    %add3A_193 = arith.addi %get3A_190, %add3A_192 : i32
    %jit3A_194 = arith.constant 1024 : i32
    %div3A_195 = arith.divsi %add3A_193, %jit3A_194 : i32
    %sign3A_196 = arith.constant 0 : i32
    %sign3A_197 = arith.cmpi sgt, %add3A_193, %sign3A_196 : i32
    %sign3A_198 = arith.extui %sign3A_197 : i1 to i32
    %sign3A_199 = arith.constant 0 : i32
    %sign3A_200 = arith.cmpi slt, %add3A_193, %sign3A_199 : i32
    %sign3A_201 = arith.extui %sign3A_200 : i1 to i32
    %sign3A_202 = arith.subi %sign3A_198, %sign3A_201 : i32
    %sign3A_203 = arith.constant 0 : i32
    %sign3A_204 = arith.cmpi sgt, %jit3A_194, %sign3A_203 : i32
    %sign3A_205 = arith.extui %sign3A_204 : i1 to i32
    %sign3A_206 = arith.constant 0 : i32
    %sign3A_207 = arith.cmpi slt, %jit3A_194, %sign3A_206 : i32
    %sign3A_208 = arith.extui %sign3A_207 : i1 to i32
    %sign3A_209 = arith.subi %sign3A_205, %sign3A_208 : i32
    %ne3A_210 = arith.cmpi ne, %sign3A_202, %sign3A_209 : i32
    %rem3A_211 = arith.remsi %add3A_193, %jit3A_194 : i32
    %ne3A_212 = arith.constant 0 : i32
    %ne3A_213 = arith.cmpi ne, %rem3A_211, %ne3A_212 : i32
    %and3A_214 = arith.andi %ne3A_210, %ne3A_213 : i1
    %sub3A_215 = arith.constant 1 : i32
    %sub3A_216 = arith.subi %div3A_195, %sub3A_215 : i32
    %select_n3A_217 = arith.select %and3A_214, %sub3A_216, %div3A_195 : i32
    %broadcast_in_dim3A_218 = arith.constant 0.000000e+00 : f32
    %broadcast_in_dim3A_219 = vector.broadcast %broadcast_in_dim3A_218 : f32 to vector<128x512xf32>
    %while3A_220 = arith.constant 0 : i32
    %while3A_221 = arith.subi %select_n3A_217, %while3A_220 : i32
    %while3A_222 = arith.addi %while3A_220, %while3A_221 : i32
    %while3A_223 = arith.constant 1 : i32
    %while3A_224 = arith.divsi %while3A_221, %while3A_223 : i32
    %while3A_225 = arith.muli %while3A_224, %while3A_223 : i32
    %while3A_226 = arith.addi %while3A_220, %while3A_225 : i32
    %while3A_227 = arith.constant 1 : i32
    %while3A_228 = scf.for %while3A_1132 = %while3A_220 to %while3A_226 step %while3A_227 iter_args(%while3A_1133 = %broadcast_in_dim3A_219) -> (vector<128x512xf32>)  : i32 {
      %mul3A_1134 = arith.constant 1024 : i32
      %mul3A_1135 = arith.muli %while3A_1132, %mul3A_1134 : i32
      %get3A_1136 = arith.constant 0 : index
      %get3A_1137 = arith.constant 3 : index
      %get3A_1138 = arith.index_cast %mul3A_1135 : i32 to index
      %get3A_1139 = vector.load %arg4[%get3A_1136, %get3A_1137, %get3A_1138] : memref<1x4x65536xi32, #tpu.memory_space<vmem>>, vector<1x1x1024xi32>
      %get3A_1140 = vector.shape_cast %get3A_1139 : vector<1x1x1024xi32> to vector<1024xi32>
      %reshape3A = vector.shape_cast %get3A_1140 : vector<1024xi32> to vector<1x1024xi32>
      %shift_right_arithmetic3A = arith.constant 9 : i32
      %shift_right_arithmetic3A_1141 = vector.broadcast %shift_right_arithmetic3A : i32 to vector<1x1024xi32>
      %shift_right_arithmetic3A_1142 = arith.shrsi %reshape3A, %shift_right_arithmetic3A_1141 : vector<1x1024xi32>
      %and3A_1143 = arith.constant 511 : i32
      %and3A_1144 = vector.broadcast %and3A_1143 : i32 to vector<1x1024xi32>
      %and3A_1145 = arith.andi %reshape3A, %and3A_1144 : vector<1x1024xi32>
      %add3A_1146 = vector.broadcast %mul3A_1135 : i32 to vector<1x1024xi32>
      %add3A_1147 = arith.addi %add3A_1146, %iota3A_15 : vector<1x1024xi32>
      %lt3A = vector.broadcast %get3A_190 : i32 to vector<1x1024xi32>
      %lt3A_1148 = arith.cmpi slt, %add3A_1147, %lt3A : vector<1x1024xi32>
      %add3A_1149 = arith.constant 384 : i32
      %add3A_1150 = vector.broadcast %add3A_1149 : i32 to vector<128x1024xi32>
      %add3A_1151 = arith.addi %iota3A_16, %add3A_1150 : vector<128x1024xi32>
      %eq3A_1152 = vector.broadcast %shift_right_arithmetic3A_1142 : vector<1x1024xi32> to vector<128x1024xi32>
      %eq3A_1153 = arith.cmpi eq, %add3A_1151, %eq3A_1152 : vector<128x1024xi32>
      %and3A_1154 = vector.broadcast %lt3A_1148 : vector<1x1024xi1> to vector<128x1024xi1>
      %and3A_1155 = arith.andi %eq3A_1153, %and3A_1154 : vector<128x1024xi1>
      %convert_element_type3A_1156 = arith.extui %and3A_1155 : vector<128x1024xi1> to vector<128x1024xi32>
      %convert_element_type3A_1157 = arith.sitofp %convert_element_type3A_1156 : vector<128x1024xi32> to vector<128x1024xf32>
      %eq3A_1158 = vector.broadcast %and3A_1145 : vector<1x1024xi32> to vector<512x1024xi32>
      %eq3A_1159 = arith.cmpi eq, %iota3A_17, %eq3A_1158 : vector<512x1024xi32>
      %and3A_1160 = vector.broadcast %lt3A_1148 : vector<1x1024xi1> to vector<512x1024xi1>
      %and3A_1161 = arith.andi %eq3A_1159, %and3A_1160 : vector<512x1024xi1>
      %convert_element_type3A_1162 = arith.extui %and3A_1161 : vector<512x1024xi1> to vector<512x1024xi32>
      %convert_element_type3A_1163 = arith.sitofp %convert_element_type3A_1162 : vector<512x1024xi32> to vector<512x1024xf32>
      %dot_general3A_1164 = arith.constant dense<0.000000e+00> : vector<1024x512xf32>
      %dot_general3A_1165 = tpu.matmul %convert_element_type3A_1157, %slice3A_191, %dot_general3A_1164 {dimension_numbers = #tpu.dot_dimension_numbers<[0], [0], [1], [1], [0, 1, 1, 1], [], []>, transpose_lhs_hint = false} : vector<128x1024xf32>, vector<128x512xf32>, vector<1024x512xf32> -> vector<1024x512xf32>
      %dot_general3A_1166 = arith.constant dense<0.000000e+00> : vector<1024x512xf32>
      %dot_general3A_1167 = tpu.matmul %convert_element_type3A_1163, %dot_general3A_37, %dot_general3A_1166 {dimension_numbers = #tpu.dot_dimension_numbers<[0], [0], [1], [1], [0, 1, 1, 1], [], []>, transpose_lhs_hint = false} : vector<512x1024xf32>, vector<512x512xf32>, vector<1024x512xf32> -> vector<1024x512xf32>
      %add3A_1168 = arith.addf %dot_general3A_1165, %dot_general3A_1167 : vector<1024x512xf32>
      %logistic3A_1169 = arith.negf %add3A_1168 : vector<1024x512xf32>
      %logistic3A_1170 = math.exp %logistic3A_1169 : vector<1024x512xf32>
      %logistic3A_1171 = arith.constant 1.000000e+00 : f32
      %logistic3A_1172 = vector.broadcast %logistic3A_1171 : f32 to vector<1024x512xf32>
      %logistic3A_1173 = arith.addf %logistic3A_1172, %logistic3A_1170 : vector<1024x512xf32>
      %logistic3A_1174 = arith.divf %logistic3A_1172, %logistic3A_1173 : vector<1024x512xf32>
      %mul3A_1175 = arith.mulf %add3A_1168, %logistic3A_1174 : vector<1024x512xf32>
      %dot_general3A_1176 = arith.constant dense<0.000000e+00> : vector<128x512xf32>
      %dot_general3A_1177 = tpu.matmul %convert_element_type3A_1157, %mul3A_1175, %dot_general3A_1176 {dimension_numbers = #tpu.dot_dimension_numbers<[1], [0], [0], [1], [0, 0, 1, 1], [], []>, transpose_lhs_hint = false} : vector<128x1024xf32>, vector<1024x512xf32>, vector<128x512xf32> -> vector<128x512xf32>
      %add3A_1178 = arith.addf %while3A_1133, %dot_general3A_1177 : vector<128x512xf32>
      scf.yield %add3A_1178 : vector<128x512xf32>
    }
    %while3A_229 = arith.constant 1 : i32
    %while3A_230 = scf.for %while3A_1132 = %while3A_226 to %while3A_222 step %while3A_229 iter_args(%while3A_1133 = %while3A_228) -> (vector<128x512xf32>)  : i32 {
      %mul3A_1134 = arith.constant 1024 : i32
      %mul3A_1135 = arith.muli %while3A_1132, %mul3A_1134 : i32
      %get3A_1136 = arith.constant 0 : index
      %get3A_1137 = arith.constant 3 : index
      %get3A_1138 = arith.index_cast %mul3A_1135 : i32 to index
      %get3A_1139 = vector.load %arg4[%get3A_1136, %get3A_1137, %get3A_1138] : memref<1x4x65536xi32, #tpu.memory_space<vmem>>, vector<1x1x1024xi32>
      %get3A_1140 = vector.shape_cast %get3A_1139 : vector<1x1x1024xi32> to vector<1024xi32>
      %reshape3A = vector.shape_cast %get3A_1140 : vector<1024xi32> to vector<1x1024xi32>
      %shift_right_arithmetic3A = arith.constant 9 : i32
      %shift_right_arithmetic3A_1141 = vector.broadcast %shift_right_arithmetic3A : i32 to vector<1x1024xi32>
      %shift_right_arithmetic3A_1142 = arith.shrsi %reshape3A, %shift_right_arithmetic3A_1141 : vector<1x1024xi32>
      %and3A_1143 = arith.constant 511 : i32
      %and3A_1144 = vector.broadcast %and3A_1143 : i32 to vector<1x1024xi32>
      %and3A_1145 = arith.andi %reshape3A, %and3A_1144 : vector<1x1024xi32>
      %add3A_1146 = vector.broadcast %mul3A_1135 : i32 to vector<1x1024xi32>
      %add3A_1147 = arith.addi %add3A_1146, %iota3A_15 : vector<1x1024xi32>
      %lt3A = vector.broadcast %get3A_190 : i32 to vector<1x1024xi32>
      %lt3A_1148 = arith.cmpi slt, %add3A_1147, %lt3A : vector<1x1024xi32>
      %add3A_1149 = arith.constant 384 : i32
      %add3A_1150 = vector.broadcast %add3A_1149 : i32 to vector<128x1024xi32>
      %add3A_1151 = arith.addi %iota3A_16, %add3A_1150 : vector<128x1024xi32>
      %eq3A_1152 = vector.broadcast %shift_right_arithmetic3A_1142 : vector<1x1024xi32> to vector<128x1024xi32>
      %eq3A_1153 = arith.cmpi eq, %add3A_1151, %eq3A_1152 : vector<128x1024xi32>
      %and3A_1154 = vector.broadcast %lt3A_1148 : vector<1x1024xi1> to vector<128x1024xi1>
      %and3A_1155 = arith.andi %eq3A_1153, %and3A_1154 : vector<128x1024xi1>
      %convert_element_type3A_1156 = arith.extui %and3A_1155 : vector<128x1024xi1> to vector<128x1024xi32>
      %convert_element_type3A_1157 = arith.sitofp %convert_element_type3A_1156 : vector<128x1024xi32> to vector<128x1024xf32>
      %eq3A_1158 = vector.broadcast %and3A_1145 : vector<1x1024xi32> to vector<512x1024xi32>
      %eq3A_1159 = arith.cmpi eq, %iota3A_17, %eq3A_1158 : vector<512x1024xi32>
      %and3A_1160 = vector.broadcast %lt3A_1148 : vector<1x1024xi1> to vector<512x1024xi1>
      %and3A_1161 = arith.andi %eq3A_1159, %and3A_1160 : vector<512x1024xi1>
      %convert_element_type3A_1162 = arith.extui %and3A_1161 : vector<512x1024xi1> to vector<512x1024xi32>
      %convert_element_type3A_1163 = arith.sitofp %convert_element_type3A_1162 : vector<512x1024xi32> to vector<512x1024xf32>
      %dot_general3A_1164 = arith.constant dense<0.000000e+00> : vector<1024x512xf32>
      %dot_general3A_1165 = tpu.matmul %convert_element_type3A_1157, %slice3A_191, %dot_general3A_1164 {dimension_numbers = #tpu.dot_dimension_numbers<[0], [0], [1], [1], [0, 1, 1, 1], [], []>, transpose_lhs_hint = false} : vector<128x1024xf32>, vector<128x512xf32>, vector<1024x512xf32> -> vector<1024x512xf32>
      %dot_general3A_1166 = arith.constant dense<0.000000e+00> : vector<1024x512xf32>
      %dot_general3A_1167 = tpu.matmul %convert_element_type3A_1163, %dot_general3A_37, %dot_general3A_1166 {dimension_numbers = #tpu.dot_dimension_numbers<[0], [0], [1], [1], [0, 1, 1, 1], [], []>, transpose_lhs_hint = false} : vector<512x1024xf32>, vector<512x512xf32>, vector<1024x512xf32> -> vector<1024x512xf32>
      %add3A_1168 = arith.addf %dot_general3A_1165, %dot_general3A_1167 : vector<1024x512xf32>
      %logistic3A_1169 = arith.negf %add3A_1168 : vector<1024x512xf32>
      %logistic3A_1170 = math.exp %logistic3A_1169 : vector<1024x512xf32>
      %logistic3A_1171 = arith.constant 1.000000e+00 : f32
      %logistic3A_1172 = vector.broadcast %logistic3A_1171 : f32 to vector<1024x512xf32>
      %logistic3A_1173 = arith.addf %logistic3A_1172, %logistic3A_1170 : vector<1024x512xf32>
      %logistic3A_1174 = arith.divf %logistic3A_1172, %logistic3A_1173 : vector<1024x512xf32>
      %mul3A_1175 = arith.mulf %add3A_1168, %logistic3A_1174 : vector<1024x512xf32>
      %dot_general3A_1176 = arith.constant dense<0.000000e+00> : vector<128x512xf32>
      %dot_general3A_1177 = tpu.matmul %convert_element_type3A_1157, %mul3A_1175, %dot_general3A_1176 {dimension_numbers = #tpu.dot_dimension_numbers<[1], [0], [0], [1], [0, 0, 1, 1], [], []>, transpose_lhs_hint = false} : vector<128x1024xf32>, vector<1024x512xf32>, vector<128x512xf32> -> vector<128x512xf32>
      %add3A_1178 = arith.addf %while3A_1133, %dot_general3A_1177 : vector<128x512xf32>
      scf.yield %add3A_1178 : vector<128x512xf32>
    }
    %get3A_231 = arith.constant 0 : index
    %get3A_232 = arith.constant 0 : index
    %get3A_233 = arith.constant 0 : index
    %get3A_234 = vector.load %arg9[%get3A_231, %get3A_232, %get3A_233] : memref<4x512x256xf32, #tpu.memory_space<vmem>>, vector<1x512x256xf32>
    %get3A_235 = vector.shape_cast %get3A_234 : vector<1x512x256xf32> to vector<512x256xf32>
    %dot_general3A_236 = arith.constant dense<0.000000e+00> : vector<128x256xf32>
    %dot_general3A_237 = tpu.matmul %while3A_230, %get3A_235, %dot_general3A_236 {dimension_numbers = #tpu.dot_dimension_numbers<[1], [0], [0], [1], [0, 0, 1, 1], [], []>, transpose_lhs_hint = false} : vector<128x512xf32>, vector<512x256xf32>, vector<128x256xf32> -> vector<128x256xf32>
    %concatenate3A = tpu.concatenate %dot_general3A_78, %dot_general3A_131, %dot_general3A_184, %dot_general3A_237 in 0 : vector<128x256xf32>, vector<128x256xf32>, vector<128x256xf32>, vector<128x256xf32> -> vector<512x256xf32>
    %get3A_238 = arith.constant 0 : index
    %get3A_239 = arith.constant 0 : index
    %get3A_240 = arith.constant 0 : index
    %get3A_241 = vector.load %arg10[%get3A_238, %get3A_239, %get3A_240] : memref<4x1x256xf32, #tpu.memory_space<vmem>>, vector<1x1x256xf32>
    %get3A_242 = vector.shape_cast %get3A_241 : vector<1x1x256xf32> to vector<1x256xf32>
    %mul3A_243 = vector.broadcast %get3A_8 : vector<512x1xf32> to vector<512x256xf32>
    %mul3A_244 = vector.broadcast %get3A_242 : vector<1x256xf32> to vector<512x256xf32>
    %mul3A_245 = arith.mulf %mul3A_243, %mul3A_244 : vector<512x256xf32>
    %add3A_246 = arith.addf %concatenate3A, %mul3A_245 : vector<512x256xf32>
    %get3A_247 = arith.constant 0 : index
    %get3A_248 = arith.constant 0 : index
    %get3A_249 = arith.constant 0 : index
    %get3A_250 = vector.load %arg11[%get3A_247, %get3A_248, %get3A_249] : memref<4x256x256xf32, #tpu.memory_space<vmem>>, vector<1x256x256xf32>
    %get3A_251 = vector.shape_cast %get3A_250 : vector<1x256x256xf32> to vector<256x256xf32>
    %dot_general3A_252 = arith.constant dense<0.000000e+00> : vector<512x256xf32>
    %dot_general3A_253 = tpu.matmul %add3A_246, %get3A_251, %dot_general3A_252 {dimension_numbers = #tpu.dot_dimension_numbers<[1], [0], [0], [1], [0, 0, 1, 1], [], []>, transpose_lhs_hint = false} : vector<512x256xf32>, vector<256x256xf32>, vector<512x256xf32> -> vector<512x256xf32>
    %get3A_254 = arith.constant 0 : index
    %get3A_255 = arith.constant 0 : index
    %get3A_256 = arith.constant 0 : index
    %get3A_257 = vector.load %arg12[%get3A_254, %get3A_255, %get3A_256] : memref<4x1x256xf32, #tpu.memory_space<vmem>>, vector<1x1x256xf32>
    %get3A_258 = vector.shape_cast %get3A_257 : vector<1x1x256xf32> to vector<1x256xf32>
    %add3A_259 = vector.broadcast %get3A_258 : vector<1x256xf32> to vector<512x256xf32>
    %add3A_260 = arith.addf %dot_general3A_253, %add3A_259 : vector<512x256xf32>
    %logistic3A = arith.negf %add3A_260 : vector<512x256xf32>
    %logistic3A_261 = math.exp %logistic3A : vector<512x256xf32>
    %logistic3A_262 = arith.constant 1.000000e+00 : f32
    %logistic3A_263 = vector.broadcast %logistic3A_262 : f32 to vector<512x256xf32>
    %logistic3A_264 = arith.addf %logistic3A_263, %logistic3A_261 : vector<512x256xf32>
    %logistic3A_265 = arith.divf %logistic3A_263, %logistic3A_264 : vector<512x256xf32>
    %mul3A_266 = arith.mulf %add3A_260, %logistic3A_265 : vector<512x256xf32>
    %get3A_267 = arith.constant 0 : index
    %get3A_268 = arith.constant 0 : index
    %get3A_269 = arith.constant 0 : index
    %get3A_270 = vector.load %arg13[%get3A_267, %get3A_268, %get3A_269] : memref<4x256x256xf32, #tpu.memory_space<vmem>>, vector<1x256x256xf32>
    %get3A_271 = vector.shape_cast %get3A_270 : vector<1x256x256xf32> to vector<256x256xf32>
    %dot_general3A_272 = arith.constant dense<0.000000e+00> : vector<512x256xf32>
    %dot_general3A_273 = tpu.matmul %mul3A_266, %get3A_271, %dot_general3A_272 {dimension_numbers = #tpu.dot_dimension_numbers<[1], [0], [0], [1], [0, 0, 1, 1], [], []>, transpose_lhs_hint = false} : vector<512x256xf32>, vector<256x256xf32>, vector<512x256xf32> -> vector<512x256xf32>
    %add3A_274 = arith.addf %dot_general3A_14, %dot_general3A_273 : vector<512x256xf32>
    %get3A_275 = arith.constant 0 : index
    %get3A_276 = arith.constant 0 : index
    %get3A_277 = arith.constant 0 : index
    %get3A_278 = vector.load %arg14[%get3A_275, %get3A_276, %get3A_277] : memref<4x1x256xf32, #tpu.memory_space<vmem>>, vector<1x1x256xf32>
    %get3A_279 = vector.shape_cast %get3A_278 : vector<1x1x256xf32> to vector<1x256xf32>
    %add3A_280 = vector.broadcast %get3A_279 : vector<1x256xf32> to vector<512x256xf32>
    %add3A_281 = arith.addf %add3A_274, %add3A_280 : vector<512x256xf32>
    %get3A_282 = arith.constant 1 : index
    %get3A_283 = arith.constant 0 : index
    %get3A_284 = arith.constant 0 : index
    %get3A_285 = vector.load %arg6[%get3A_282, %get3A_283, %get3A_284] : memref<4x256x512xf32, #tpu.memory_space<vmem>>, vector<1x256x512xf32>
    %get3A_286 = vector.shape_cast %get3A_285 : vector<1x256x512xf32> to vector<256x512xf32>
    %dot_general3A_287 = arith.constant dense<0.000000e+00> : vector<512x512xf32>
    %dot_general3A_288 = tpu.matmul %add3A_281, %get3A_286, %dot_general3A_287 {dimension_numbers = #tpu.dot_dimension_numbers<[1], [0], [0], [1], [0, 0, 1, 1], [], []>, transpose_lhs_hint = false} : vector<512x256xf32>, vector<256x512xf32>, vector<512x512xf32> -> vector<512x512xf32>
    %get3A_289 = arith.constant 1 : index
    %get3A_290 = arith.constant 0 : index
    %get3A_291 = arith.constant 0 : index
    %get3A_292 = vector.load %arg8[%get3A_289, %get3A_290, %get3A_291] : memref<4x1x512xf32, #tpu.memory_space<vmem>>, vector<1x1x512xf32>
    %get3A_293 = vector.shape_cast %get3A_292 : vector<1x1x512xf32> to vector<1x512xf32>
    %add3A_294 = vector.broadcast %get3A_293 : vector<1x512xf32> to vector<512x512xf32>
    %add3A_295 = arith.addf %dot_general3A_288, %add3A_294 : vector<512x512xf32>
    %get3A_296 = arith.constant 1 : index
    %get3A_297 = arith.constant 0 : index
    %get3A_298 = arith.constant 0 : index
    %get3A_299 = vector.load %arg7[%get3A_296, %get3A_297, %get3A_298] : memref<4x256x512xf32, #tpu.memory_space<vmem>>, vector<1x256x512xf32>
    %get3A_300 = vector.shape_cast %get3A_299 : vector<1x256x512xf32> to vector<256x512xf32>
    %dot_general3A_301 = arith.constant dense<0.000000e+00> : vector<512x512xf32>
    %dot_general3A_302 = tpu.matmul %add3A_281, %get3A_300, %dot_general3A_301 {dimension_numbers = #tpu.dot_dimension_numbers<[1], [0], [0], [1], [0, 0, 1, 1], [], []>, transpose_lhs_hint = false} : vector<512x256xf32>, vector<256x512xf32>, vector<512x512xf32> -> vector<512x512xf32>
    %mul3A_303 = arith.constant 4 : i32
    %mul3A_304 = arith.muli %arg0, %mul3A_303 : i32
    %add3A_305 = arith.constant 0 : i32
    %add3A_306 = arith.addi %mul3A_304, %add3A_305 : i32
    %get3A_307 = arith.index_cast %add3A_306 : i32 to index
    %get3A_308 = memref.load %arg1[%get3A_307] : memref<32xi32, #tpu.memory_space<smem>>
    %slice3A_309 = vector.extract_strided_slice %add3A_295 {offsets = [0, 0], sizes = [128, 512], strides = [1, 1]} : vector<512x512xf32> to vector<128x512xf32>
    %add3A_310 = arith.constant 1023 : i32
    %add3A_311 = arith.addi %get3A_308, %add3A_310 : i32
    %jit3A_312 = arith.constant 1024 : i32
    %div3A_313 = arith.divsi %add3A_311, %jit3A_312 : i32
    %sign3A_314 = arith.constant 0 : i32
    %sign3A_315 = arith.cmpi sgt, %add3A_311, %sign3A_314 : i32
    %sign3A_316 = arith.extui %sign3A_315 : i1 to i32
    %sign3A_317 = arith.constant 0 : i32
    %sign3A_318 = arith.cmpi slt, %add3A_311, %sign3A_317 : i32
    %sign3A_319 = arith.extui %sign3A_318 : i1 to i32
    %sign3A_320 = arith.subi %sign3A_316, %sign3A_319 : i32
    %sign3A_321 = arith.constant 0 : i32
    %sign3A_322 = arith.cmpi sgt, %jit3A_312, %sign3A_321 : i32
    %sign3A_323 = arith.extui %sign3A_322 : i1 to i32
    %sign3A_324 = arith.constant 0 : i32
    %sign3A_325 = arith.cmpi slt, %jit3A_312, %sign3A_324 : i32
    %sign3A_326 = arith.extui %sign3A_325 : i1 to i32
    %sign3A_327 = arith.subi %sign3A_323, %sign3A_326 : i32
    %ne3A_328 = arith.cmpi ne, %sign3A_320, %sign3A_327 : i32
    %rem3A_329 = arith.remsi %add3A_311, %jit3A_312 : i32
    %ne3A_330 = arith.constant 0 : i32
    %ne3A_331 = arith.cmpi ne, %rem3A_329, %ne3A_330 : i32
    %and3A_332 = arith.andi %ne3A_328, %ne3A_331 : i1
    %sub3A_333 = arith.constant 1 : i32
    %sub3A_334 = arith.subi %div3A_313, %sub3A_333 : i32
    %select_n3A_335 = arith.select %and3A_332, %sub3A_334, %div3A_313 : i32
    %broadcast_in_dim3A_336 = arith.constant 0.000000e+00 : f32
    %broadcast_in_dim3A_337 = vector.broadcast %broadcast_in_dim3A_336 : f32 to vector<128x512xf32>
    %while3A_338 = arith.constant 0 : i32
    %while3A_339 = arith.subi %select_n3A_335, %while3A_338 : i32
    %while3A_340 = arith.addi %while3A_338, %while3A_339 : i32
    %while3A_341 = arith.constant 1 : i32
    %while3A_342 = arith.divsi %while3A_339, %while3A_341 : i32
    %while3A_343 = arith.muli %while3A_342, %while3A_341 : i32
    %while3A_344 = arith.addi %while3A_338, %while3A_343 : i32
    %while3A_345 = arith.constant 1 : i32
    %while3A_346 = scf.for %while3A_1132 = %while3A_338 to %while3A_344 step %while3A_345 iter_args(%while3A_1133 = %broadcast_in_dim3A_337) -> (vector<128x512xf32>)  : i32 {
      %mul3A_1134 = arith.constant 1024 : i32
      %mul3A_1135 = arith.muli %while3A_1132, %mul3A_1134 : i32
      %get3A_1136 = arith.constant 0 : index
      %get3A_1137 = arith.constant 0 : index
      %get3A_1138 = arith.index_cast %mul3A_1135 : i32 to index
      %get3A_1139 = vector.load %arg4[%get3A_1136, %get3A_1137, %get3A_1138] : memref<1x4x65536xi32, #tpu.memory_space<vmem>>, vector<1x1x1024xi32>
      %get3A_1140 = vector.shape_cast %get3A_1139 : vector<1x1x1024xi32> to vector<1024xi32>
      %reshape3A = vector.shape_cast %get3A_1140 : vector<1024xi32> to vector<1x1024xi32>
      %shift_right_arithmetic3A = arith.constant 9 : i32
      %shift_right_arithmetic3A_1141 = vector.broadcast %shift_right_arithmetic3A : i32 to vector<1x1024xi32>
      %shift_right_arithmetic3A_1142 = arith.shrsi %reshape3A, %shift_right_arithmetic3A_1141 : vector<1x1024xi32>
      %and3A_1143 = arith.constant 511 : i32
      %and3A_1144 = vector.broadcast %and3A_1143 : i32 to vector<1x1024xi32>
      %and3A_1145 = arith.andi %reshape3A, %and3A_1144 : vector<1x1024xi32>
      %add3A_1146 = vector.broadcast %mul3A_1135 : i32 to vector<1x1024xi32>
      %add3A_1147 = arith.addi %add3A_1146, %iota3A_15 : vector<1x1024xi32>
      %lt3A = vector.broadcast %get3A_308 : i32 to vector<1x1024xi32>
      %lt3A_1148 = arith.cmpi slt, %add3A_1147, %lt3A : vector<1x1024xi32>
      %add3A_1149 = arith.constant 0 : i32
      %add3A_1150 = vector.broadcast %add3A_1149 : i32 to vector<128x1024xi32>
      %add3A_1151 = arith.addi %iota3A_16, %add3A_1150 : vector<128x1024xi32>
      %eq3A_1152 = vector.broadcast %shift_right_arithmetic3A_1142 : vector<1x1024xi32> to vector<128x1024xi32>
      %eq3A_1153 = arith.cmpi eq, %add3A_1151, %eq3A_1152 : vector<128x1024xi32>
      %and3A_1154 = vector.broadcast %lt3A_1148 : vector<1x1024xi1> to vector<128x1024xi1>
      %and3A_1155 = arith.andi %eq3A_1153, %and3A_1154 : vector<128x1024xi1>
      %convert_element_type3A_1156 = arith.extui %and3A_1155 : vector<128x1024xi1> to vector<128x1024xi32>
      %convert_element_type3A_1157 = arith.sitofp %convert_element_type3A_1156 : vector<128x1024xi32> to vector<128x1024xf32>
      %eq3A_1158 = vector.broadcast %and3A_1145 : vector<1x1024xi32> to vector<512x1024xi32>
      %eq3A_1159 = arith.cmpi eq, %iota3A_17, %eq3A_1158 : vector<512x1024xi32>
      %and3A_1160 = vector.broadcast %lt3A_1148 : vector<1x1024xi1> to vector<512x1024xi1>
      %and3A_1161 = arith.andi %eq3A_1159, %and3A_1160 : vector<512x1024xi1>
      %convert_element_type3A_1162 = arith.extui %and3A_1161 : vector<512x1024xi1> to vector<512x1024xi32>
      %convert_element_type3A_1163 = arith.sitofp %convert_element_type3A_1162 : vector<512x1024xi32> to vector<512x1024xf32>
      %dot_general3A_1164 = arith.constant dense<0.000000e+00> : vector<1024x512xf32>
      %dot_general3A_1165 = tpu.matmul %convert_element_type3A_1157, %slice3A_309, %dot_general3A_1164 {dimension_numbers = #tpu.dot_dimension_numbers<[0], [0], [1], [1], [0, 1, 1, 1], [], []>, transpose_lhs_hint = false} : vector<128x1024xf32>, vector<128x512xf32>, vector<1024x512xf32> -> vector<1024x512xf32>
      %dot_general3A_1166 = arith.constant dense<0.000000e+00> : vector<1024x512xf32>
      %dot_general3A_1167 = tpu.matmul %convert_element_type3A_1163, %dot_general3A_302, %dot_general3A_1166 {dimension_numbers = #tpu.dot_dimension_numbers<[0], [0], [1], [1], [0, 1, 1, 1], [], []>, transpose_lhs_hint = false} : vector<512x1024xf32>, vector<512x512xf32>, vector<1024x512xf32> -> vector<1024x512xf32>
      %add3A_1168 = arith.addf %dot_general3A_1165, %dot_general3A_1167 : vector<1024x512xf32>
      %logistic3A_1169 = arith.negf %add3A_1168 : vector<1024x512xf32>
      %logistic3A_1170 = math.exp %logistic3A_1169 : vector<1024x512xf32>
      %logistic3A_1171 = arith.constant 1.000000e+00 : f32
      %logistic3A_1172 = vector.broadcast %logistic3A_1171 : f32 to vector<1024x512xf32>
      %logistic3A_1173 = arith.addf %logistic3A_1172, %logistic3A_1170 : vector<1024x512xf32>
      %logistic3A_1174 = arith.divf %logistic3A_1172, %logistic3A_1173 : vector<1024x512xf32>
      %mul3A_1175 = arith.mulf %add3A_1168, %logistic3A_1174 : vector<1024x512xf32>
      %dot_general3A_1176 = arith.constant dense<0.000000e+00> : vector<128x512xf32>
      %dot_general3A_1177 = tpu.matmul %convert_element_type3A_1157, %mul3A_1175, %dot_general3A_1176 {dimension_numbers = #tpu.dot_dimension_numbers<[1], [0], [0], [1], [0, 0, 1, 1], [], []>, transpose_lhs_hint = false} : vector<128x1024xf32>, vector<1024x512xf32>, vector<128x512xf32> -> vector<128x512xf32>
      %add3A_1178 = arith.addf %while3A_1133, %dot_general3A_1177 : vector<128x512xf32>
      scf.yield %add3A_1178 : vector<128x512xf32>
    }
    %while3A_347 = arith.constant 1 : i32
    %while3A_348 = scf.for %while3A_1132 = %while3A_344 to %while3A_340 step %while3A_347 iter_args(%while3A_1133 = %while3A_346) -> (vector<128x512xf32>)  : i32 {
      %mul3A_1134 = arith.constant 1024 : i32
      %mul3A_1135 = arith.muli %while3A_1132, %mul3A_1134 : i32
      %get3A_1136 = arith.constant 0 : index
      %get3A_1137 = arith.constant 0 : index
      %get3A_1138 = arith.index_cast %mul3A_1135 : i32 to index
      %get3A_1139 = vector.load %arg4[%get3A_1136, %get3A_1137, %get3A_1138] : memref<1x4x65536xi32, #tpu.memory_space<vmem>>, vector<1x1x1024xi32>
      %get3A_1140 = vector.shape_cast %get3A_1139 : vector<1x1x1024xi32> to vector<1024xi32>
      %reshape3A = vector.shape_cast %get3A_1140 : vector<1024xi32> to vector<1x1024xi32>
      %shift_right_arithmetic3A = arith.constant 9 : i32
      %shift_right_arithmetic3A_1141 = vector.broadcast %shift_right_arithmetic3A : i32 to vector<1x1024xi32>
      %shift_right_arithmetic3A_1142 = arith.shrsi %reshape3A, %shift_right_arithmetic3A_1141 : vector<1x1024xi32>
      %and3A_1143 = arith.constant 511 : i32
      %and3A_1144 = vector.broadcast %and3A_1143 : i32 to vector<1x1024xi32>
      %and3A_1145 = arith.andi %reshape3A, %and3A_1144 : vector<1x1024xi32>
      %add3A_1146 = vector.broadcast %mul3A_1135 : i32 to vector<1x1024xi32>
      %add3A_1147 = arith.addi %add3A_1146, %iota3A_15 : vector<1x1024xi32>
      %lt3A = vector.broadcast %get3A_308 : i32 to vector<1x1024xi32>
      %lt3A_1148 = arith.cmpi slt, %add3A_1147, %lt3A : vector<1x1024xi32>
      %add3A_1149 = arith.constant 0 : i32
      %add3A_1150 = vector.broadcast %add3A_1149 : i32 to vector<128x1024xi32>
      %add3A_1151 = arith.addi %iota3A_16, %add3A_1150 : vector<128x1024xi32>
      %eq3A_1152 = vector.broadcast %shift_right_arithmetic3A_1142 : vector<1x1024xi32> to vector<128x1024xi32>
      %eq3A_1153 = arith.cmpi eq, %add3A_1151, %eq3A_1152 : vector<128x1024xi32>
      %and3A_1154 = vector.broadcast %lt3A_1148 : vector<1x1024xi1> to vector<128x1024xi1>
      %and3A_1155 = arith.andi %eq3A_1153, %and3A_1154 : vector<128x1024xi1>
      %convert_element_type3A_1156 = arith.extui %and3A_1155 : vector<128x1024xi1> to vector<128x1024xi32>
      %convert_element_type3A_1157 = arith.sitofp %convert_element_type3A_1156 : vector<128x1024xi32> to vector<128x1024xf32>
      %eq3A_1158 = vector.broadcast %and3A_1145 : vector<1x1024xi32> to vector<512x1024xi32>
      %eq3A_1159 = arith.cmpi eq, %iota3A_17, %eq3A_1158 : vector<512x1024xi32>
      %and3A_1160 = vector.broadcast %lt3A_1148 : vector<1x1024xi1> to vector<512x1024xi1>
      %and3A_1161 = arith.andi %eq3A_1159, %and3A_1160 : vector<512x1024xi1>
      %convert_element_type3A_1162 = arith.extui %and3A_1161 : vector<512x1024xi1> to vector<512x1024xi32>
      %convert_element_type3A_1163 = arith.sitofp %convert_element_type3A_1162 : vector<512x1024xi32> to vector<512x1024xf32>
      %dot_general3A_1164 = arith.constant dense<0.000000e+00> : vector<1024x512xf32>
      %dot_general3A_1165 = tpu.matmul %convert_element_type3A_1157, %slice3A_309, %dot_general3A_1164 {dimension_numbers = #tpu.dot_dimension_numbers<[0], [0], [1], [1], [0, 1, 1, 1], [], []>, transpose_lhs_hint = false} : vector<128x1024xf32>, vector<128x512xf32>, vector<1024x512xf32> -> vector<1024x512xf32>
      %dot_general3A_1166 = arith.constant dense<0.000000e+00> : vector<1024x512xf32>
      %dot_general3A_1167 = tpu.matmul %convert_element_type3A_1163, %dot_general3A_302, %dot_general3A_1166 {dimension_numbers = #tpu.dot_dimension_numbers<[0], [0], [1], [1], [0, 1, 1, 1], [], []>, transpose_lhs_hint = false} : vector<512x1024xf32>, vector<512x512xf32>, vector<1024x512xf32> -> vector<1024x512xf32>
      %add3A_1168 = arith.addf %dot_general3A_1165, %dot_general3A_1167 : vector<1024x512xf32>
      %logistic3A_1169 = arith.negf %add3A_1168 : vector<1024x512xf32>
      %logistic3A_1170 = math.exp %logistic3A_1169 : vector<1024x512xf32>
      %logistic3A_1171 = arith.constant 1.000000e+00 : f32
      %logistic3A_1172 = vector.broadcast %logistic3A_1171 : f32 to vector<1024x512xf32>
      %logistic3A_1173 = arith.addf %logistic3A_1172, %logistic3A_1170 : vector<1024x512xf32>
      %logistic3A_1174 = arith.divf %logistic3A_1172, %logistic3A_1173 : vector<1024x512xf32>
      %mul3A_1175 = arith.mulf %add3A_1168, %logistic3A_1174 : vector<1024x512xf32>
      %dot_general3A_1176 = arith.constant dense<0.000000e+00> : vector<128x512xf32>
      %dot_general3A_1177 = tpu.matmul %convert_element_type3A_1157, %mul3A_1175, %dot_general3A_1176 {dimension_numbers = #tpu.dot_dimension_numbers<[1], [0], [0], [1], [0, 0, 1, 1], [], []>, transpose_lhs_hint = false} : vector<128x1024xf32>, vector<1024x512xf32>, vector<128x512xf32> -> vector<128x512xf32>
      %add3A_1178 = arith.addf %while3A_1133, %dot_general3A_1177 : vector<128x512xf32>
      scf.yield %add3A_1178 : vector<128x512xf32>
    }
    %get3A_349 = arith.constant 1 : index
    %get3A_350 = arith.constant 0 : index
    %get3A_351 = arith.constant 0 : index
    %get3A_352 = vector.load %arg9[%get3A_349, %get3A_350, %get3A_351] : memref<4x512x256xf32, #tpu.memory_space<vmem>>, vector<1x512x256xf32>
    %get3A_353 = vector.shape_cast %get3A_352 : vector<1x512x256xf32> to vector<512x256xf32>
    %dot_general3A_354 = arith.constant dense<0.000000e+00> : vector<128x256xf32>
    %dot_general3A_355 = tpu.matmul %while3A_348, %get3A_353, %dot_general3A_354 {dimension_numbers = #tpu.dot_dimension_numbers<[1], [0], [0], [1], [0, 0, 1, 1], [], []>, transpose_lhs_hint = false} : vector<128x512xf32>, vector<512x256xf32>, vector<128x256xf32> -> vector<128x256xf32>
    %mul3A_356 = arith.constant 4 : i32
    %mul3A_357 = arith.muli %arg0, %mul3A_356 : i32
    %add3A_358 = arith.constant 1 : i32
    %add3A_359 = arith.addi %mul3A_357, %add3A_358 : i32
    %get3A_360 = arith.index_cast %add3A_359 : i32 to index
    %get3A_361 = memref.load %arg1[%get3A_360] : memref<32xi32, #tpu.memory_space<smem>>
    %slice3A_362 = vector.extract_strided_slice %add3A_295 {offsets = [128, 0], sizes = [128, 512], strides = [1, 1]} : vector<512x512xf32> to vector<128x512xf32>
    %add3A_363 = arith.constant 1023 : i32
    %add3A_364 = arith.addi %get3A_361, %add3A_363 : i32
    %jit3A_365 = arith.constant 1024 : i32
    %div3A_366 = arith.divsi %add3A_364, %jit3A_365 : i32
    %sign3A_367 = arith.constant 0 : i32
    %sign3A_368 = arith.cmpi sgt, %add3A_364, %sign3A_367 : i32
    %sign3A_369 = arith.extui %sign3A_368 : i1 to i32
    %sign3A_370 = arith.constant 0 : i32
    %sign3A_371 = arith.cmpi slt, %add3A_364, %sign3A_370 : i32
    %sign3A_372 = arith.extui %sign3A_371 : i1 to i32
    %sign3A_373 = arith.subi %sign3A_369, %sign3A_372 : i32
    %sign3A_374 = arith.constant 0 : i32
    %sign3A_375 = arith.cmpi sgt, %jit3A_365, %sign3A_374 : i32
    %sign3A_376 = arith.extui %sign3A_375 : i1 to i32
    %sign3A_377 = arith.constant 0 : i32
    %sign3A_378 = arith.cmpi slt, %jit3A_365, %sign3A_377 : i32
    %sign3A_379 = arith.extui %sign3A_378 : i1 to i32
    %sign3A_380 = arith.subi %sign3A_376, %sign3A_379 : i32
    %ne3A_381 = arith.cmpi ne, %sign3A_373, %sign3A_380 : i32
    %rem3A_382 = arith.remsi %add3A_364, %jit3A_365 : i32
    %ne3A_383 = arith.constant 0 : i32
    %ne3A_384 = arith.cmpi ne, %rem3A_382, %ne3A_383 : i32
    %and3A_385 = arith.andi %ne3A_381, %ne3A_384 : i1
    %sub3A_386 = arith.constant 1 : i32
    %sub3A_387 = arith.subi %div3A_366, %sub3A_386 : i32
    %select_n3A_388 = arith.select %and3A_385, %sub3A_387, %div3A_366 : i32
    %broadcast_in_dim3A_389 = arith.constant 0.000000e+00 : f32
    %broadcast_in_dim3A_390 = vector.broadcast %broadcast_in_dim3A_389 : f32 to vector<128x512xf32>
    %while3A_391 = arith.constant 0 : i32
    %while3A_392 = arith.subi %select_n3A_388, %while3A_391 : i32
    %while3A_393 = arith.addi %while3A_391, %while3A_392 : i32
    %while3A_394 = arith.constant 1 : i32
    %while3A_395 = arith.divsi %while3A_392, %while3A_394 : i32
    %while3A_396 = arith.muli %while3A_395, %while3A_394 : i32
    %while3A_397 = arith.addi %while3A_391, %while3A_396 : i32
    %while3A_398 = arith.constant 1 : i32
    %while3A_399 = scf.for %while3A_1132 = %while3A_391 to %while3A_397 step %while3A_398 iter_args(%while3A_1133 = %broadcast_in_dim3A_390) -> (vector<128x512xf32>)  : i32 {
      %mul3A_1134 = arith.constant 1024 : i32
      %mul3A_1135 = arith.muli %while3A_1132, %mul3A_1134 : i32
      %get3A_1136 = arith.constant 0 : index
      %get3A_1137 = arith.constant 1 : index
      %get3A_1138 = arith.index_cast %mul3A_1135 : i32 to index
      %get3A_1139 = vector.load %arg4[%get3A_1136, %get3A_1137, %get3A_1138] : memref<1x4x65536xi32, #tpu.memory_space<vmem>>, vector<1x1x1024xi32>
      %get3A_1140 = vector.shape_cast %get3A_1139 : vector<1x1x1024xi32> to vector<1024xi32>
      %reshape3A = vector.shape_cast %get3A_1140 : vector<1024xi32> to vector<1x1024xi32>
      %shift_right_arithmetic3A = arith.constant 9 : i32
      %shift_right_arithmetic3A_1141 = vector.broadcast %shift_right_arithmetic3A : i32 to vector<1x1024xi32>
      %shift_right_arithmetic3A_1142 = arith.shrsi %reshape3A, %shift_right_arithmetic3A_1141 : vector<1x1024xi32>
      %and3A_1143 = arith.constant 511 : i32
      %and3A_1144 = vector.broadcast %and3A_1143 : i32 to vector<1x1024xi32>
      %and3A_1145 = arith.andi %reshape3A, %and3A_1144 : vector<1x1024xi32>
      %add3A_1146 = vector.broadcast %mul3A_1135 : i32 to vector<1x1024xi32>
      %add3A_1147 = arith.addi %add3A_1146, %iota3A_15 : vector<1x1024xi32>
      %lt3A = vector.broadcast %get3A_361 : i32 to vector<1x1024xi32>
      %lt3A_1148 = arith.cmpi slt, %add3A_1147, %lt3A : vector<1x1024xi32>
      %add3A_1149 = arith.constant 128 : i32
      %add3A_1150 = vector.broadcast %add3A_1149 : i32 to vector<128x1024xi32>
      %add3A_1151 = arith.addi %iota3A_16, %add3A_1150 : vector<128x1024xi32>
      %eq3A_1152 = vector.broadcast %shift_right_arithmetic3A_1142 : vector<1x1024xi32> to vector<128x1024xi32>
      %eq3A_1153 = arith.cmpi eq, %add3A_1151, %eq3A_1152 : vector<128x1024xi32>
      %and3A_1154 = vector.broadcast %lt3A_1148 : vector<1x1024xi1> to vector<128x1024xi1>
      %and3A_1155 = arith.andi %eq3A_1153, %and3A_1154 : vector<128x1024xi1>
      %convert_element_type3A_1156 = arith.extui %and3A_1155 : vector<128x1024xi1> to vector<128x1024xi32>
      %convert_element_type3A_1157 = arith.sitofp %convert_element_type3A_1156 : vector<128x1024xi32> to vector<128x1024xf32>
      %eq3A_1158 = vector.broadcast %and3A_1145 : vector<1x1024xi32> to vector<512x1024xi32>
      %eq3A_1159 = arith.cmpi eq, %iota3A_17, %eq3A_1158 : vector<512x1024xi32>
      %and3A_1160 = vector.broadcast %lt3A_1148 : vector<1x1024xi1> to vector<512x1024xi1>
      %and3A_1161 = arith.andi %eq3A_1159, %and3A_1160 : vector<512x1024xi1>
      %convert_element_type3A_1162 = arith.extui %and3A_1161 : vector<512x1024xi1> to vector<512x1024xi32>
      %convert_element_type3A_1163 = arith.sitofp %convert_element_type3A_1162 : vector<512x1024xi32> to vector<512x1024xf32>
      %dot_general3A_1164 = arith.constant dense<0.000000e+00> : vector<1024x512xf32>
      %dot_general3A_1165 = tpu.matmul %convert_element_type3A_1157, %slice3A_362, %dot_general3A_1164 {dimension_numbers = #tpu.dot_dimension_numbers<[0], [0], [1], [1], [0, 1, 1, 1], [], []>, transpose_lhs_hint = false} : vector<128x1024xf32>, vector<128x512xf32>, vector<1024x512xf32> -> vector<1024x512xf32>
      %dot_general3A_1166 = arith.constant dense<0.000000e+00> : vector<1024x512xf32>
      %dot_general3A_1167 = tpu.matmul %convert_element_type3A_1163, %dot_general3A_302, %dot_general3A_1166 {dimension_numbers = #tpu.dot_dimension_numbers<[0], [0], [1], [1], [0, 1, 1, 1], [], []>, transpose_lhs_hint = false} : vector<512x1024xf32>, vector<512x512xf32>, vector<1024x512xf32> -> vector<1024x512xf32>
      %add3A_1168 = arith.addf %dot_general3A_1165, %dot_general3A_1167 : vector<1024x512xf32>
      %logistic3A_1169 = arith.negf %add3A_1168 : vector<1024x512xf32>
      %logistic3A_1170 = math.exp %logistic3A_1169 : vector<1024x512xf32>
      %logistic3A_1171 = arith.constant 1.000000e+00 : f32
      %logistic3A_1172 = vector.broadcast %logistic3A_1171 : f32 to vector<1024x512xf32>
      %logistic3A_1173 = arith.addf %logistic3A_1172, %logistic3A_1170 : vector<1024x512xf32>
      %logistic3A_1174 = arith.divf %logistic3A_1172, %logistic3A_1173 : vector<1024x512xf32>
      %mul3A_1175 = arith.mulf %add3A_1168, %logistic3A_1174 : vector<1024x512xf32>
      %dot_general3A_1176 = arith.constant dense<0.000000e+00> : vector<128x512xf32>
      %dot_general3A_1177 = tpu.matmul %convert_element_type3A_1157, %mul3A_1175, %dot_general3A_1176 {dimension_numbers = #tpu.dot_dimension_numbers<[1], [0], [0], [1], [0, 0, 1, 1], [], []>, transpose_lhs_hint = false} : vector<128x1024xf32>, vector<1024x512xf32>, vector<128x512xf32> -> vector<128x512xf32>
      %add3A_1178 = arith.addf %while3A_1133, %dot_general3A_1177 : vector<128x512xf32>
      scf.yield %add3A_1178 : vector<128x512xf32>
    }
    %while3A_400 = arith.constant 1 : i32
    %while3A_401 = scf.for %while3A_1132 = %while3A_397 to %while3A_393 step %while3A_400 iter_args(%while3A_1133 = %while3A_399) -> (vector<128x512xf32>)  : i32 {
      %mul3A_1134 = arith.constant 1024 : i32
      %mul3A_1135 = arith.muli %while3A_1132, %mul3A_1134 : i32
      %get3A_1136 = arith.constant 0 : index
      %get3A_1137 = arith.constant 1 : index
      %get3A_1138 = arith.index_cast %mul3A_1135 : i32 to index
      %get3A_1139 = vector.load %arg4[%get3A_1136, %get3A_1137, %get3A_1138] : memref<1x4x65536xi32, #tpu.memory_space<vmem>>, vector<1x1x1024xi32>
      %get3A_1140 = vector.shape_cast %get3A_1139 : vector<1x1x1024xi32> to vector<1024xi32>
      %reshape3A = vector.shape_cast %get3A_1140 : vector<1024xi32> to vector<1x1024xi32>
      %shift_right_arithmetic3A = arith.constant 9 : i32
      %shift_right_arithmetic3A_1141 = vector.broadcast %shift_right_arithmetic3A : i32 to vector<1x1024xi32>
      %shift_right_arithmetic3A_1142 = arith.shrsi %reshape3A, %shift_right_arithmetic3A_1141 : vector<1x1024xi32>
      %and3A_1143 = arith.constant 511 : i32
      %and3A_1144 = vector.broadcast %and3A_1143 : i32 to vector<1x1024xi32>
      %and3A_1145 = arith.andi %reshape3A, %and3A_1144 : vector<1x1024xi32>
      %add3A_1146 = vector.broadcast %mul3A_1135 : i32 to vector<1x1024xi32>
      %add3A_1147 = arith.addi %add3A_1146, %iota3A_15 : vector<1x1024xi32>
      %lt3A = vector.broadcast %get3A_361 : i32 to vector<1x1024xi32>
      %lt3A_1148 = arith.cmpi slt, %add3A_1147, %lt3A : vector<1x1024xi32>
      %add3A_1149 = arith.constant 128 : i32
      %add3A_1150 = vector.broadcast %add3A_1149 : i32 to vector<128x1024xi32>
      %add3A_1151 = arith.addi %iota3A_16, %add3A_1150 : vector<128x1024xi32>
      %eq3A_1152 = vector.broadcast %shift_right_arithmetic3A_1142 : vector<1x1024xi32> to vector<128x1024xi32>
      %eq3A_1153 = arith.cmpi eq, %add3A_1151, %eq3A_1152 : vector<128x1024xi32>
      %and3A_1154 = vector.broadcast %lt3A_1148 : vector<1x1024xi1> to vector<128x1024xi1>
      %and3A_1155 = arith.andi %eq3A_1153, %and3A_1154 : vector<128x1024xi1>
      %convert_element_type3A_1156 = arith.extui %and3A_1155 : vector<128x1024xi1> to vector<128x1024xi32>
      %convert_element_type3A_1157 = arith.sitofp %convert_element_type3A_1156 : vector<128x1024xi32> to vector<128x1024xf32>
      %eq3A_1158 = vector.broadcast %and3A_1145 : vector<1x1024xi32> to vector<512x1024xi32>
      %eq3A_1159 = arith.cmpi eq, %iota3A_17, %eq3A_1158 : vector<512x1024xi32>
      %and3A_1160 = vector.broadcast %lt3A_1148 : vector<1x1024xi1> to vector<512x1024xi1>
      %and3A_1161 = arith.andi %eq3A_1159, %and3A_1160 : vector<512x1024xi1>
      %convert_element_type3A_1162 = arith.extui %and3A_1161 : vector<512x1024xi1> to vector<512x1024xi32>
      %convert_element_type3A_1163 = arith.sitofp %convert_element_type3A_1162 : vector<512x1024xi32> to vector<512x1024xf32>
      %dot_general3A_1164 = arith.constant dense<0.000000e+00> : vector<1024x512xf32>
      %dot_general3A_1165 = tpu.matmul %convert_element_type3A_1157, %slice3A_362, %dot_general3A_1164 {dimension_numbers = #tpu.dot_dimension_numbers<[0], [0], [1], [1], [0, 1, 1, 1], [], []>, transpose_lhs_hint = false} : vector<128x1024xf32>, vector<128x512xf32>, vector<1024x512xf32> -> vector<1024x512xf32>
      %dot_general3A_1166 = arith.constant dense<0.000000e+00> : vector<1024x512xf32>
      %dot_general3A_1167 = tpu.matmul %convert_element_type3A_1163, %dot_general3A_302, %dot_general3A_1166 {dimension_numbers = #tpu.dot_dimension_numbers<[0], [0], [1], [1], [0, 1, 1, 1], [], []>, transpose_lhs_hint = false} : vector<512x1024xf32>, vector<512x512xf32>, vector<1024x512xf32> -> vector<1024x512xf32>
      %add3A_1168 = arith.addf %dot_general3A_1165, %dot_general3A_1167 : vector<1024x512xf32>
      %logistic3A_1169 = arith.negf %add3A_1168 : vector<1024x512xf32>
      %logistic3A_1170 = math.exp %logistic3A_1169 : vector<1024x512xf32>
      %logistic3A_1171 = arith.constant 1.000000e+00 : f32
      %logistic3A_1172 = vector.broadcast %logistic3A_1171 : f32 to vector<1024x512xf32>
      %logistic3A_1173 = arith.addf %logistic3A_1172, %logistic3A_1170 : vector<1024x512xf32>
      %logistic3A_1174 = arith.divf %logistic3A_1172, %logistic3A_1173 : vector<1024x512xf32>
      %mul3A_1175 = arith.mulf %add3A_1168, %logistic3A_1174 : vector<1024x512xf32>
      %dot_general3A_1176 = arith.constant dense<0.000000e+00> : vector<128x512xf32>
      %dot_general3A_1177 = tpu.matmul %convert_element_type3A_1157, %mul3A_1175, %dot_general3A_1176 {dimension_numbers = #tpu.dot_dimension_numbers<[1], [0], [0], [1], [0, 0, 1, 1], [], []>, transpose_lhs_hint = false} : vector<128x1024xf32>, vector<1024x512xf32>, vector<128x512xf32> -> vector<128x512xf32>
      %add3A_1178 = arith.addf %while3A_1133, %dot_general3A_1177 : vector<128x512xf32>
      scf.yield %add3A_1178 : vector<128x512xf32>
    }
    %get3A_402 = arith.constant 1 : index
    %get3A_403 = arith.constant 0 : index
    %get3A_404 = arith.constant 0 : index
    %get3A_405 = vector.load %arg9[%get3A_402, %get3A_403, %get3A_404] : memref<4x512x256xf32, #tpu.memory_space<vmem>>, vector<1x512x256xf32>
    %get3A_406 = vector.shape_cast %get3A_405 : vector<1x512x256xf32> to vector<512x256xf32>
    %dot_general3A_407 = arith.constant dense<0.000000e+00> : vector<128x256xf32>
    %dot_general3A_408 = tpu.matmul %while3A_401, %get3A_406, %dot_general3A_407 {dimension_numbers = #tpu.dot_dimension_numbers<[1], [0], [0], [1], [0, 0, 1, 1], [], []>, transpose_lhs_hint = false} : vector<128x512xf32>, vector<512x256xf32>, vector<128x256xf32> -> vector<128x256xf32>
    %mul3A_409 = arith.constant 4 : i32
    %mul3A_410 = arith.muli %arg0, %mul3A_409 : i32
    %add3A_411 = arith.constant 2 : i32
    %add3A_412 = arith.addi %mul3A_410, %add3A_411 : i32
    %get3A_413 = arith.index_cast %add3A_412 : i32 to index
    %get3A_414 = memref.load %arg1[%get3A_413] : memref<32xi32, #tpu.memory_space<smem>>
    %slice3A_415 = vector.extract_strided_slice %add3A_295 {offsets = [256, 0], sizes = [128, 512], strides = [1, 1]} : vector<512x512xf32> to vector<128x512xf32>
    %add3A_416 = arith.constant 1023 : i32
    %add3A_417 = arith.addi %get3A_414, %add3A_416 : i32
    %jit3A_418 = arith.constant 1024 : i32
    %div3A_419 = arith.divsi %add3A_417, %jit3A_418 : i32
    %sign3A_420 = arith.constant 0 : i32
    %sign3A_421 = arith.cmpi sgt, %add3A_417, %sign3A_420 : i32
    %sign3A_422 = arith.extui %sign3A_421 : i1 to i32
    %sign3A_423 = arith.constant 0 : i32
    %sign3A_424 = arith.cmpi slt, %add3A_417, %sign3A_423 : i32
    %sign3A_425 = arith.extui %sign3A_424 : i1 to i32
    %sign3A_426 = arith.subi %sign3A_422, %sign3A_425 : i32
    %sign3A_427 = arith.constant 0 : i32
    %sign3A_428 = arith.cmpi sgt, %jit3A_418, %sign3A_427 : i32
    %sign3A_429 = arith.extui %sign3A_428 : i1 to i32
    %sign3A_430 = arith.constant 0 : i32
    %sign3A_431 = arith.cmpi slt, %jit3A_418, %sign3A_430 : i32
    %sign3A_432 = arith.extui %sign3A_431 : i1 to i32
    %sign3A_433 = arith.subi %sign3A_429, %sign3A_432 : i32
    %ne3A_434 = arith.cmpi ne, %sign3A_426, %sign3A_433 : i32
    %rem3A_435 = arith.remsi %add3A_417, %jit3A_418 : i32
    %ne3A_436 = arith.constant 0 : i32
    %ne3A_437 = arith.cmpi ne, %rem3A_435, %ne3A_436 : i32
    %and3A_438 = arith.andi %ne3A_434, %ne3A_437 : i1
    %sub3A_439 = arith.constant 1 : i32
    %sub3A_440 = arith.subi %div3A_419, %sub3A_439 : i32
    %select_n3A_441 = arith.select %and3A_438, %sub3A_440, %div3A_419 : i32
    %broadcast_in_dim3A_442 = arith.constant 0.000000e+00 : f32
    %broadcast_in_dim3A_443 = vector.broadcast %broadcast_in_dim3A_442 : f32 to vector<128x512xf32>
    %while3A_444 = arith.constant 0 : i32
    %while3A_445 = arith.subi %select_n3A_441, %while3A_444 : i32
    %while3A_446 = arith.addi %while3A_444, %while3A_445 : i32
    %while3A_447 = arith.constant 1 : i32
    %while3A_448 = arith.divsi %while3A_445, %while3A_447 : i32
    %while3A_449 = arith.muli %while3A_448, %while3A_447 : i32
    %while3A_450 = arith.addi %while3A_444, %while3A_449 : i32
    %while3A_451 = arith.constant 1 : i32
    %while3A_452 = scf.for %while3A_1132 = %while3A_444 to %while3A_450 step %while3A_451 iter_args(%while3A_1133 = %broadcast_in_dim3A_443) -> (vector<128x512xf32>)  : i32 {
      %mul3A_1134 = arith.constant 1024 : i32
      %mul3A_1135 = arith.muli %while3A_1132, %mul3A_1134 : i32
      %get3A_1136 = arith.constant 0 : index
      %get3A_1137 = arith.constant 2 : index
      %get3A_1138 = arith.index_cast %mul3A_1135 : i32 to index
      %get3A_1139 = vector.load %arg4[%get3A_1136, %get3A_1137, %get3A_1138] : memref<1x4x65536xi32, #tpu.memory_space<vmem>>, vector<1x1x1024xi32>
      %get3A_1140 = vector.shape_cast %get3A_1139 : vector<1x1x1024xi32> to vector<1024xi32>
      %reshape3A = vector.shape_cast %get3A_1140 : vector<1024xi32> to vector<1x1024xi32>
      %shift_right_arithmetic3A = arith.constant 9 : i32
      %shift_right_arithmetic3A_1141 = vector.broadcast %shift_right_arithmetic3A : i32 to vector<1x1024xi32>
      %shift_right_arithmetic3A_1142 = arith.shrsi %reshape3A, %shift_right_arithmetic3A_1141 : vector<1x1024xi32>
      %and3A_1143 = arith.constant 511 : i32
      %and3A_1144 = vector.broadcast %and3A_1143 : i32 to vector<1x1024xi32>
      %and3A_1145 = arith.andi %reshape3A, %and3A_1144 : vector<1x1024xi32>
      %add3A_1146 = vector.broadcast %mul3A_1135 : i32 to vector<1x1024xi32>
      %add3A_1147 = arith.addi %add3A_1146, %iota3A_15 : vector<1x1024xi32>
      %lt3A = vector.broadcast %get3A_414 : i32 to vector<1x1024xi32>
      %lt3A_1148 = arith.cmpi slt, %add3A_1147, %lt3A : vector<1x1024xi32>
      %add3A_1149 = arith.constant 256 : i32
      %add3A_1150 = vector.broadcast %add3A_1149 : i32 to vector<128x1024xi32>
      %add3A_1151 = arith.addi %iota3A_16, %add3A_1150 : vector<128x1024xi32>
      %eq3A_1152 = vector.broadcast %shift_right_arithmetic3A_1142 : vector<1x1024xi32> to vector<128x1024xi32>
      %eq3A_1153 = arith.cmpi eq, %add3A_1151, %eq3A_1152 : vector<128x1024xi32>
      %and3A_1154 = vector.broadcast %lt3A_1148 : vector<1x1024xi1> to vector<128x1024xi1>
      %and3A_1155 = arith.andi %eq3A_1153, %and3A_1154 : vector<128x1024xi1>
      %convert_element_type3A_1156 = arith.extui %and3A_1155 : vector<128x1024xi1> to vector<128x1024xi32>
      %convert_element_type3A_1157 = arith.sitofp %convert_element_type3A_1156 : vector<128x1024xi32> to vector<128x1024xf32>
      %eq3A_1158 = vector.broadcast %and3A_1145 : vector<1x1024xi32> to vector<512x1024xi32>
      %eq3A_1159 = arith.cmpi eq, %iota3A_17, %eq3A_1158 : vector<512x1024xi32>
      %and3A_1160 = vector.broadcast %lt3A_1148 : vector<1x1024xi1> to vector<512x1024xi1>
      %and3A_1161 = arith.andi %eq3A_1159, %and3A_1160 : vector<512x1024xi1>
      %convert_element_type3A_1162 = arith.extui %and3A_1161 : vector<512x1024xi1> to vector<512x1024xi32>
      %convert_element_type3A_1163 = arith.sitofp %convert_element_type3A_1162 : vector<512x1024xi32> to vector<512x1024xf32>
      %dot_general3A_1164 = arith.constant dense<0.000000e+00> : vector<1024x512xf32>
      %dot_general3A_1165 = tpu.matmul %convert_element_type3A_1157, %slice3A_415, %dot_general3A_1164 {dimension_numbers = #tpu.dot_dimension_numbers<[0], [0], [1], [1], [0, 1, 1, 1], [], []>, transpose_lhs_hint = false} : vector<128x1024xf32>, vector<128x512xf32>, vector<1024x512xf32> -> vector<1024x512xf32>
      %dot_general3A_1166 = arith.constant dense<0.000000e+00> : vector<1024x512xf32>
      %dot_general3A_1167 = tpu.matmul %convert_element_type3A_1163, %dot_general3A_302, %dot_general3A_1166 {dimension_numbers = #tpu.dot_dimension_numbers<[0], [0], [1], [1], [0, 1, 1, 1], [], []>, transpose_lhs_hint = false} : vector<512x1024xf32>, vector<512x512xf32>, vector<1024x512xf32> -> vector<1024x512xf32>
      %add3A_1168 = arith.addf %dot_general3A_1165, %dot_general3A_1167 : vector<1024x512xf32>
      %logistic3A_1169 = arith.negf %add3A_1168 : vector<1024x512xf32>
      %logistic3A_1170 = math.exp %logistic3A_1169 : vector<1024x512xf32>
      %logistic3A_1171 = arith.constant 1.000000e+00 : f32
      %logistic3A_1172 = vector.broadcast %logistic3A_1171 : f32 to vector<1024x512xf32>
      %logistic3A_1173 = arith.addf %logistic3A_1172, %logistic3A_1170 : vector<1024x512xf32>
      %logistic3A_1174 = arith.divf %logistic3A_1172, %logistic3A_1173 : vector<1024x512xf32>
      %mul3A_1175 = arith.mulf %add3A_1168, %logistic3A_1174 : vector<1024x512xf32>
      %dot_general3A_1176 = arith.constant dense<0.000000e+00> : vector<128x512xf32>
      %dot_general3A_1177 = tpu.matmul %convert_element_type3A_1157, %mul3A_1175, %dot_general3A_1176 {dimension_numbers = #tpu.dot_dimension_numbers<[1], [0], [0], [1], [0, 0, 1, 1], [], []>, transpose_lhs_hint = false} : vector<128x1024xf32>, vector<1024x512xf32>, vector<128x512xf32> -> vector<128x512xf32>
      %add3A_1178 = arith.addf %while3A_1133, %dot_general3A_1177 : vector<128x512xf32>
      scf.yield %add3A_1178 : vector<128x512xf32>
    }
    %while3A_453 = arith.constant 1 : i32
    %while3A_454 = scf.for %while3A_1132 = %while3A_450 to %while3A_446 step %while3A_453 iter_args(%while3A_1133 = %while3A_452) -> (vector<128x512xf32>)  : i32 {
      %mul3A_1134 = arith.constant 1024 : i32
      %mul3A_1135 = arith.muli %while3A_1132, %mul3A_1134 : i32
      %get3A_1136 = arith.constant 0 : index
      %get3A_1137 = arith.constant 2 : index
      %get3A_1138 = arith.index_cast %mul3A_1135 : i32 to index
      %get3A_1139 = vector.load %arg4[%get3A_1136, %get3A_1137, %get3A_1138] : memref<1x4x65536xi32, #tpu.memory_space<vmem>>, vector<1x1x1024xi32>
      %get3A_1140 = vector.shape_cast %get3A_1139 : vector<1x1x1024xi32> to vector<1024xi32>
      %reshape3A = vector.shape_cast %get3A_1140 : vector<1024xi32> to vector<1x1024xi32>
      %shift_right_arithmetic3A = arith.constant 9 : i32
      %shift_right_arithmetic3A_1141 = vector.broadcast %shift_right_arithmetic3A : i32 to vector<1x1024xi32>
      %shift_right_arithmetic3A_1142 = arith.shrsi %reshape3A, %shift_right_arithmetic3A_1141 : vector<1x1024xi32>
      %and3A_1143 = arith.constant 511 : i32
      %and3A_1144 = vector.broadcast %and3A_1143 : i32 to vector<1x1024xi32>
      %and3A_1145 = arith.andi %reshape3A, %and3A_1144 : vector<1x1024xi32>
      %add3A_1146 = vector.broadcast %mul3A_1135 : i32 to vector<1x1024xi32>
      %add3A_1147 = arith.addi %add3A_1146, %iota3A_15 : vector<1x1024xi32>
      %lt3A = vector.broadcast %get3A_414 : i32 to vector<1x1024xi32>
      %lt3A_1148 = arith.cmpi slt, %add3A_1147, %lt3A : vector<1x1024xi32>
      %add3A_1149 = arith.constant 256 : i32
      %add3A_1150 = vector.broadcast %add3A_1149 : i32 to vector<128x1024xi32>
      %add3A_1151 = arith.addi %iota3A_16, %add3A_1150 : vector<128x1024xi32>
      %eq3A_1152 = vector.broadcast %shift_right_arithmetic3A_1142 : vector<1x1024xi32> to vector<128x1024xi32>
      %eq3A_1153 = arith.cmpi eq, %add3A_1151, %eq3A_1152 : vector<128x1024xi32>
      %and3A_1154 = vector.broadcast %lt3A_1148 : vector<1x1024xi1> to vector<128x1024xi1>
      %and3A_1155 = arith.andi %eq3A_1153, %and3A_1154 : vector<128x1024xi1>
      %convert_element_type3A_1156 = arith.extui %and3A_1155 : vector<128x1024xi1> to vector<128x1024xi32>
      %convert_element_type3A_1157 = arith.sitofp %convert_element_type3A_1156 : vector<128x1024xi32> to vector<128x1024xf32>
      %eq3A_1158 = vector.broadcast %and3A_1145 : vector<1x1024xi32> to vector<512x1024xi32>
      %eq3A_1159 = arith.cmpi eq, %iota3A_17, %eq3A_1158 : vector<512x1024xi32>
      %and3A_1160 = vector.broadcast %lt3A_1148 : vector<1x1024xi1> to vector<512x1024xi1>
      %and3A_1161 = arith.andi %eq3A_1159, %and3A_1160 : vector<512x1024xi1>
      %convert_element_type3A_1162 = arith.extui %and3A_1161 : vector<512x1024xi1> to vector<512x1024xi32>
      %convert_element_type3A_1163 = arith.sitofp %convert_element_type3A_1162 : vector<512x1024xi32> to vector<512x1024xf32>
      %dot_general3A_1164 = arith.constant dense<0.000000e+00> : vector<1024x512xf32>
      %dot_general3A_1165 = tpu.matmul %convert_element_type3A_1157, %slice3A_415, %dot_general3A_1164 {dimension_numbers = #tpu.dot_dimension_numbers<[0], [0], [1], [1], [0, 1, 1, 1], [], []>, transpose_lhs_hint = false} : vector<128x1024xf32>, vector<128x512xf32>, vector<1024x512xf32> -> vector<1024x512xf32>
      %dot_general3A_1166 = arith.constant dense<0.000000e+00> : vector<1024x512xf32>
      %dot_general3A_1167 = tpu.matmul %convert_element_type3A_1163, %dot_general3A_302, %dot_general3A_1166 {dimension_numbers = #tpu.dot_dimension_numbers<[0], [0], [1], [1], [0, 1, 1, 1], [], []>, transpose_lhs_hint = false} : vector<512x1024xf32>, vector<512x512xf32>, vector<1024x512xf32> -> vector<1024x512xf32>
      %add3A_1168 = arith.addf %dot_general3A_1165, %dot_general3A_1167 : vector<1024x512xf32>
      %logistic3A_1169 = arith.negf %add3A_1168 : vector<1024x512xf32>
      %logistic3A_1170 = math.exp %logistic3A_1169 : vector<1024x512xf32>
      %logistic3A_1171 = arith.constant 1.000000e+00 : f32
      %logistic3A_1172 = vector.broadcast %logistic3A_1171 : f32 to vector<1024x512xf32>
      %logistic3A_1173 = arith.addf %logistic3A_1172, %logistic3A_1170 : vector<1024x512xf32>
      %logistic3A_1174 = arith.divf %logistic3A_1172, %logistic3A_1173 : vector<1024x512xf32>
      %mul3A_1175 = arith.mulf %add3A_1168, %logistic3A_1174 : vector<1024x512xf32>
      %dot_general3A_1176 = arith.constant dense<0.000000e+00> : vector<128x512xf32>
      %dot_general3A_1177 = tpu.matmul %convert_element_type3A_1157, %mul3A_1175, %dot_general3A_1176 {dimension_numbers = #tpu.dot_dimension_numbers<[1], [0], [0], [1], [0, 0, 1, 1], [], []>, transpose_lhs_hint = false} : vector<128x1024xf32>, vector<1024x512xf32>, vector<128x512xf32> -> vector<128x512xf32>
      %add3A_1178 = arith.addf %while3A_1133, %dot_general3A_1177 : vector<128x512xf32>
      scf.yield %add3A_1178 : vector<128x512xf32>
    }
    %get3A_455 = arith.constant 1 : index
    %get3A_456 = arith.constant 0 : index
    %get3A_457 = arith.constant 0 : index
    %get3A_458 = vector.load %arg9[%get3A_455, %get3A_456, %get3A_457] : memref<4x512x256xf32, #tpu.memory_space<vmem>>, vector<1x512x256xf32>
    %get3A_459 = vector.shape_cast %get3A_458 : vector<1x512x256xf32> to vector<512x256xf32>
    %dot_general3A_460 = arith.constant dense<0.000000e+00> : vector<128x256xf32>
    %dot_general3A_461 = tpu.matmul %while3A_454, %get3A_459, %dot_general3A_460 {dimension_numbers = #tpu.dot_dimension_numbers<[1], [0], [0], [1], [0, 0, 1, 1], [], []>, transpose_lhs_hint = false} : vector<128x512xf32>, vector<512x256xf32>, vector<128x256xf32> -> vector<128x256xf32>
    %mul3A_462 = arith.constant 4 : i32
    %mul3A_463 = arith.muli %arg0, %mul3A_462 : i32
    %add3A_464 = arith.constant 3 : i32
    %add3A_465 = arith.addi %mul3A_463, %add3A_464 : i32
    %get3A_466 = arith.index_cast %add3A_465 : i32 to index
    %get3A_467 = memref.load %arg1[%get3A_466] : memref<32xi32, #tpu.memory_space<smem>>
    %slice3A_468 = vector.extract_strided_slice %add3A_295 {offsets = [384, 0], sizes = [128, 512], strides = [1, 1]} : vector<512x512xf32> to vector<128x512xf32>
    %add3A_469 = arith.constant 1023 : i32
    %add3A_470 = arith.addi %get3A_467, %add3A_469 : i32
    %jit3A_471 = arith.constant 1024 : i32
    %div3A_472 = arith.divsi %add3A_470, %jit3A_471 : i32
    %sign3A_473 = arith.constant 0 : i32
    %sign3A_474 = arith.cmpi sgt, %add3A_470, %sign3A_473 : i32
    %sign3A_475 = arith.extui %sign3A_474 : i1 to i32
    %sign3A_476 = arith.constant 0 : i32
    %sign3A_477 = arith.cmpi slt, %add3A_470, %sign3A_476 : i32
    %sign3A_478 = arith.extui %sign3A_477 : i1 to i32
    %sign3A_479 = arith.subi %sign3A_475, %sign3A_478 : i32
    %sign3A_480 = arith.constant 0 : i32
    %sign3A_481 = arith.cmpi sgt, %jit3A_471, %sign3A_480 : i32
    %sign3A_482 = arith.extui %sign3A_481 : i1 to i32
    %sign3A_483 = arith.constant 0 : i32
    %sign3A_484 = arith.cmpi slt, %jit3A_471, %sign3A_483 : i32
    %sign3A_485 = arith.extui %sign3A_484 : i1 to i32
    %sign3A_486 = arith.subi %sign3A_482, %sign3A_485 : i32
    %ne3A_487 = arith.cmpi ne, %sign3A_479, %sign3A_486 : i32
    %rem3A_488 = arith.remsi %add3A_470, %jit3A_471 : i32
    %ne3A_489 = arith.constant 0 : i32
    %ne3A_490 = arith.cmpi ne, %rem3A_488, %ne3A_489 : i32
    %and3A_491 = arith.andi %ne3A_487, %ne3A_490 : i1
    %sub3A_492 = arith.constant 1 : i32
    %sub3A_493 = arith.subi %div3A_472, %sub3A_492 : i32
    %select_n3A_494 = arith.select %and3A_491, %sub3A_493, %div3A_472 : i32
    %broadcast_in_dim3A_495 = arith.constant 0.000000e+00 : f32
    %broadcast_in_dim3A_496 = vector.broadcast %broadcast_in_dim3A_495 : f32 to vector<128x512xf32>
    %while3A_497 = arith.constant 0 : i32
    %while3A_498 = arith.subi %select_n3A_494, %while3A_497 : i32
    %while3A_499 = arith.addi %while3A_497, %while3A_498 : i32
    %while3A_500 = arith.constant 1 : i32
    %while3A_501 = arith.divsi %while3A_498, %while3A_500 : i32
    %while3A_502 = arith.muli %while3A_501, %while3A_500 : i32
    %while3A_503 = arith.addi %while3A_497, %while3A_502 : i32
    %while3A_504 = arith.constant 1 : i32
    %while3A_505 = scf.for %while3A_1132 = %while3A_497 to %while3A_503 step %while3A_504 iter_args(%while3A_1133 = %broadcast_in_dim3A_496) -> (vector<128x512xf32>)  : i32 {
      %mul3A_1134 = arith.constant 1024 : i32
      %mul3A_1135 = arith.muli %while3A_1132, %mul3A_1134 : i32
      %get3A_1136 = arith.constant 0 : index
      %get3A_1137 = arith.constant 3 : index
      %get3A_1138 = arith.index_cast %mul3A_1135 : i32 to index
      %get3A_1139 = vector.load %arg4[%get3A_1136, %get3A_1137, %get3A_1138] : memref<1x4x65536xi32, #tpu.memory_space<vmem>>, vector<1x1x1024xi32>
      %get3A_1140 = vector.shape_cast %get3A_1139 : vector<1x1x1024xi32> to vector<1024xi32>
      %reshape3A = vector.shape_cast %get3A_1140 : vector<1024xi32> to vector<1x1024xi32>
      %shift_right_arithmetic3A = arith.constant 9 : i32
      %shift_right_arithmetic3A_1141 = vector.broadcast %shift_right_arithmetic3A : i32 to vector<1x1024xi32>
      %shift_right_arithmetic3A_1142 = arith.shrsi %reshape3A, %shift_right_arithmetic3A_1141 : vector<1x1024xi32>
      %and3A_1143 = arith.constant 511 : i32
      %and3A_1144 = vector.broadcast %and3A_1143 : i32 to vector<1x1024xi32>
      %and3A_1145 = arith.andi %reshape3A, %and3A_1144 : vector<1x1024xi32>
      %add3A_1146 = vector.broadcast %mul3A_1135 : i32 to vector<1x1024xi32>
      %add3A_1147 = arith.addi %add3A_1146, %iota3A_15 : vector<1x1024xi32>
      %lt3A = vector.broadcast %get3A_467 : i32 to vector<1x1024xi32>
      %lt3A_1148 = arith.cmpi slt, %add3A_1147, %lt3A : vector<1x1024xi32>
      %add3A_1149 = arith.constant 384 : i32
      %add3A_1150 = vector.broadcast %add3A_1149 : i32 to vector<128x1024xi32>
      %add3A_1151 = arith.addi %iota3A_16, %add3A_1150 : vector<128x1024xi32>
      %eq3A_1152 = vector.broadcast %shift_right_arithmetic3A_1142 : vector<1x1024xi32> to vector<128x1024xi32>
      %eq3A_1153 = arith.cmpi eq, %add3A_1151, %eq3A_1152 : vector<128x1024xi32>
      %and3A_1154 = vector.broadcast %lt3A_1148 : vector<1x1024xi1> to vector<128x1024xi1>
      %and3A_1155 = arith.andi %eq3A_1153, %and3A_1154 : vector<128x1024xi1>
      %convert_element_type3A_1156 = arith.extui %and3A_1155 : vector<128x1024xi1> to vector<128x1024xi32>
      %convert_element_type3A_1157 = arith.sitofp %convert_element_type3A_1156 : vector<128x1024xi32> to vector<128x1024xf32>
      %eq3A_1158 = vector.broadcast %and3A_1145 : vector<1x1024xi32> to vector<512x1024xi32>
      %eq3A_1159 = arith.cmpi eq, %iota3A_17, %eq3A_1158 : vector<512x1024xi32>
      %and3A_1160 = vector.broadcast %lt3A_1148 : vector<1x1024xi1> to vector<512x1024xi1>
      %and3A_1161 = arith.andi %eq3A_1159, %and3A_1160 : vector<512x1024xi1>
      %convert_element_type3A_1162 = arith.extui %and3A_1161 : vector<512x1024xi1> to vector<512x1024xi32>
      %convert_element_type3A_1163 = arith.sitofp %convert_element_type3A_1162 : vector<512x1024xi32> to vector<512x1024xf32>
      %dot_general3A_1164 = arith.constant dense<0.000000e+00> : vector<1024x512xf32>
      %dot_general3A_1165 = tpu.matmul %convert_element_type3A_1157, %slice3A_468, %dot_general3A_1164 {dimension_numbers = #tpu.dot_dimension_numbers<[0], [0], [1], [1], [0, 1, 1, 1], [], []>, transpose_lhs_hint = false} : vector<128x1024xf32>, vector<128x512xf32>, vector<1024x512xf32> -> vector<1024x512xf32>
      %dot_general3A_1166 = arith.constant dense<0.000000e+00> : vector<1024x512xf32>
      %dot_general3A_1167 = tpu.matmul %convert_element_type3A_1163, %dot_general3A_302, %dot_general3A_1166 {dimension_numbers = #tpu.dot_dimension_numbers<[0], [0], [1], [1], [0, 1, 1, 1], [], []>, transpose_lhs_hint = false} : vector<512x1024xf32>, vector<512x512xf32>, vector<1024x512xf32> -> vector<1024x512xf32>
      %add3A_1168 = arith.addf %dot_general3A_1165, %dot_general3A_1167 : vector<1024x512xf32>
      %logistic3A_1169 = arith.negf %add3A_1168 : vector<1024x512xf32>
      %logistic3A_1170 = math.exp %logistic3A_1169 : vector<1024x512xf32>
      %logistic3A_1171 = arith.constant 1.000000e+00 : f32
      %logistic3A_1172 = vector.broadcast %logistic3A_1171 : f32 to vector<1024x512xf32>
      %logistic3A_1173 = arith.addf %logistic3A_1172, %logistic3A_1170 : vector<1024x512xf32>
      %logistic3A_1174 = arith.divf %logistic3A_1172, %logistic3A_1173 : vector<1024x512xf32>
      %mul3A_1175 = arith.mulf %add3A_1168, %logistic3A_1174 : vector<1024x512xf32>
      %dot_general3A_1176 = arith.constant dense<0.000000e+00> : vector<128x512xf32>
      %dot_general3A_1177 = tpu.matmul %convert_element_type3A_1157, %mul3A_1175, %dot_general3A_1176 {dimension_numbers = #tpu.dot_dimension_numbers<[1], [0], [0], [1], [0, 0, 1, 1], [], []>, transpose_lhs_hint = false} : vector<128x1024xf32>, vector<1024x512xf32>, vector<128x512xf32> -> vector<128x512xf32>
      %add3A_1178 = arith.addf %while3A_1133, %dot_general3A_1177 : vector<128x512xf32>
      scf.yield %add3A_1178 : vector<128x512xf32>
    }
    %while3A_506 = arith.constant 1 : i32
    %while3A_507 = scf.for %while3A_1132 = %while3A_503 to %while3A_499 step %while3A_506 iter_args(%while3A_1133 = %while3A_505) -> (vector<128x512xf32>)  : i32 {
      %mul3A_1134 = arith.constant 1024 : i32
      %mul3A_1135 = arith.muli %while3A_1132, %mul3A_1134 : i32
      %get3A_1136 = arith.constant 0 : index
      %get3A_1137 = arith.constant 3 : index
      %get3A_1138 = arith.index_cast %mul3A_1135 : i32 to index
      %get3A_1139 = vector.load %arg4[%get3A_1136, %get3A_1137, %get3A_1138] : memref<1x4x65536xi32, #tpu.memory_space<vmem>>, vector<1x1x1024xi32>
      %get3A_1140 = vector.shape_cast %get3A_1139 : vector<1x1x1024xi32> to vector<1024xi32>
      %reshape3A = vector.shape_cast %get3A_1140 : vector<1024xi32> to vector<1x1024xi32>
      %shift_right_arithmetic3A = arith.constant 9 : i32
      %shift_right_arithmetic3A_1141 = vector.broadcast %shift_right_arithmetic3A : i32 to vector<1x1024xi32>
      %shift_right_arithmetic3A_1142 = arith.shrsi %reshape3A, %shift_right_arithmetic3A_1141 : vector<1x1024xi32>
      %and3A_1143 = arith.constant 511 : i32
      %and3A_1144 = vector.broadcast %and3A_1143 : i32 to vector<1x1024xi32>
      %and3A_1145 = arith.andi %reshape3A, %and3A_1144 : vector<1x1024xi32>
      %add3A_1146 = vector.broadcast %mul3A_1135 : i32 to vector<1x1024xi32>
      %add3A_1147 = arith.addi %add3A_1146, %iota3A_15 : vector<1x1024xi32>
      %lt3A = vector.broadcast %get3A_467 : i32 to vector<1x1024xi32>
      %lt3A_1148 = arith.cmpi slt, %add3A_1147, %lt3A : vector<1x1024xi32>
      %add3A_1149 = arith.constant 384 : i32
      %add3A_1150 = vector.broadcast %add3A_1149 : i32 to vector<128x1024xi32>
      %add3A_1151 = arith.addi %iota3A_16, %add3A_1150 : vector<128x1024xi32>
      %eq3A_1152 = vector.broadcast %shift_right_arithmetic3A_1142 : vector<1x1024xi32> to vector<128x1024xi32>
      %eq3A_1153 = arith.cmpi eq, %add3A_1151, %eq3A_1152 : vector<128x1024xi32>
      %and3A_1154 = vector.broadcast %lt3A_1148 : vector<1x1024xi1> to vector<128x1024xi1>
      %and3A_1155 = arith.andi %eq3A_1153, %and3A_1154 : vector<128x1024xi1>
      %convert_element_type3A_1156 = arith.extui %and3A_1155 : vector<128x1024xi1> to vector<128x1024xi32>
      %convert_element_type3A_1157 = arith.sitofp %convert_element_type3A_1156 : vector<128x1024xi32> to vector<128x1024xf32>
      %eq3A_1158 = vector.broadcast %and3A_1145 : vector<1x1024xi32> to vector<512x1024xi32>
      %eq3A_1159 = arith.cmpi eq, %iota3A_17, %eq3A_1158 : vector<512x1024xi32>
      %and3A_1160 = vector.broadcast %lt3A_1148 : vector<1x1024xi1> to vector<512x1024xi1>
      %and3A_1161 = arith.andi %eq3A_1159, %and3A_1160 : vector<512x1024xi1>
      %convert_element_type3A_1162 = arith.extui %and3A_1161 : vector<512x1024xi1> to vector<512x1024xi32>
      %convert_element_type3A_1163 = arith.sitofp %convert_element_type3A_1162 : vector<512x1024xi32> to vector<512x1024xf32>
      %dot_general3A_1164 = arith.constant dense<0.000000e+00> : vector<1024x512xf32>
      %dot_general3A_1165 = tpu.matmul %convert_element_type3A_1157, %slice3A_468, %dot_general3A_1164 {dimension_numbers = #tpu.dot_dimension_numbers<[0], [0], [1], [1], [0, 1, 1, 1], [], []>, transpose_lhs_hint = false} : vector<128x1024xf32>, vector<128x512xf32>, vector<1024x512xf32> -> vector<1024x512xf32>
      %dot_general3A_1166 = arith.constant dense<0.000000e+00> : vector<1024x512xf32>
      %dot_general3A_1167 = tpu.matmul %convert_element_type3A_1163, %dot_general3A_302, %dot_general3A_1166 {dimension_numbers = #tpu.dot_dimension_numbers<[0], [0], [1], [1], [0, 1, 1, 1], [], []>, transpose_lhs_hint = false} : vector<512x1024xf32>, vector<512x512xf32>, vector<1024x512xf32> -> vector<1024x512xf32>
      %add3A_1168 = arith.addf %dot_general3A_1165, %dot_general3A_1167 : vector<1024x512xf32>
      %logistic3A_1169 = arith.negf %add3A_1168 : vector<1024x512xf32>
      %logistic3A_1170 = math.exp %logistic3A_1169 : vector<1024x512xf32>
      %logistic3A_1171 = arith.constant 1.000000e+00 : f32
      %logistic3A_1172 = vector.broadcast %logistic3A_1171 : f32 to vector<1024x512xf32>
      %logistic3A_1173 = arith.addf %logistic3A_1172, %logistic3A_1170 : vector<1024x512xf32>
      %logistic3A_1174 = arith.divf %logistic3A_1172, %logistic3A_1173 : vector<1024x512xf32>
      %mul3A_1175 = arith.mulf %add3A_1168, %logistic3A_1174 : vector<1024x512xf32>
      %dot_general3A_1176 = arith.constant dense<0.000000e+00> : vector<128x512xf32>
      %dot_general3A_1177 = tpu.matmul %convert_element_type3A_1157, %mul3A_1175, %dot_general3A_1176 {dimension_numbers = #tpu.dot_dimension_numbers<[1], [0], [0], [1], [0, 0, 1, 1], [], []>, transpose_lhs_hint = false} : vector<128x1024xf32>, vector<1024x512xf32>, vector<128x512xf32> -> vector<128x512xf32>
      %add3A_1178 = arith.addf %while3A_1133, %dot_general3A_1177 : vector<128x512xf32>
      scf.yield %add3A_1178 : vector<128x512xf32>
    }
    %get3A_508 = arith.constant 1 : index
    %get3A_509 = arith.constant 0 : index
    %get3A_510 = arith.constant 0 : index
    %get3A_511 = vector.load %arg9[%get3A_508, %get3A_509, %get3A_510] : memref<4x512x256xf32, #tpu.memory_space<vmem>>, vector<1x512x256xf32>
    %get3A_512 = vector.shape_cast %get3A_511 : vector<1x512x256xf32> to vector<512x256xf32>
    %dot_general3A_513 = arith.constant dense<0.000000e+00> : vector<128x256xf32>
    %dot_general3A_514 = tpu.matmul %while3A_507, %get3A_512, %dot_general3A_513 {dimension_numbers = #tpu.dot_dimension_numbers<[1], [0], [0], [1], [0, 0, 1, 1], [], []>, transpose_lhs_hint = false} : vector<128x512xf32>, vector<512x256xf32>, vector<128x256xf32> -> vector<128x256xf32>
    %concatenate3A_515 = tpu.concatenate %dot_general3A_355, %dot_general3A_408, %dot_general3A_461, %dot_general3A_514 in 0 : vector<128x256xf32>, vector<128x256xf32>, vector<128x256xf32>, vector<128x256xf32> -> vector<512x256xf32>
    %get3A_516 = arith.constant 1 : index
    %get3A_517 = arith.constant 0 : index
    %get3A_518 = arith.constant 0 : index
    %get3A_519 = vector.load %arg10[%get3A_516, %get3A_517, %get3A_518] : memref<4x1x256xf32, #tpu.memory_space<vmem>>, vector<1x1x256xf32>
    %get3A_520 = vector.shape_cast %get3A_519 : vector<1x1x256xf32> to vector<1x256xf32>
    %mul3A_521 = vector.broadcast %get3A_8 : vector<512x1xf32> to vector<512x256xf32>
    %mul3A_522 = vector.broadcast %get3A_520 : vector<1x256xf32> to vector<512x256xf32>
    %mul3A_523 = arith.mulf %mul3A_521, %mul3A_522 : vector<512x256xf32>
    %add3A_524 = arith.addf %concatenate3A_515, %mul3A_523 : vector<512x256xf32>
    %get3A_525 = arith.constant 1 : index
    %get3A_526 = arith.constant 0 : index
    %get3A_527 = arith.constant 0 : index
    %get3A_528 = vector.load %arg11[%get3A_525, %get3A_526, %get3A_527] : memref<4x256x256xf32, #tpu.memory_space<vmem>>, vector<1x256x256xf32>
    %get3A_529 = vector.shape_cast %get3A_528 : vector<1x256x256xf32> to vector<256x256xf32>
    %dot_general3A_530 = arith.constant dense<0.000000e+00> : vector<512x256xf32>
    %dot_general3A_531 = tpu.matmul %add3A_524, %get3A_529, %dot_general3A_530 {dimension_numbers = #tpu.dot_dimension_numbers<[1], [0], [0], [1], [0, 0, 1, 1], [], []>, transpose_lhs_hint = false} : vector<512x256xf32>, vector<256x256xf32>, vector<512x256xf32> -> vector<512x256xf32>
    %get3A_532 = arith.constant 1 : index
    %get3A_533 = arith.constant 0 : index
    %get3A_534 = arith.constant 0 : index
    %get3A_535 = vector.load %arg12[%get3A_532, %get3A_533, %get3A_534] : memref<4x1x256xf32, #tpu.memory_space<vmem>>, vector<1x1x256xf32>
    %get3A_536 = vector.shape_cast %get3A_535 : vector<1x1x256xf32> to vector<1x256xf32>
    %add3A_537 = vector.broadcast %get3A_536 : vector<1x256xf32> to vector<512x256xf32>
    %add3A_538 = arith.addf %dot_general3A_531, %add3A_537 : vector<512x256xf32>
    %logistic3A_539 = arith.negf %add3A_538 : vector<512x256xf32>
    %logistic3A_540 = math.exp %logistic3A_539 : vector<512x256xf32>
    %logistic3A_541 = arith.constant 1.000000e+00 : f32
    %logistic3A_542 = vector.broadcast %logistic3A_541 : f32 to vector<512x256xf32>
    %logistic3A_543 = arith.addf %logistic3A_542, %logistic3A_540 : vector<512x256xf32>
    %logistic3A_544 = arith.divf %logistic3A_542, %logistic3A_543 : vector<512x256xf32>
    %mul3A_545 = arith.mulf %add3A_538, %logistic3A_544 : vector<512x256xf32>
    %get3A_546 = arith.constant 1 : index
    %get3A_547 = arith.constant 0 : index
    %get3A_548 = arith.constant 0 : index
    %get3A_549 = vector.load %arg13[%get3A_546, %get3A_547, %get3A_548] : memref<4x256x256xf32, #tpu.memory_space<vmem>>, vector<1x256x256xf32>
    %get3A_550 = vector.shape_cast %get3A_549 : vector<1x256x256xf32> to vector<256x256xf32>
    %dot_general3A_551 = arith.constant dense<0.000000e+00> : vector<512x256xf32>
    %dot_general3A_552 = tpu.matmul %mul3A_545, %get3A_550, %dot_general3A_551 {dimension_numbers = #tpu.dot_dimension_numbers<[1], [0], [0], [1], [0, 0, 1, 1], [], []>, transpose_lhs_hint = false} : vector<512x256xf32>, vector<256x256xf32>, vector<512x256xf32> -> vector<512x256xf32>
    %add3A_553 = arith.addf %add3A_281, %dot_general3A_552 : vector<512x256xf32>
    %get3A_554 = arith.constant 1 : index
    %get3A_555 = arith.constant 0 : index
    %get3A_556 = arith.constant 0 : index
    %get3A_557 = vector.load %arg14[%get3A_554, %get3A_555, %get3A_556] : memref<4x1x256xf32, #tpu.memory_space<vmem>>, vector<1x1x256xf32>
    %get3A_558 = vector.shape_cast %get3A_557 : vector<1x1x256xf32> to vector<1x256xf32>
    %add3A_559 = vector.broadcast %get3A_558 : vector<1x256xf32> to vector<512x256xf32>
    %add3A_560 = arith.addf %add3A_553, %add3A_559 : vector<512x256xf32>
    %get3A_561 = arith.constant 2 : index
    %get3A_562 = arith.constant 0 : index
    %get3A_563 = arith.constant 0 : index
    %get3A_564 = vector.load %arg6[%get3A_561, %get3A_562, %get3A_563] : memref<4x256x512xf32, #tpu.memory_space<vmem>>, vector<1x256x512xf32>
    %get3A_565 = vector.shape_cast %get3A_564 : vector<1x256x512xf32> to vector<256x512xf32>
    %dot_general3A_566 = arith.constant dense<0.000000e+00> : vector<512x512xf32>
    %dot_general3A_567 = tpu.matmul %add3A_560, %get3A_565, %dot_general3A_566 {dimension_numbers = #tpu.dot_dimension_numbers<[1], [0], [0], [1], [0, 0, 1, 1], [], []>, transpose_lhs_hint = false} : vector<512x256xf32>, vector<256x512xf32>, vector<512x512xf32> -> vector<512x512xf32>
    %get3A_568 = arith.constant 2 : index
    %get3A_569 = arith.constant 0 : index
    %get3A_570 = arith.constant 0 : index
    %get3A_571 = vector.load %arg8[%get3A_568, %get3A_569, %get3A_570] : memref<4x1x512xf32, #tpu.memory_space<vmem>>, vector<1x1x512xf32>
    %get3A_572 = vector.shape_cast %get3A_571 : vector<1x1x512xf32> to vector<1x512xf32>
    %add3A_573 = vector.broadcast %get3A_572 : vector<1x512xf32> to vector<512x512xf32>
    %add3A_574 = arith.addf %dot_general3A_567, %add3A_573 : vector<512x512xf32>
    %get3A_575 = arith.constant 2 : index
    %get3A_576 = arith.constant 0 : index
    %get3A_577 = arith.constant 0 : index
    %get3A_578 = vector.load %arg7[%get3A_575, %get3A_576, %get3A_577] : memref<4x256x512xf32, #tpu.memory_space<vmem>>, vector<1x256x512xf32>
    %get3A_579 = vector.shape_cast %get3A_578 : vector<1x256x512xf32> to vector<256x512xf32>
    %dot_general3A_580 = arith.constant dense<0.000000e+00> : vector<512x512xf32>
    %dot_general3A_581 = tpu.matmul %add3A_560, %get3A_579, %dot_general3A_580 {dimension_numbers = #tpu.dot_dimension_numbers<[1], [0], [0], [1], [0, 0, 1, 1], [], []>, transpose_lhs_hint = false} : vector<512x256xf32>, vector<256x512xf32>, vector<512x512xf32> -> vector<512x512xf32>
    %mul3A_582 = arith.constant 4 : i32
    %mul3A_583 = arith.muli %arg0, %mul3A_582 : i32
    %add3A_584 = arith.constant 0 : i32
    %add3A_585 = arith.addi %mul3A_583, %add3A_584 : i32
    %get3A_586 = arith.index_cast %add3A_585 : i32 to index
    %get3A_587 = memref.load %arg1[%get3A_586] : memref<32xi32, #tpu.memory_space<smem>>
    %slice3A_588 = vector.extract_strided_slice %add3A_574 {offsets = [0, 0], sizes = [128, 512], strides = [1, 1]} : vector<512x512xf32> to vector<128x512xf32>
    %add3A_589 = arith.constant 1023 : i32
    %add3A_590 = arith.addi %get3A_587, %add3A_589 : i32
    %jit3A_591 = arith.constant 1024 : i32
    %div3A_592 = arith.divsi %add3A_590, %jit3A_591 : i32
    %sign3A_593 = arith.constant 0 : i32
    %sign3A_594 = arith.cmpi sgt, %add3A_590, %sign3A_593 : i32
    %sign3A_595 = arith.extui %sign3A_594 : i1 to i32
    %sign3A_596 = arith.constant 0 : i32
    %sign3A_597 = arith.cmpi slt, %add3A_590, %sign3A_596 : i32
    %sign3A_598 = arith.extui %sign3A_597 : i1 to i32
    %sign3A_599 = arith.subi %sign3A_595, %sign3A_598 : i32
    %sign3A_600 = arith.constant 0 : i32
    %sign3A_601 = arith.cmpi sgt, %jit3A_591, %sign3A_600 : i32
    %sign3A_602 = arith.extui %sign3A_601 : i1 to i32
    %sign3A_603 = arith.constant 0 : i32
    %sign3A_604 = arith.cmpi slt, %jit3A_591, %sign3A_603 : i32
    %sign3A_605 = arith.extui %sign3A_604 : i1 to i32
    %sign3A_606 = arith.subi %sign3A_602, %sign3A_605 : i32
    %ne3A_607 = arith.cmpi ne, %sign3A_599, %sign3A_606 : i32
    %rem3A_608 = arith.remsi %add3A_590, %jit3A_591 : i32
    %ne3A_609 = arith.constant 0 : i32
    %ne3A_610 = arith.cmpi ne, %rem3A_608, %ne3A_609 : i32
    %and3A_611 = arith.andi %ne3A_607, %ne3A_610 : i1
    %sub3A_612 = arith.constant 1 : i32
    %sub3A_613 = arith.subi %div3A_592, %sub3A_612 : i32
    %select_n3A_614 = arith.select %and3A_611, %sub3A_613, %div3A_592 : i32
    %broadcast_in_dim3A_615 = arith.constant 0.000000e+00 : f32
    %broadcast_in_dim3A_616 = vector.broadcast %broadcast_in_dim3A_615 : f32 to vector<128x512xf32>
    %while3A_617 = arith.constant 0 : i32
    %while3A_618 = arith.subi %select_n3A_614, %while3A_617 : i32
    %while3A_619 = arith.addi %while3A_617, %while3A_618 : i32
    %while3A_620 = arith.constant 1 : i32
    %while3A_621 = arith.divsi %while3A_618, %while3A_620 : i32
    %while3A_622 = arith.muli %while3A_621, %while3A_620 : i32
    %while3A_623 = arith.addi %while3A_617, %while3A_622 : i32
    %while3A_624 = arith.constant 1 : i32
    %while3A_625 = scf.for %while3A_1132 = %while3A_617 to %while3A_623 step %while3A_624 iter_args(%while3A_1133 = %broadcast_in_dim3A_616) -> (vector<128x512xf32>)  : i32 {
      %mul3A_1134 = arith.constant 1024 : i32
      %mul3A_1135 = arith.muli %while3A_1132, %mul3A_1134 : i32
      %get3A_1136 = arith.constant 0 : index
      %get3A_1137 = arith.constant 0 : index
      %get3A_1138 = arith.index_cast %mul3A_1135 : i32 to index
      %get3A_1139 = vector.load %arg4[%get3A_1136, %get3A_1137, %get3A_1138] : memref<1x4x65536xi32, #tpu.memory_space<vmem>>, vector<1x1x1024xi32>
      %get3A_1140 = vector.shape_cast %get3A_1139 : vector<1x1x1024xi32> to vector<1024xi32>
      %reshape3A = vector.shape_cast %get3A_1140 : vector<1024xi32> to vector<1x1024xi32>
      %shift_right_arithmetic3A = arith.constant 9 : i32
      %shift_right_arithmetic3A_1141 = vector.broadcast %shift_right_arithmetic3A : i32 to vector<1x1024xi32>
      %shift_right_arithmetic3A_1142 = arith.shrsi %reshape3A, %shift_right_arithmetic3A_1141 : vector<1x1024xi32>
      %and3A_1143 = arith.constant 511 : i32
      %and3A_1144 = vector.broadcast %and3A_1143 : i32 to vector<1x1024xi32>
      %and3A_1145 = arith.andi %reshape3A, %and3A_1144 : vector<1x1024xi32>
      %add3A_1146 = vector.broadcast %mul3A_1135 : i32 to vector<1x1024xi32>
      %add3A_1147 = arith.addi %add3A_1146, %iota3A_15 : vector<1x1024xi32>
      %lt3A = vector.broadcast %get3A_587 : i32 to vector<1x1024xi32>
      %lt3A_1148 = arith.cmpi slt, %add3A_1147, %lt3A : vector<1x1024xi32>
      %add3A_1149 = arith.constant 0 : i32
      %add3A_1150 = vector.broadcast %add3A_1149 : i32 to vector<128x1024xi32>
      %add3A_1151 = arith.addi %iota3A_16, %add3A_1150 : vector<128x1024xi32>
      %eq3A_1152 = vector.broadcast %shift_right_arithmetic3A_1142 : vector<1x1024xi32> to vector<128x1024xi32>
      %eq3A_1153 = arith.cmpi eq, %add3A_1151, %eq3A_1152 : vector<128x1024xi32>
      %and3A_1154 = vector.broadcast %lt3A_1148 : vector<1x1024xi1> to vector<128x1024xi1>
      %and3A_1155 = arith.andi %eq3A_1153, %and3A_1154 : vector<128x1024xi1>
      %convert_element_type3A_1156 = arith.extui %and3A_1155 : vector<128x1024xi1> to vector<128x1024xi32>
      %convert_element_type3A_1157 = arith.sitofp %convert_element_type3A_1156 : vector<128x1024xi32> to vector<128x1024xf32>
      %eq3A_1158 = vector.broadcast %and3A_1145 : vector<1x1024xi32> to vector<512x1024xi32>
      %eq3A_1159 = arith.cmpi eq, %iota3A_17, %eq3A_1158 : vector<512x1024xi32>
      %and3A_1160 = vector.broadcast %lt3A_1148 : vector<1x1024xi1> to vector<512x1024xi1>
      %and3A_1161 = arith.andi %eq3A_1159, %and3A_1160 : vector<512x1024xi1>
      %convert_element_type3A_1162 = arith.extui %and3A_1161 : vector<512x1024xi1> to vector<512x1024xi32>
      %convert_element_type3A_1163 = arith.sitofp %convert_element_type3A_1162 : vector<512x1024xi32> to vector<512x1024xf32>
      %dot_general3A_1164 = arith.constant dense<0.000000e+00> : vector<1024x512xf32>
      %dot_general3A_1165 = tpu.matmul %convert_element_type3A_1157, %slice3A_588, %dot_general3A_1164 {dimension_numbers = #tpu.dot_dimension_numbers<[0], [0], [1], [1], [0, 1, 1, 1], [], []>, transpose_lhs_hint = false} : vector<128x1024xf32>, vector<128x512xf32>, vector<1024x512xf32> -> vector<1024x512xf32>
      %dot_general3A_1166 = arith.constant dense<0.000000e+00> : vector<1024x512xf32>
      %dot_general3A_1167 = tpu.matmul %convert_element_type3A_1163, %dot_general3A_581, %dot_general3A_1166 {dimension_numbers = #tpu.dot_dimension_numbers<[0], [0], [1], [1], [0, 1, 1, 1], [], []>, transpose_lhs_hint = false} : vector<512x1024xf32>, vector<512x512xf32>, vector<1024x512xf32> -> vector<1024x512xf32>
      %add3A_1168 = arith.addf %dot_general3A_1165, %dot_general3A_1167 : vector<1024x512xf32>
      %logistic3A_1169 = arith.negf %add3A_1168 : vector<1024x512xf32>
      %logistic3A_1170 = math.exp %logistic3A_1169 : vector<1024x512xf32>
      %logistic3A_1171 = arith.constant 1.000000e+00 : f32
      %logistic3A_1172 = vector.broadcast %logistic3A_1171 : f32 to vector<1024x512xf32>
      %logistic3A_1173 = arith.addf %logistic3A_1172, %logistic3A_1170 : vector<1024x512xf32>
      %logistic3A_1174 = arith.divf %logistic3A_1172, %logistic3A_1173 : vector<1024x512xf32>
      %mul3A_1175 = arith.mulf %add3A_1168, %logistic3A_1174 : vector<1024x512xf32>
      %dot_general3A_1176 = arith.constant dense<0.000000e+00> : vector<128x512xf32>
      %dot_general3A_1177 = tpu.matmul %convert_element_type3A_1157, %mul3A_1175, %dot_general3A_1176 {dimension_numbers = #tpu.dot_dimension_numbers<[1], [0], [0], [1], [0, 0, 1, 1], [], []>, transpose_lhs_hint = false} : vector<128x1024xf32>, vector<1024x512xf32>, vector<128x512xf32> -> vector<128x512xf32>
      %add3A_1178 = arith.addf %while3A_1133, %dot_general3A_1177 : vector<128x512xf32>
      scf.yield %add3A_1178 : vector<128x512xf32>
    }
    %while3A_626 = arith.constant 1 : i32
    %while3A_627 = scf.for %while3A_1132 = %while3A_623 to %while3A_619 step %while3A_626 iter_args(%while3A_1133 = %while3A_625) -> (vector<128x512xf32>)  : i32 {
      %mul3A_1134 = arith.constant 1024 : i32
      %mul3A_1135 = arith.muli %while3A_1132, %mul3A_1134 : i32
      %get3A_1136 = arith.constant 0 : index
      %get3A_1137 = arith.constant 0 : index
      %get3A_1138 = arith.index_cast %mul3A_1135 : i32 to index
      %get3A_1139 = vector.load %arg4[%get3A_1136, %get3A_1137, %get3A_1138] : memref<1x4x65536xi32, #tpu.memory_space<vmem>>, vector<1x1x1024xi32>
      %get3A_1140 = vector.shape_cast %get3A_1139 : vector<1x1x1024xi32> to vector<1024xi32>
      %reshape3A = vector.shape_cast %get3A_1140 : vector<1024xi32> to vector<1x1024xi32>
      %shift_right_arithmetic3A = arith.constant 9 : i32
      %shift_right_arithmetic3A_1141 = vector.broadcast %shift_right_arithmetic3A : i32 to vector<1x1024xi32>
      %shift_right_arithmetic3A_1142 = arith.shrsi %reshape3A, %shift_right_arithmetic3A_1141 : vector<1x1024xi32>
      %and3A_1143 = arith.constant 511 : i32
      %and3A_1144 = vector.broadcast %and3A_1143 : i32 to vector<1x1024xi32>
      %and3A_1145 = arith.andi %reshape3A, %and3A_1144 : vector<1x1024xi32>
      %add3A_1146 = vector.broadcast %mul3A_1135 : i32 to vector<1x1024xi32>
      %add3A_1147 = arith.addi %add3A_1146, %iota3A_15 : vector<1x1024xi32>
      %lt3A = vector.broadcast %get3A_587 : i32 to vector<1x1024xi32>
      %lt3A_1148 = arith.cmpi slt, %add3A_1147, %lt3A : vector<1x1024xi32>
      %add3A_1149 = arith.constant 0 : i32
      %add3A_1150 = vector.broadcast %add3A_1149 : i32 to vector<128x1024xi32>
      %add3A_1151 = arith.addi %iota3A_16, %add3A_1150 : vector<128x1024xi32>
      %eq3A_1152 = vector.broadcast %shift_right_arithmetic3A_1142 : vector<1x1024xi32> to vector<128x1024xi32>
      %eq3A_1153 = arith.cmpi eq, %add3A_1151, %eq3A_1152 : vector<128x1024xi32>
      %and3A_1154 = vector.broadcast %lt3A_1148 : vector<1x1024xi1> to vector<128x1024xi1>
      %and3A_1155 = arith.andi %eq3A_1153, %and3A_1154 : vector<128x1024xi1>
      %convert_element_type3A_1156 = arith.extui %and3A_1155 : vector<128x1024xi1> to vector<128x1024xi32>
      %convert_element_type3A_1157 = arith.sitofp %convert_element_type3A_1156 : vector<128x1024xi32> to vector<128x1024xf32>
      %eq3A_1158 = vector.broadcast %and3A_1145 : vector<1x1024xi32> to vector<512x1024xi32>
      %eq3A_1159 = arith.cmpi eq, %iota3A_17, %eq3A_1158 : vector<512x1024xi32>
      %and3A_1160 = vector.broadcast %lt3A_1148 : vector<1x1024xi1> to vector<512x1024xi1>
      %and3A_1161 = arith.andi %eq3A_1159, %and3A_1160 : vector<512x1024xi1>
      %convert_element_type3A_1162 = arith.extui %and3A_1161 : vector<512x1024xi1> to vector<512x1024xi32>
      %convert_element_type3A_1163 = arith.sitofp %convert_element_type3A_1162 : vector<512x1024xi32> to vector<512x1024xf32>
      %dot_general3A_1164 = arith.constant dense<0.000000e+00> : vector<1024x512xf32>
      %dot_general3A_1165 = tpu.matmul %convert_element_type3A_1157, %slice3A_588, %dot_general3A_1164 {dimension_numbers = #tpu.dot_dimension_numbers<[0], [0], [1], [1], [0, 1, 1, 1], [], []>, transpose_lhs_hint = false} : vector<128x1024xf32>, vector<128x512xf32>, vector<1024x512xf32> -> vector<1024x512xf32>
      %dot_general3A_1166 = arith.constant dense<0.000000e+00> : vector<1024x512xf32>
      %dot_general3A_1167 = tpu.matmul %convert_element_type3A_1163, %dot_general3A_581, %dot_general3A_1166 {dimension_numbers = #tpu.dot_dimension_numbers<[0], [0], [1], [1], [0, 1, 1, 1], [], []>, transpose_lhs_hint = false} : vector<512x1024xf32>, vector<512x512xf32>, vector<1024x512xf32> -> vector<1024x512xf32>
      %add3A_1168 = arith.addf %dot_general3A_1165, %dot_general3A_1167 : vector<1024x512xf32>
      %logistic3A_1169 = arith.negf %add3A_1168 : vector<1024x512xf32>
      %logistic3A_1170 = math.exp %logistic3A_1169 : vector<1024x512xf32>
      %logistic3A_1171 = arith.constant 1.000000e+00 : f32
      %logistic3A_1172 = vector.broadcast %logistic3A_1171 : f32 to vector<1024x512xf32>
      %logistic3A_1173 = arith.addf %logistic3A_1172, %logistic3A_1170 : vector<1024x512xf32>
      %logistic3A_1174 = arith.divf %logistic3A_1172, %logistic3A_1173 : vector<1024x512xf32>
      %mul3A_1175 = arith.mulf %add3A_1168, %logistic3A_1174 : vector<1024x512xf32>
      %dot_general3A_1176 = arith.constant dense<0.000000e+00> : vector<128x512xf32>
      %dot_general3A_1177 = tpu.matmul %convert_element_type3A_1157, %mul3A_1175, %dot_general3A_1176 {dimension_numbers = #tpu.dot_dimension_numbers<[1], [0], [0], [1], [0, 0, 1, 1], [], []>, transpose_lhs_hint = false} : vector<128x1024xf32>, vector<1024x512xf32>, vector<128x512xf32> -> vector<128x512xf32>
      %add3A_1178 = arith.addf %while3A_1133, %dot_general3A_1177 : vector<128x512xf32>
      scf.yield %add3A_1178 : vector<128x512xf32>
    }
    %get3A_628 = arith.constant 2 : index
    %get3A_629 = arith.constant 0 : index
    %get3A_630 = arith.constant 0 : index
    %get3A_631 = vector.load %arg9[%get3A_628, %get3A_629, %get3A_630] : memref<4x512x256xf32, #tpu.memory_space<vmem>>, vector<1x512x256xf32>
    %get3A_632 = vector.shape_cast %get3A_631 : vector<1x512x256xf32> to vector<512x256xf32>
    %dot_general3A_633 = arith.constant dense<0.000000e+00> : vector<128x256xf32>
    %dot_general3A_634 = tpu.matmul %while3A_627, %get3A_632, %dot_general3A_633 {dimension_numbers = #tpu.dot_dimension_numbers<[1], [0], [0], [1], [0, 0, 1, 1], [], []>, transpose_lhs_hint = false} : vector<128x512xf32>, vector<512x256xf32>, vector<128x256xf32> -> vector<128x256xf32>
    %mul3A_635 = arith.constant 4 : i32
    %mul3A_636 = arith.muli %arg0, %mul3A_635 : i32
    %add3A_637 = arith.constant 1 : i32
    %add3A_638 = arith.addi %mul3A_636, %add3A_637 : i32
    %get3A_639 = arith.index_cast %add3A_638 : i32 to index
    %get3A_640 = memref.load %arg1[%get3A_639] : memref<32xi32, #tpu.memory_space<smem>>
    %slice3A_641 = vector.extract_strided_slice %add3A_574 {offsets = [128, 0], sizes = [128, 512], strides = [1, 1]} : vector<512x512xf32> to vector<128x512xf32>
    %add3A_642 = arith.constant 1023 : i32
    %add3A_643 = arith.addi %get3A_640, %add3A_642 : i32
    %jit3A_644 = arith.constant 1024 : i32
    %div3A_645 = arith.divsi %add3A_643, %jit3A_644 : i32
    %sign3A_646 = arith.constant 0 : i32
    %sign3A_647 = arith.cmpi sgt, %add3A_643, %sign3A_646 : i32
    %sign3A_648 = arith.extui %sign3A_647 : i1 to i32
    %sign3A_649 = arith.constant 0 : i32
    %sign3A_650 = arith.cmpi slt, %add3A_643, %sign3A_649 : i32
    %sign3A_651 = arith.extui %sign3A_650 : i1 to i32
    %sign3A_652 = arith.subi %sign3A_648, %sign3A_651 : i32
    %sign3A_653 = arith.constant 0 : i32
    %sign3A_654 = arith.cmpi sgt, %jit3A_644, %sign3A_653 : i32
    %sign3A_655 = arith.extui %sign3A_654 : i1 to i32
    %sign3A_656 = arith.constant 0 : i32
    %sign3A_657 = arith.cmpi slt, %jit3A_644, %sign3A_656 : i32
    %sign3A_658 = arith.extui %sign3A_657 : i1 to i32
    %sign3A_659 = arith.subi %sign3A_655, %sign3A_658 : i32
    %ne3A_660 = arith.cmpi ne, %sign3A_652, %sign3A_659 : i32
    %rem3A_661 = arith.remsi %add3A_643, %jit3A_644 : i32
    %ne3A_662 = arith.constant 0 : i32
    %ne3A_663 = arith.cmpi ne, %rem3A_661, %ne3A_662 : i32
    %and3A_664 = arith.andi %ne3A_660, %ne3A_663 : i1
    %sub3A_665 = arith.constant 1 : i32
    %sub3A_666 = arith.subi %div3A_645, %sub3A_665 : i32
    %select_n3A_667 = arith.select %and3A_664, %sub3A_666, %div3A_645 : i32
    %broadcast_in_dim3A_668 = arith.constant 0.000000e+00 : f32
    %broadcast_in_dim3A_669 = vector.broadcast %broadcast_in_dim3A_668 : f32 to vector<128x512xf32>
    %while3A_670 = arith.constant 0 : i32
    %while3A_671 = arith.subi %select_n3A_667, %while3A_670 : i32
    %while3A_672 = arith.addi %while3A_670, %while3A_671 : i32
    %while3A_673 = arith.constant 1 : i32
    %while3A_674 = arith.divsi %while3A_671, %while3A_673 : i32
    %while3A_675 = arith.muli %while3A_674, %while3A_673 : i32
    %while3A_676 = arith.addi %while3A_670, %while3A_675 : i32
    %while3A_677 = arith.constant 1 : i32
    %while3A_678 = scf.for %while3A_1132 = %while3A_670 to %while3A_676 step %while3A_677 iter_args(%while3A_1133 = %broadcast_in_dim3A_669) -> (vector<128x512xf32>)  : i32 {
      %mul3A_1134 = arith.constant 1024 : i32
      %mul3A_1135 = arith.muli %while3A_1132, %mul3A_1134 : i32
      %get3A_1136 = arith.constant 0 : index
      %get3A_1137 = arith.constant 1 : index
      %get3A_1138 = arith.index_cast %mul3A_1135 : i32 to index
      %get3A_1139 = vector.load %arg4[%get3A_1136, %get3A_1137, %get3A_1138] : memref<1x4x65536xi32, #tpu.memory_space<vmem>>, vector<1x1x1024xi32>
      %get3A_1140 = vector.shape_cast %get3A_1139 : vector<1x1x1024xi32> to vector<1024xi32>
      %reshape3A = vector.shape_cast %get3A_1140 : vector<1024xi32> to vector<1x1024xi32>
      %shift_right_arithmetic3A = arith.constant 9 : i32
      %shift_right_arithmetic3A_1141 = vector.broadcast %shift_right_arithmetic3A : i32 to vector<1x1024xi32>
      %shift_right_arithmetic3A_1142 = arith.shrsi %reshape3A, %shift_right_arithmetic3A_1141 : vector<1x1024xi32>
      %and3A_1143 = arith.constant 511 : i32
      %and3A_1144 = vector.broadcast %and3A_1143 : i32 to vector<1x1024xi32>
      %and3A_1145 = arith.andi %reshape3A, %and3A_1144 : vector<1x1024xi32>
      %add3A_1146 = vector.broadcast %mul3A_1135 : i32 to vector<1x1024xi32>
      %add3A_1147 = arith.addi %add3A_1146, %iota3A_15 : vector<1x1024xi32>
      %lt3A = vector.broadcast %get3A_640 : i32 to vector<1x1024xi32>
      %lt3A_1148 = arith.cmpi slt, %add3A_1147, %lt3A : vector<1x1024xi32>
      %add3A_1149 = arith.constant 128 : i32
      %add3A_1150 = vector.broadcast %add3A_1149 : i32 to vector<128x1024xi32>
      %add3A_1151 = arith.addi %iota3A_16, %add3A_1150 : vector<128x1024xi32>
      %eq3A_1152 = vector.broadcast %shift_right_arithmetic3A_1142 : vector<1x1024xi32> to vector<128x1024xi32>
      %eq3A_1153 = arith.cmpi eq, %add3A_1151, %eq3A_1152 : vector<128x1024xi32>
      %and3A_1154 = vector.broadcast %lt3A_1148 : vector<1x1024xi1> to vector<128x1024xi1>
      %and3A_1155 = arith.andi %eq3A_1153, %and3A_1154 : vector<128x1024xi1>
      %convert_element_type3A_1156 = arith.extui %and3A_1155 : vector<128x1024xi1> to vector<128x1024xi32>
      %convert_element_type3A_1157 = arith.sitofp %convert_element_type3A_1156 : vector<128x1024xi32> to vector<128x1024xf32>
      %eq3A_1158 = vector.broadcast %and3A_1145 : vector<1x1024xi32> to vector<512x1024xi32>
      %eq3A_1159 = arith.cmpi eq, %iota3A_17, %eq3A_1158 : vector<512x1024xi32>
      %and3A_1160 = vector.broadcast %lt3A_1148 : vector<1x1024xi1> to vector<512x1024xi1>
      %and3A_1161 = arith.andi %eq3A_1159, %and3A_1160 : vector<512x1024xi1>
      %convert_element_type3A_1162 = arith.extui %and3A_1161 : vector<512x1024xi1> to vector<512x1024xi32>
      %convert_element_type3A_1163 = arith.sitofp %convert_element_type3A_1162 : vector<512x1024xi32> to vector<512x1024xf32>
      %dot_general3A_1164 = arith.constant dense<0.000000e+00> : vector<1024x512xf32>
      %dot_general3A_1165 = tpu.matmul %convert_element_type3A_1157, %slice3A_641, %dot_general3A_1164 {dimension_numbers = #tpu.dot_dimension_numbers<[0], [0], [1], [1], [0, 1, 1, 1], [], []>, transpose_lhs_hint = false} : vector<128x1024xf32>, vector<128x512xf32>, vector<1024x512xf32> -> vector<1024x512xf32>
      %dot_general3A_1166 = arith.constant dense<0.000000e+00> : vector<1024x512xf32>
      %dot_general3A_1167 = tpu.matmul %convert_element_type3A_1163, %dot_general3A_581, %dot_general3A_1166 {dimension_numbers = #tpu.dot_dimension_numbers<[0], [0], [1], [1], [0, 1, 1, 1], [], []>, transpose_lhs_hint = false} : vector<512x1024xf32>, vector<512x512xf32>, vector<1024x512xf32> -> vector<1024x512xf32>
      %add3A_1168 = arith.addf %dot_general3A_1165, %dot_general3A_1167 : vector<1024x512xf32>
      %logistic3A_1169 = arith.negf %add3A_1168 : vector<1024x512xf32>
      %logistic3A_1170 = math.exp %logistic3A_1169 : vector<1024x512xf32>
      %logistic3A_1171 = arith.constant 1.000000e+00 : f32
      %logistic3A_1172 = vector.broadcast %logistic3A_1171 : f32 to vector<1024x512xf32>
      %logistic3A_1173 = arith.addf %logistic3A_1172, %logistic3A_1170 : vector<1024x512xf32>
      %logistic3A_1174 = arith.divf %logistic3A_1172, %logistic3A_1173 : vector<1024x512xf32>
      %mul3A_1175 = arith.mulf %add3A_1168, %logistic3A_1174 : vector<1024x512xf32>
      %dot_general3A_1176 = arith.constant dense<0.000000e+00> : vector<128x512xf32>
      %dot_general3A_1177 = tpu.matmul %convert_element_type3A_1157, %mul3A_1175, %dot_general3A_1176 {dimension_numbers = #tpu.dot_dimension_numbers<[1], [0], [0], [1], [0, 0, 1, 1], [], []>, transpose_lhs_hint = false} : vector<128x1024xf32>, vector<1024x512xf32>, vector<128x512xf32> -> vector<128x512xf32>
      %add3A_1178 = arith.addf %while3A_1133, %dot_general3A_1177 : vector<128x512xf32>
      scf.yield %add3A_1178 : vector<128x512xf32>
    }
    %while3A_679 = arith.constant 1 : i32
    %while3A_680 = scf.for %while3A_1132 = %while3A_676 to %while3A_672 step %while3A_679 iter_args(%while3A_1133 = %while3A_678) -> (vector<128x512xf32>)  : i32 {
      %mul3A_1134 = arith.constant 1024 : i32
      %mul3A_1135 = arith.muli %while3A_1132, %mul3A_1134 : i32
      %get3A_1136 = arith.constant 0 : index
      %get3A_1137 = arith.constant 1 : index
      %get3A_1138 = arith.index_cast %mul3A_1135 : i32 to index
      %get3A_1139 = vector.load %arg4[%get3A_1136, %get3A_1137, %get3A_1138] : memref<1x4x65536xi32, #tpu.memory_space<vmem>>, vector<1x1x1024xi32>
      %get3A_1140 = vector.shape_cast %get3A_1139 : vector<1x1x1024xi32> to vector<1024xi32>
      %reshape3A = vector.shape_cast %get3A_1140 : vector<1024xi32> to vector<1x1024xi32>
      %shift_right_arithmetic3A = arith.constant 9 : i32
      %shift_right_arithmetic3A_1141 = vector.broadcast %shift_right_arithmetic3A : i32 to vector<1x1024xi32>
      %shift_right_arithmetic3A_1142 = arith.shrsi %reshape3A, %shift_right_arithmetic3A_1141 : vector<1x1024xi32>
      %and3A_1143 = arith.constant 511 : i32
      %and3A_1144 = vector.broadcast %and3A_1143 : i32 to vector<1x1024xi32>
      %and3A_1145 = arith.andi %reshape3A, %and3A_1144 : vector<1x1024xi32>
      %add3A_1146 = vector.broadcast %mul3A_1135 : i32 to vector<1x1024xi32>
      %add3A_1147 = arith.addi %add3A_1146, %iota3A_15 : vector<1x1024xi32>
      %lt3A = vector.broadcast %get3A_640 : i32 to vector<1x1024xi32>
      %lt3A_1148 = arith.cmpi slt, %add3A_1147, %lt3A : vector<1x1024xi32>
      %add3A_1149 = arith.constant 128 : i32
      %add3A_1150 = vector.broadcast %add3A_1149 : i32 to vector<128x1024xi32>
      %add3A_1151 = arith.addi %iota3A_16, %add3A_1150 : vector<128x1024xi32>
      %eq3A_1152 = vector.broadcast %shift_right_arithmetic3A_1142 : vector<1x1024xi32> to vector<128x1024xi32>
      %eq3A_1153 = arith.cmpi eq, %add3A_1151, %eq3A_1152 : vector<128x1024xi32>
      %and3A_1154 = vector.broadcast %lt3A_1148 : vector<1x1024xi1> to vector<128x1024xi1>
      %and3A_1155 = arith.andi %eq3A_1153, %and3A_1154 : vector<128x1024xi1>
      %convert_element_type3A_1156 = arith.extui %and3A_1155 : vector<128x1024xi1> to vector<128x1024xi32>
      %convert_element_type3A_1157 = arith.sitofp %convert_element_type3A_1156 : vector<128x1024xi32> to vector<128x1024xf32>
      %eq3A_1158 = vector.broadcast %and3A_1145 : vector<1x1024xi32> to vector<512x1024xi32>
      %eq3A_1159 = arith.cmpi eq, %iota3A_17, %eq3A_1158 : vector<512x1024xi32>
      %and3A_1160 = vector.broadcast %lt3A_1148 : vector<1x1024xi1> to vector<512x1024xi1>
      %and3A_1161 = arith.andi %eq3A_1159, %and3A_1160 : vector<512x1024xi1>
      %convert_element_type3A_1162 = arith.extui %and3A_1161 : vector<512x1024xi1> to vector<512x1024xi32>
      %convert_element_type3A_1163 = arith.sitofp %convert_element_type3A_1162 : vector<512x1024xi32> to vector<512x1024xf32>
      %dot_general3A_1164 = arith.constant dense<0.000000e+00> : vector<1024x512xf32>
      %dot_general3A_1165 = tpu.matmul %convert_element_type3A_1157, %slice3A_641, %dot_general3A_1164 {dimension_numbers = #tpu.dot_dimension_numbers<[0], [0], [1], [1], [0, 1, 1, 1], [], []>, transpose_lhs_hint = false} : vector<128x1024xf32>, vector<128x512xf32>, vector<1024x512xf32> -> vector<1024x512xf32>
      %dot_general3A_1166 = arith.constant dense<0.000000e+00> : vector<1024x512xf32>
      %dot_general3A_1167 = tpu.matmul %convert_element_type3A_1163, %dot_general3A_581, %dot_general3A_1166 {dimension_numbers = #tpu.dot_dimension_numbers<[0], [0], [1], [1], [0, 1, 1, 1], [], []>, transpose_lhs_hint = false} : vector<512x1024xf32>, vector<512x512xf32>, vector<1024x512xf32> -> vector<1024x512xf32>
      %add3A_1168 = arith.addf %dot_general3A_1165, %dot_general3A_1167 : vector<1024x512xf32>
      %logistic3A_1169 = arith.negf %add3A_1168 : vector<1024x512xf32>
      %logistic3A_1170 = math.exp %logistic3A_1169 : vector<1024x512xf32>
      %logistic3A_1171 = arith.constant 1.000000e+00 : f32
      %logistic3A_1172 = vector.broadcast %logistic3A_1171 : f32 to vector<1024x512xf32>
      %logistic3A_1173 = arith.addf %logistic3A_1172, %logistic3A_1170 : vector<1024x512xf32>
      %logistic3A_1174 = arith.divf %logistic3A_1172, %logistic3A_1173 : vector<1024x512xf32>
      %mul3A_1175 = arith.mulf %add3A_1168, %logistic3A_1174 : vector<1024x512xf32>
      %dot_general3A_1176 = arith.constant dense<0.000000e+00> : vector<128x512xf32>
      %dot_general3A_1177 = tpu.matmul %convert_element_type3A_1157, %mul3A_1175, %dot_general3A_1176 {dimension_numbers = #tpu.dot_dimension_numbers<[1], [0], [0], [1], [0, 0, 1, 1], [], []>, transpose_lhs_hint = false} : vector<128x1024xf32>, vector<1024x512xf32>, vector<128x512xf32> -> vector<128x512xf32>
      %add3A_1178 = arith.addf %while3A_1133, %dot_general3A_1177 : vector<128x512xf32>
      scf.yield %add3A_1178 : vector<128x512xf32>
    }
    %get3A_681 = arith.constant 2 : index
    %get3A_682 = arith.constant 0 : index
    %get3A_683 = arith.constant 0 : index
    %get3A_684 = vector.load %arg9[%get3A_681, %get3A_682, %get3A_683] : memref<4x512x256xf32, #tpu.memory_space<vmem>>, vector<1x512x256xf32>
    %get3A_685 = vector.shape_cast %get3A_684 : vector<1x512x256xf32> to vector<512x256xf32>
    %dot_general3A_686 = arith.constant dense<0.000000e+00> : vector<128x256xf32>
    %dot_general3A_687 = tpu.matmul %while3A_680, %get3A_685, %dot_general3A_686 {dimension_numbers = #tpu.dot_dimension_numbers<[1], [0], [0], [1], [0, 0, 1, 1], [], []>, transpose_lhs_hint = false} : vector<128x512xf32>, vector<512x256xf32>, vector<128x256xf32> -> vector<128x256xf32>
    %mul3A_688 = arith.constant 4 : i32
    %mul3A_689 = arith.muli %arg0, %mul3A_688 : i32
    %add3A_690 = arith.constant 2 : i32
    %add3A_691 = arith.addi %mul3A_689, %add3A_690 : i32
    %get3A_692 = arith.index_cast %add3A_691 : i32 to index
    %get3A_693 = memref.load %arg1[%get3A_692] : memref<32xi32, #tpu.memory_space<smem>>
    %slice3A_694 = vector.extract_strided_slice %add3A_574 {offsets = [256, 0], sizes = [128, 512], strides = [1, 1]} : vector<512x512xf32> to vector<128x512xf32>
    %add3A_695 = arith.constant 1023 : i32
    %add3A_696 = arith.addi %get3A_693, %add3A_695 : i32
    %jit3A_697 = arith.constant 1024 : i32
    %div3A_698 = arith.divsi %add3A_696, %jit3A_697 : i32
    %sign3A_699 = arith.constant 0 : i32
    %sign3A_700 = arith.cmpi sgt, %add3A_696, %sign3A_699 : i32
    %sign3A_701 = arith.extui %sign3A_700 : i1 to i32
    %sign3A_702 = arith.constant 0 : i32
    %sign3A_703 = arith.cmpi slt, %add3A_696, %sign3A_702 : i32
    %sign3A_704 = arith.extui %sign3A_703 : i1 to i32
    %sign3A_705 = arith.subi %sign3A_701, %sign3A_704 : i32
    %sign3A_706 = arith.constant 0 : i32
    %sign3A_707 = arith.cmpi sgt, %jit3A_697, %sign3A_706 : i32
    %sign3A_708 = arith.extui %sign3A_707 : i1 to i32
    %sign3A_709 = arith.constant 0 : i32
    %sign3A_710 = arith.cmpi slt, %jit3A_697, %sign3A_709 : i32
    %sign3A_711 = arith.extui %sign3A_710 : i1 to i32
    %sign3A_712 = arith.subi %sign3A_708, %sign3A_711 : i32
    %ne3A_713 = arith.cmpi ne, %sign3A_705, %sign3A_712 : i32
    %rem3A_714 = arith.remsi %add3A_696, %jit3A_697 : i32
    %ne3A_715 = arith.constant 0 : i32
    %ne3A_716 = arith.cmpi ne, %rem3A_714, %ne3A_715 : i32
    %and3A_717 = arith.andi %ne3A_713, %ne3A_716 : i1
    %sub3A_718 = arith.constant 1 : i32
    %sub3A_719 = arith.subi %div3A_698, %sub3A_718 : i32
    %select_n3A_720 = arith.select %and3A_717, %sub3A_719, %div3A_698 : i32
    %broadcast_in_dim3A_721 = arith.constant 0.000000e+00 : f32
    %broadcast_in_dim3A_722 = vector.broadcast %broadcast_in_dim3A_721 : f32 to vector<128x512xf32>
    %while3A_723 = arith.constant 0 : i32
    %while3A_724 = arith.subi %select_n3A_720, %while3A_723 : i32
    %while3A_725 = arith.addi %while3A_723, %while3A_724 : i32
    %while3A_726 = arith.constant 1 : i32
    %while3A_727 = arith.divsi %while3A_724, %while3A_726 : i32
    %while3A_728 = arith.muli %while3A_727, %while3A_726 : i32
    %while3A_729 = arith.addi %while3A_723, %while3A_728 : i32
    %while3A_730 = arith.constant 1 : i32
    %while3A_731 = scf.for %while3A_1132 = %while3A_723 to %while3A_729 step %while3A_730 iter_args(%while3A_1133 = %broadcast_in_dim3A_722) -> (vector<128x512xf32>)  : i32 {
      %mul3A_1134 = arith.constant 1024 : i32
      %mul3A_1135 = arith.muli %while3A_1132, %mul3A_1134 : i32
      %get3A_1136 = arith.constant 0 : index
      %get3A_1137 = arith.constant 2 : index
      %get3A_1138 = arith.index_cast %mul3A_1135 : i32 to index
      %get3A_1139 = vector.load %arg4[%get3A_1136, %get3A_1137, %get3A_1138] : memref<1x4x65536xi32, #tpu.memory_space<vmem>>, vector<1x1x1024xi32>
      %get3A_1140 = vector.shape_cast %get3A_1139 : vector<1x1x1024xi32> to vector<1024xi32>
      %reshape3A = vector.shape_cast %get3A_1140 : vector<1024xi32> to vector<1x1024xi32>
      %shift_right_arithmetic3A = arith.constant 9 : i32
      %shift_right_arithmetic3A_1141 = vector.broadcast %shift_right_arithmetic3A : i32 to vector<1x1024xi32>
      %shift_right_arithmetic3A_1142 = arith.shrsi %reshape3A, %shift_right_arithmetic3A_1141 : vector<1x1024xi32>
      %and3A_1143 = arith.constant 511 : i32
      %and3A_1144 = vector.broadcast %and3A_1143 : i32 to vector<1x1024xi32>
      %and3A_1145 = arith.andi %reshape3A, %and3A_1144 : vector<1x1024xi32>
      %add3A_1146 = vector.broadcast %mul3A_1135 : i32 to vector<1x1024xi32>
      %add3A_1147 = arith.addi %add3A_1146, %iota3A_15 : vector<1x1024xi32>
      %lt3A = vector.broadcast %get3A_693 : i32 to vector<1x1024xi32>
      %lt3A_1148 = arith.cmpi slt, %add3A_1147, %lt3A : vector<1x1024xi32>
      %add3A_1149 = arith.constant 256 : i32
      %add3A_1150 = vector.broadcast %add3A_1149 : i32 to vector<128x1024xi32>
      %add3A_1151 = arith.addi %iota3A_16, %add3A_1150 : vector<128x1024xi32>
      %eq3A_1152 = vector.broadcast %shift_right_arithmetic3A_1142 : vector<1x1024xi32> to vector<128x1024xi32>
      %eq3A_1153 = arith.cmpi eq, %add3A_1151, %eq3A_1152 : vector<128x1024xi32>
      %and3A_1154 = vector.broadcast %lt3A_1148 : vector<1x1024xi1> to vector<128x1024xi1>
      %and3A_1155 = arith.andi %eq3A_1153, %and3A_1154 : vector<128x1024xi1>
      %convert_element_type3A_1156 = arith.extui %and3A_1155 : vector<128x1024xi1> to vector<128x1024xi32>
      %convert_element_type3A_1157 = arith.sitofp %convert_element_type3A_1156 : vector<128x1024xi32> to vector<128x1024xf32>
      %eq3A_1158 = vector.broadcast %and3A_1145 : vector<1x1024xi32> to vector<512x1024xi32>
      %eq3A_1159 = arith.cmpi eq, %iota3A_17, %eq3A_1158 : vector<512x1024xi32>
      %and3A_1160 = vector.broadcast %lt3A_1148 : vector<1x1024xi1> to vector<512x1024xi1>
      %and3A_1161 = arith.andi %eq3A_1159, %and3A_1160 : vector<512x1024xi1>
      %convert_element_type3A_1162 = arith.extui %and3A_1161 : vector<512x1024xi1> to vector<512x1024xi32>
      %convert_element_type3A_1163 = arith.sitofp %convert_element_type3A_1162 : vector<512x1024xi32> to vector<512x1024xf32>
      %dot_general3A_1164 = arith.constant dense<0.000000e+00> : vector<1024x512xf32>
      %dot_general3A_1165 = tpu.matmul %convert_element_type3A_1157, %slice3A_694, %dot_general3A_1164 {dimension_numbers = #tpu.dot_dimension_numbers<[0], [0], [1], [1], [0, 1, 1, 1], [], []>, transpose_lhs_hint = false} : vector<128x1024xf32>, vector<128x512xf32>, vector<1024x512xf32> -> vector<1024x512xf32>
      %dot_general3A_1166 = arith.constant dense<0.000000e+00> : vector<1024x512xf32>
      %dot_general3A_1167 = tpu.matmul %convert_element_type3A_1163, %dot_general3A_581, %dot_general3A_1166 {dimension_numbers = #tpu.dot_dimension_numbers<[0], [0], [1], [1], [0, 1, 1, 1], [], []>, transpose_lhs_hint = false} : vector<512x1024xf32>, vector<512x512xf32>, vector<1024x512xf32> -> vector<1024x512xf32>
      %add3A_1168 = arith.addf %dot_general3A_1165, %dot_general3A_1167 : vector<1024x512xf32>
      %logistic3A_1169 = arith.negf %add3A_1168 : vector<1024x512xf32>
      %logistic3A_1170 = math.exp %logistic3A_1169 : vector<1024x512xf32>
      %logistic3A_1171 = arith.constant 1.000000e+00 : f32
      %logistic3A_1172 = vector.broadcast %logistic3A_1171 : f32 to vector<1024x512xf32>
      %logistic3A_1173 = arith.addf %logistic3A_1172, %logistic3A_1170 : vector<1024x512xf32>
      %logistic3A_1174 = arith.divf %logistic3A_1172, %logistic3A_1173 : vector<1024x512xf32>
      %mul3A_1175 = arith.mulf %add3A_1168, %logistic3A_1174 : vector<1024x512xf32>
      %dot_general3A_1176 = arith.constant dense<0.000000e+00> : vector<128x512xf32>
      %dot_general3A_1177 = tpu.matmul %convert_element_type3A_1157, %mul3A_1175, %dot_general3A_1176 {dimension_numbers = #tpu.dot_dimension_numbers<[1], [0], [0], [1], [0, 0, 1, 1], [], []>, transpose_lhs_hint = false} : vector<128x1024xf32>, vector<1024x512xf32>, vector<128x512xf32> -> vector<128x512xf32>
      %add3A_1178 = arith.addf %while3A_1133, %dot_general3A_1177 : vector<128x512xf32>
      scf.yield %add3A_1178 : vector<128x512xf32>
    }
    %while3A_732 = arith.constant 1 : i32
    %while3A_733 = scf.for %while3A_1132 = %while3A_729 to %while3A_725 step %while3A_732 iter_args(%while3A_1133 = %while3A_731) -> (vector<128x512xf32>)  : i32 {
      %mul3A_1134 = arith.constant 1024 : i32
      %mul3A_1135 = arith.muli %while3A_1132, %mul3A_1134 : i32
      %get3A_1136 = arith.constant 0 : index
      %get3A_1137 = arith.constant 2 : index
      %get3A_1138 = arith.index_cast %mul3A_1135 : i32 to index
      %get3A_1139 = vector.load %arg4[%get3A_1136, %get3A_1137, %get3A_1138] : memref<1x4x65536xi32, #tpu.memory_space<vmem>>, vector<1x1x1024xi32>
      %get3A_1140 = vector.shape_cast %get3A_1139 : vector<1x1x1024xi32> to vector<1024xi32>
      %reshape3A = vector.shape_cast %get3A_1140 : vector<1024xi32> to vector<1x1024xi32>
      %shift_right_arithmetic3A = arith.constant 9 : i32
      %shift_right_arithmetic3A_1141 = vector.broadcast %shift_right_arithmetic3A : i32 to vector<1x1024xi32>
      %shift_right_arithmetic3A_1142 = arith.shrsi %reshape3A, %shift_right_arithmetic3A_1141 : vector<1x1024xi32>
      %and3A_1143 = arith.constant 511 : i32
      %and3A_1144 = vector.broadcast %and3A_1143 : i32 to vector<1x1024xi32>
      %and3A_1145 = arith.andi %reshape3A, %and3A_1144 : vector<1x1024xi32>
      %add3A_1146 = vector.broadcast %mul3A_1135 : i32 to vector<1x1024xi32>
      %add3A_1147 = arith.addi %add3A_1146, %iota3A_15 : vector<1x1024xi32>
      %lt3A = vector.broadcast %get3A_693 : i32 to vector<1x1024xi32>
      %lt3A_1148 = arith.cmpi slt, %add3A_1147, %lt3A : vector<1x1024xi32>
      %add3A_1149 = arith.constant 256 : i32
      %add3A_1150 = vector.broadcast %add3A_1149 : i32 to vector<128x1024xi32>
      %add3A_1151 = arith.addi %iota3A_16, %add3A_1150 : vector<128x1024xi32>
      %eq3A_1152 = vector.broadcast %shift_right_arithmetic3A_1142 : vector<1x1024xi32> to vector<128x1024xi32>
      %eq3A_1153 = arith.cmpi eq, %add3A_1151, %eq3A_1152 : vector<128x1024xi32>
      %and3A_1154 = vector.broadcast %lt3A_1148 : vector<1x1024xi1> to vector<128x1024xi1>
      %and3A_1155 = arith.andi %eq3A_1153, %and3A_1154 : vector<128x1024xi1>
      %convert_element_type3A_1156 = arith.extui %and3A_1155 : vector<128x1024xi1> to vector<128x1024xi32>
      %convert_element_type3A_1157 = arith.sitofp %convert_element_type3A_1156 : vector<128x1024xi32> to vector<128x1024xf32>
      %eq3A_1158 = vector.broadcast %and3A_1145 : vector<1x1024xi32> to vector<512x1024xi32>
      %eq3A_1159 = arith.cmpi eq, %iota3A_17, %eq3A_1158 : vector<512x1024xi32>
      %and3A_1160 = vector.broadcast %lt3A_1148 : vector<1x1024xi1> to vector<512x1024xi1>
      %and3A_1161 = arith.andi %eq3A_1159, %and3A_1160 : vector<512x1024xi1>
      %convert_element_type3A_1162 = arith.extui %and3A_1161 : vector<512x1024xi1> to vector<512x1024xi32>
      %convert_element_type3A_1163 = arith.sitofp %convert_element_type3A_1162 : vector<512x1024xi32> to vector<512x1024xf32>
      %dot_general3A_1164 = arith.constant dense<0.000000e+00> : vector<1024x512xf32>
      %dot_general3A_1165 = tpu.matmul %convert_element_type3A_1157, %slice3A_694, %dot_general3A_1164 {dimension_numbers = #tpu.dot_dimension_numbers<[0], [0], [1], [1], [0, 1, 1, 1], [], []>, transpose_lhs_hint = false} : vector<128x1024xf32>, vector<128x512xf32>, vector<1024x512xf32> -> vector<1024x512xf32>
      %dot_general3A_1166 = arith.constant dense<0.000000e+00> : vector<1024x512xf32>
      %dot_general3A_1167 = tpu.matmul %convert_element_type3A_1163, %dot_general3A_581, %dot_general3A_1166 {dimension_numbers = #tpu.dot_dimension_numbers<[0], [0], [1], [1], [0, 1, 1, 1], [], []>, transpose_lhs_hint = false} : vector<512x1024xf32>, vector<512x512xf32>, vector<1024x512xf32> -> vector<1024x512xf32>
      %add3A_1168 = arith.addf %dot_general3A_1165, %dot_general3A_1167 : vector<1024x512xf32>
      %logistic3A_1169 = arith.negf %add3A_1168 : vector<1024x512xf32>
      %logistic3A_1170 = math.exp %logistic3A_1169 : vector<1024x512xf32>
      %logistic3A_1171 = arith.constant 1.000000e+00 : f32
      %logistic3A_1172 = vector.broadcast %logistic3A_1171 : f32 to vector<1024x512xf32>
      %logistic3A_1173 = arith.addf %logistic3A_1172, %logistic3A_1170 : vector<1024x512xf32>
      %logistic3A_1174 = arith.divf %logistic3A_1172, %logistic3A_1173 : vector<1024x512xf32>
      %mul3A_1175 = arith.mulf %add3A_1168, %logistic3A_1174 : vector<1024x512xf32>
      %dot_general3A_1176 = arith.constant dense<0.000000e+00> : vector<128x512xf32>
      %dot_general3A_1177 = tpu.matmul %convert_element_type3A_1157, %mul3A_1175, %dot_general3A_1176 {dimension_numbers = #tpu.dot_dimension_numbers<[1], [0], [0], [1], [0, 0, 1, 1], [], []>, transpose_lhs_hint = false} : vector<128x1024xf32>, vector<1024x512xf32>, vector<128x512xf32> -> vector<128x512xf32>
      %add3A_1178 = arith.addf %while3A_1133, %dot_general3A_1177 : vector<128x512xf32>
      scf.yield %add3A_1178 : vector<128x512xf32>
    }
    %get3A_734 = arith.constant 2 : index
    %get3A_735 = arith.constant 0 : index
    %get3A_736 = arith.constant 0 : index
    %get3A_737 = vector.load %arg9[%get3A_734, %get3A_735, %get3A_736] : memref<4x512x256xf32, #tpu.memory_space<vmem>>, vector<1x512x256xf32>
    %get3A_738 = vector.shape_cast %get3A_737 : vector<1x512x256xf32> to vector<512x256xf32>
    %dot_general3A_739 = arith.constant dense<0.000000e+00> : vector<128x256xf32>
    %dot_general3A_740 = tpu.matmul %while3A_733, %get3A_738, %dot_general3A_739 {dimension_numbers = #tpu.dot_dimension_numbers<[1], [0], [0], [1], [0, 0, 1, 1], [], []>, transpose_lhs_hint = false} : vector<128x512xf32>, vector<512x256xf32>, vector<128x256xf32> -> vector<128x256xf32>
    %mul3A_741 = arith.constant 4 : i32
    %mul3A_742 = arith.muli %arg0, %mul3A_741 : i32
    %add3A_743 = arith.constant 3 : i32
    %add3A_744 = arith.addi %mul3A_742, %add3A_743 : i32
    %get3A_745 = arith.index_cast %add3A_744 : i32 to index
    %get3A_746 = memref.load %arg1[%get3A_745] : memref<32xi32, #tpu.memory_space<smem>>
    %slice3A_747 = vector.extract_strided_slice %add3A_574 {offsets = [384, 0], sizes = [128, 512], strides = [1, 1]} : vector<512x512xf32> to vector<128x512xf32>
    %add3A_748 = arith.constant 1023 : i32
    %add3A_749 = arith.addi %get3A_746, %add3A_748 : i32
    %jit3A_750 = arith.constant 1024 : i32
    %div3A_751 = arith.divsi %add3A_749, %jit3A_750 : i32
    %sign3A_752 = arith.constant 0 : i32
    %sign3A_753 = arith.cmpi sgt, %add3A_749, %sign3A_752 : i32
    %sign3A_754 = arith.extui %sign3A_753 : i1 to i32
    %sign3A_755 = arith.constant 0 : i32
    %sign3A_756 = arith.cmpi slt, %add3A_749, %sign3A_755 : i32
    %sign3A_757 = arith.extui %sign3A_756 : i1 to i32
    %sign3A_758 = arith.subi %sign3A_754, %sign3A_757 : i32
    %sign3A_759 = arith.constant 0 : i32
    %sign3A_760 = arith.cmpi sgt, %jit3A_750, %sign3A_759 : i32
    %sign3A_761 = arith.extui %sign3A_760 : i1 to i32
    %sign3A_762 = arith.constant 0 : i32
    %sign3A_763 = arith.cmpi slt, %jit3A_750, %sign3A_762 : i32
    %sign3A_764 = arith.extui %sign3A_763 : i1 to i32
    %sign3A_765 = arith.subi %sign3A_761, %sign3A_764 : i32
    %ne3A_766 = arith.cmpi ne, %sign3A_758, %sign3A_765 : i32
    %rem3A_767 = arith.remsi %add3A_749, %jit3A_750 : i32
    %ne3A_768 = arith.constant 0 : i32
    %ne3A_769 = arith.cmpi ne, %rem3A_767, %ne3A_768 : i32
    %and3A_770 = arith.andi %ne3A_766, %ne3A_769 : i1
    %sub3A_771 = arith.constant 1 : i32
    %sub3A_772 = arith.subi %div3A_751, %sub3A_771 : i32
    %select_n3A_773 = arith.select %and3A_770, %sub3A_772, %div3A_751 : i32
    %broadcast_in_dim3A_774 = arith.constant 0.000000e+00 : f32
    %broadcast_in_dim3A_775 = vector.broadcast %broadcast_in_dim3A_774 : f32 to vector<128x512xf32>
    %while3A_776 = arith.constant 0 : i32
    %while3A_777 = arith.subi %select_n3A_773, %while3A_776 : i32
    %while3A_778 = arith.addi %while3A_776, %while3A_777 : i32
    %while3A_779 = arith.constant 1 : i32
    %while3A_780 = arith.divsi %while3A_777, %while3A_779 : i32
    %while3A_781 = arith.muli %while3A_780, %while3A_779 : i32
    %while3A_782 = arith.addi %while3A_776, %while3A_781 : i32
    %while3A_783 = arith.constant 1 : i32
    %while3A_784 = scf.for %while3A_1132 = %while3A_776 to %while3A_782 step %while3A_783 iter_args(%while3A_1133 = %broadcast_in_dim3A_775) -> (vector<128x512xf32>)  : i32 {
      %mul3A_1134 = arith.constant 1024 : i32
      %mul3A_1135 = arith.muli %while3A_1132, %mul3A_1134 : i32
      %get3A_1136 = arith.constant 0 : index
      %get3A_1137 = arith.constant 3 : index
      %get3A_1138 = arith.index_cast %mul3A_1135 : i32 to index
      %get3A_1139 = vector.load %arg4[%get3A_1136, %get3A_1137, %get3A_1138] : memref<1x4x65536xi32, #tpu.memory_space<vmem>>, vector<1x1x1024xi32>
      %get3A_1140 = vector.shape_cast %get3A_1139 : vector<1x1x1024xi32> to vector<1024xi32>
      %reshape3A = vector.shape_cast %get3A_1140 : vector<1024xi32> to vector<1x1024xi32>
      %shift_right_arithmetic3A = arith.constant 9 : i32
      %shift_right_arithmetic3A_1141 = vector.broadcast %shift_right_arithmetic3A : i32 to vector<1x1024xi32>
      %shift_right_arithmetic3A_1142 = arith.shrsi %reshape3A, %shift_right_arithmetic3A_1141 : vector<1x1024xi32>
      %and3A_1143 = arith.constant 511 : i32
      %and3A_1144 = vector.broadcast %and3A_1143 : i32 to vector<1x1024xi32>
      %and3A_1145 = arith.andi %reshape3A, %and3A_1144 : vector<1x1024xi32>
      %add3A_1146 = vector.broadcast %mul3A_1135 : i32 to vector<1x1024xi32>
      %add3A_1147 = arith.addi %add3A_1146, %iota3A_15 : vector<1x1024xi32>
      %lt3A = vector.broadcast %get3A_746 : i32 to vector<1x1024xi32>
      %lt3A_1148 = arith.cmpi slt, %add3A_1147, %lt3A : vector<1x1024xi32>
      %add3A_1149 = arith.constant 384 : i32
      %add3A_1150 = vector.broadcast %add3A_1149 : i32 to vector<128x1024xi32>
      %add3A_1151 = arith.addi %iota3A_16, %add3A_1150 : vector<128x1024xi32>
      %eq3A_1152 = vector.broadcast %shift_right_arithmetic3A_1142 : vector<1x1024xi32> to vector<128x1024xi32>
      %eq3A_1153 = arith.cmpi eq, %add3A_1151, %eq3A_1152 : vector<128x1024xi32>
      %and3A_1154 = vector.broadcast %lt3A_1148 : vector<1x1024xi1> to vector<128x1024xi1>
      %and3A_1155 = arith.andi %eq3A_1153, %and3A_1154 : vector<128x1024xi1>
      %convert_element_type3A_1156 = arith.extui %and3A_1155 : vector<128x1024xi1> to vector<128x1024xi32>
      %convert_element_type3A_1157 = arith.sitofp %convert_element_type3A_1156 : vector<128x1024xi32> to vector<128x1024xf32>
      %eq3A_1158 = vector.broadcast %and3A_1145 : vector<1x1024xi32> to vector<512x1024xi32>
      %eq3A_1159 = arith.cmpi eq, %iota3A_17, %eq3A_1158 : vector<512x1024xi32>
      %and3A_1160 = vector.broadcast %lt3A_1148 : vector<1x1024xi1> to vector<512x1024xi1>
      %and3A_1161 = arith.andi %eq3A_1159, %and3A_1160 : vector<512x1024xi1>
      %convert_element_type3A_1162 = arith.extui %and3A_1161 : vector<512x1024xi1> to vector<512x1024xi32>
      %convert_element_type3A_1163 = arith.sitofp %convert_element_type3A_1162 : vector<512x1024xi32> to vector<512x1024xf32>
      %dot_general3A_1164 = arith.constant dense<0.000000e+00> : vector<1024x512xf32>
      %dot_general3A_1165 = tpu.matmul %convert_element_type3A_1157, %slice3A_747, %dot_general3A_1164 {dimension_numbers = #tpu.dot_dimension_numbers<[0], [0], [1], [1], [0, 1, 1, 1], [], []>, transpose_lhs_hint = false} : vector<128x1024xf32>, vector<128x512xf32>, vector<1024x512xf32> -> vector<1024x512xf32>
      %dot_general3A_1166 = arith.constant dense<0.000000e+00> : vector<1024x512xf32>
      %dot_general3A_1167 = tpu.matmul %convert_element_type3A_1163, %dot_general3A_581, %dot_general3A_1166 {dimension_numbers = #tpu.dot_dimension_numbers<[0], [0], [1], [1], [0, 1, 1, 1], [], []>, transpose_lhs_hint = false} : vector<512x1024xf32>, vector<512x512xf32>, vector<1024x512xf32> -> vector<1024x512xf32>
      %add3A_1168 = arith.addf %dot_general3A_1165, %dot_general3A_1167 : vector<1024x512xf32>
      %logistic3A_1169 = arith.negf %add3A_1168 : vector<1024x512xf32>
      %logistic3A_1170 = math.exp %logistic3A_1169 : vector<1024x512xf32>
      %logistic3A_1171 = arith.constant 1.000000e+00 : f32
      %logistic3A_1172 = vector.broadcast %logistic3A_1171 : f32 to vector<1024x512xf32>
      %logistic3A_1173 = arith.addf %logistic3A_1172, %logistic3A_1170 : vector<1024x512xf32>
      %logistic3A_1174 = arith.divf %logistic3A_1172, %logistic3A_1173 : vector<1024x512xf32>
      %mul3A_1175 = arith.mulf %add3A_1168, %logistic3A_1174 : vector<1024x512xf32>
      %dot_general3A_1176 = arith.constant dense<0.000000e+00> : vector<128x512xf32>
      %dot_general3A_1177 = tpu.matmul %convert_element_type3A_1157, %mul3A_1175, %dot_general3A_1176 {dimension_numbers = #tpu.dot_dimension_numbers<[1], [0], [0], [1], [0, 0, 1, 1], [], []>, transpose_lhs_hint = false} : vector<128x1024xf32>, vector<1024x512xf32>, vector<128x512xf32> -> vector<128x512xf32>
      %add3A_1178 = arith.addf %while3A_1133, %dot_general3A_1177 : vector<128x512xf32>
      scf.yield %add3A_1178 : vector<128x512xf32>
    }
    %while3A_785 = arith.constant 1 : i32
    %while3A_786 = scf.for %while3A_1132 = %while3A_782 to %while3A_778 step %while3A_785 iter_args(%while3A_1133 = %while3A_784) -> (vector<128x512xf32>)  : i32 {
      %mul3A_1134 = arith.constant 1024 : i32
      %mul3A_1135 = arith.muli %while3A_1132, %mul3A_1134 : i32
      %get3A_1136 = arith.constant 0 : index
      %get3A_1137 = arith.constant 3 : index
      %get3A_1138 = arith.index_cast %mul3A_1135 : i32 to index
      %get3A_1139 = vector.load %arg4[%get3A_1136, %get3A_1137, %get3A_1138] : memref<1x4x65536xi32, #tpu.memory_space<vmem>>, vector<1x1x1024xi32>
      %get3A_1140 = vector.shape_cast %get3A_1139 : vector<1x1x1024xi32> to vector<1024xi32>
      %reshape3A = vector.shape_cast %get3A_1140 : vector<1024xi32> to vector<1x1024xi32>
      %shift_right_arithmetic3A = arith.constant 9 : i32
      %shift_right_arithmetic3A_1141 = vector.broadcast %shift_right_arithmetic3A : i32 to vector<1x1024xi32>
      %shift_right_arithmetic3A_1142 = arith.shrsi %reshape3A, %shift_right_arithmetic3A_1141 : vector<1x1024xi32>
      %and3A_1143 = arith.constant 511 : i32
      %and3A_1144 = vector.broadcast %and3A_1143 : i32 to vector<1x1024xi32>
      %and3A_1145 = arith.andi %reshape3A, %and3A_1144 : vector<1x1024xi32>
      %add3A_1146 = vector.broadcast %mul3A_1135 : i32 to vector<1x1024xi32>
      %add3A_1147 = arith.addi %add3A_1146, %iota3A_15 : vector<1x1024xi32>
      %lt3A = vector.broadcast %get3A_746 : i32 to vector<1x1024xi32>
      %lt3A_1148 = arith.cmpi slt, %add3A_1147, %lt3A : vector<1x1024xi32>
      %add3A_1149 = arith.constant 384 : i32
      %add3A_1150 = vector.broadcast %add3A_1149 : i32 to vector<128x1024xi32>
      %add3A_1151 = arith.addi %iota3A_16, %add3A_1150 : vector<128x1024xi32>
      %eq3A_1152 = vector.broadcast %shift_right_arithmetic3A_1142 : vector<1x1024xi32> to vector<128x1024xi32>
      %eq3A_1153 = arith.cmpi eq, %add3A_1151, %eq3A_1152 : vector<128x1024xi32>
      %and3A_1154 = vector.broadcast %lt3A_1148 : vector<1x1024xi1> to vector<128x1024xi1>
      %and3A_1155 = arith.andi %eq3A_1153, %and3A_1154 : vector<128x1024xi1>
      %convert_element_type3A_1156 = arith.extui %and3A_1155 : vector<128x1024xi1> to vector<128x1024xi32>
      %convert_element_type3A_1157 = arith.sitofp %convert_element_type3A_1156 : vector<128x1024xi32> to vector<128x1024xf32>
      %eq3A_1158 = vector.broadcast %and3A_1145 : vector<1x1024xi32> to vector<512x1024xi32>
      %eq3A_1159 = arith.cmpi eq, %iota3A_17, %eq3A_1158 : vector<512x1024xi32>
      %and3A_1160 = vector.broadcast %lt3A_1148 : vector<1x1024xi1> to vector<512x1024xi1>
      %and3A_1161 = arith.andi %eq3A_1159, %and3A_1160 : vector<512x1024xi1>
      %convert_element_type3A_1162 = arith.extui %and3A_1161 : vector<512x1024xi1> to vector<512x1024xi32>
      %convert_element_type3A_1163 = arith.sitofp %convert_element_type3A_1162 : vector<512x1024xi32> to vector<512x1024xf32>
      %dot_general3A_1164 = arith.constant dense<0.000000e+00> : vector<1024x512xf32>
      %dot_general3A_1165 = tpu.matmul %convert_element_type3A_1157, %slice3A_747, %dot_general3A_1164 {dimension_numbers = #tpu.dot_dimension_numbers<[0], [0], [1], [1], [0, 1, 1, 1], [], []>, transpose_lhs_hint = false} : vector<128x1024xf32>, vector<128x512xf32>, vector<1024x512xf32> -> vector<1024x512xf32>
      %dot_general3A_1166 = arith.constant dense<0.000000e+00> : vector<1024x512xf32>
      %dot_general3A_1167 = tpu.matmul %convert_element_type3A_1163, %dot_general3A_581, %dot_general3A_1166 {dimension_numbers = #tpu.dot_dimension_numbers<[0], [0], [1], [1], [0, 1, 1, 1], [], []>, transpose_lhs_hint = false} : vector<512x1024xf32>, vector<512x512xf32>, vector<1024x512xf32> -> vector<1024x512xf32>
      %add3A_1168 = arith.addf %dot_general3A_1165, %dot_general3A_1167 : vector<1024x512xf32>
      %logistic3A_1169 = arith.negf %add3A_1168 : vector<1024x512xf32>
      %logistic3A_1170 = math.exp %logistic3A_1169 : vector<1024x512xf32>
      %logistic3A_1171 = arith.constant 1.000000e+00 : f32
      %logistic3A_1172 = vector.broadcast %logistic3A_1171 : f32 to vector<1024x512xf32>
      %logistic3A_1173 = arith.addf %logistic3A_1172, %logistic3A_1170 : vector<1024x512xf32>
      %logistic3A_1174 = arith.divf %logistic3A_1172, %logistic3A_1173 : vector<1024x512xf32>
      %mul3A_1175 = arith.mulf %add3A_1168, %logistic3A_1174 : vector<1024x512xf32>
      %dot_general3A_1176 = arith.constant dense<0.000000e+00> : vector<128x512xf32>
      %dot_general3A_1177 = tpu.matmul %convert_element_type3A_1157, %mul3A_1175, %dot_general3A_1176 {dimension_numbers = #tpu.dot_dimension_numbers<[1], [0], [0], [1], [0, 0, 1, 1], [], []>, transpose_lhs_hint = false} : vector<128x1024xf32>, vector<1024x512xf32>, vector<128x512xf32> -> vector<128x512xf32>
      %add3A_1178 = arith.addf %while3A_1133, %dot_general3A_1177 : vector<128x512xf32>
      scf.yield %add3A_1178 : vector<128x512xf32>
    }
    %get3A_787 = arith.constant 2 : index
    %get3A_788 = arith.constant 0 : index
    %get3A_789 = arith.constant 0 : index
    %get3A_790 = vector.load %arg9[%get3A_787, %get3A_788, %get3A_789] : memref<4x512x256xf32, #tpu.memory_space<vmem>>, vector<1x512x256xf32>
    %get3A_791 = vector.shape_cast %get3A_790 : vector<1x512x256xf32> to vector<512x256xf32>
    %dot_general3A_792 = arith.constant dense<0.000000e+00> : vector<128x256xf32>
    %dot_general3A_793 = tpu.matmul %while3A_786, %get3A_791, %dot_general3A_792 {dimension_numbers = #tpu.dot_dimension_numbers<[1], [0], [0], [1], [0, 0, 1, 1], [], []>, transpose_lhs_hint = false} : vector<128x512xf32>, vector<512x256xf32>, vector<128x256xf32> -> vector<128x256xf32>
    %concatenate3A_794 = tpu.concatenate %dot_general3A_634, %dot_general3A_687, %dot_general3A_740, %dot_general3A_793 in 0 : vector<128x256xf32>, vector<128x256xf32>, vector<128x256xf32>, vector<128x256xf32> -> vector<512x256xf32>
    %get3A_795 = arith.constant 2 : index
    %get3A_796 = arith.constant 0 : index
    %get3A_797 = arith.constant 0 : index
    %get3A_798 = vector.load %arg10[%get3A_795, %get3A_796, %get3A_797] : memref<4x1x256xf32, #tpu.memory_space<vmem>>, vector<1x1x256xf32>
    %get3A_799 = vector.shape_cast %get3A_798 : vector<1x1x256xf32> to vector<1x256xf32>
    %mul3A_800 = vector.broadcast %get3A_8 : vector<512x1xf32> to vector<512x256xf32>
    %mul3A_801 = vector.broadcast %get3A_799 : vector<1x256xf32> to vector<512x256xf32>
    %mul3A_802 = arith.mulf %mul3A_800, %mul3A_801 : vector<512x256xf32>
    %add3A_803 = arith.addf %concatenate3A_794, %mul3A_802 : vector<512x256xf32>
    %get3A_804 = arith.constant 2 : index
    %get3A_805 = arith.constant 0 : index
    %get3A_806 = arith.constant 0 : index
    %get3A_807 = vector.load %arg11[%get3A_804, %get3A_805, %get3A_806] : memref<4x256x256xf32, #tpu.memory_space<vmem>>, vector<1x256x256xf32>
    %get3A_808 = vector.shape_cast %get3A_807 : vector<1x256x256xf32> to vector<256x256xf32>
    %dot_general3A_809 = arith.constant dense<0.000000e+00> : vector<512x256xf32>
    %dot_general3A_810 = tpu.matmul %add3A_803, %get3A_808, %dot_general3A_809 {dimension_numbers = #tpu.dot_dimension_numbers<[1], [0], [0], [1], [0, 0, 1, 1], [], []>, transpose_lhs_hint = false} : vector<512x256xf32>, vector<256x256xf32>, vector<512x256xf32> -> vector<512x256xf32>
    %get3A_811 = arith.constant 2 : index
    %get3A_812 = arith.constant 0 : index
    %get3A_813 = arith.constant 0 : index
    %get3A_814 = vector.load %arg12[%get3A_811, %get3A_812, %get3A_813] : memref<4x1x256xf32, #tpu.memory_space<vmem>>, vector<1x1x256xf32>
    %get3A_815 = vector.shape_cast %get3A_814 : vector<1x1x256xf32> to vector<1x256xf32>
    %add3A_816 = vector.broadcast %get3A_815 : vector<1x256xf32> to vector<512x256xf32>
    %add3A_817 = arith.addf %dot_general3A_810, %add3A_816 : vector<512x256xf32>
    %logistic3A_818 = arith.negf %add3A_817 : vector<512x256xf32>
    %logistic3A_819 = math.exp %logistic3A_818 : vector<512x256xf32>
    %logistic3A_820 = arith.constant 1.000000e+00 : f32
    %logistic3A_821 = vector.broadcast %logistic3A_820 : f32 to vector<512x256xf32>
    %logistic3A_822 = arith.addf %logistic3A_821, %logistic3A_819 : vector<512x256xf32>
    %logistic3A_823 = arith.divf %logistic3A_821, %logistic3A_822 : vector<512x256xf32>
    %mul3A_824 = arith.mulf %add3A_817, %logistic3A_823 : vector<512x256xf32>
    %get3A_825 = arith.constant 2 : index
    %get3A_826 = arith.constant 0 : index
    %get3A_827 = arith.constant 0 : index
    %get3A_828 = vector.load %arg13[%get3A_825, %get3A_826, %get3A_827] : memref<4x256x256xf32, #tpu.memory_space<vmem>>, vector<1x256x256xf32>
    %get3A_829 = vector.shape_cast %get3A_828 : vector<1x256x256xf32> to vector<256x256xf32>
    %dot_general3A_830 = arith.constant dense<0.000000e+00> : vector<512x256xf32>
    %dot_general3A_831 = tpu.matmul %mul3A_824, %get3A_829, %dot_general3A_830 {dimension_numbers = #tpu.dot_dimension_numbers<[1], [0], [0], [1], [0, 0, 1, 1], [], []>, transpose_lhs_hint = false} : vector<512x256xf32>, vector<256x256xf32>, vector<512x256xf32> -> vector<512x256xf32>
    %add3A_832 = arith.addf %add3A_560, %dot_general3A_831 : vector<512x256xf32>
    %get3A_833 = arith.constant 2 : index
    %get3A_834 = arith.constant 0 : index
    %get3A_835 = arith.constant 0 : index
    %get3A_836 = vector.load %arg14[%get3A_833, %get3A_834, %get3A_835] : memref<4x1x256xf32, #tpu.memory_space<vmem>>, vector<1x1x256xf32>
    %get3A_837 = vector.shape_cast %get3A_836 : vector<1x1x256xf32> to vector<1x256xf32>
    %add3A_838 = vector.broadcast %get3A_837 : vector<1x256xf32> to vector<512x256xf32>
    %add3A_839 = arith.addf %add3A_832, %add3A_838 : vector<512x256xf32>
    %get3A_840 = arith.constant 3 : index
    %get3A_841 = arith.constant 0 : index
    %get3A_842 = arith.constant 0 : index
    %get3A_843 = vector.load %arg6[%get3A_840, %get3A_841, %get3A_842] : memref<4x256x512xf32, #tpu.memory_space<vmem>>, vector<1x256x512xf32>
    %get3A_844 = vector.shape_cast %get3A_843 : vector<1x256x512xf32> to vector<256x512xf32>
    %dot_general3A_845 = arith.constant dense<0.000000e+00> : vector<512x512xf32>
    %dot_general3A_846 = tpu.matmul %add3A_839, %get3A_844, %dot_general3A_845 {dimension_numbers = #tpu.dot_dimension_numbers<[1], [0], [0], [1], [0, 0, 1, 1], [], []>, transpose_lhs_hint = false} : vector<512x256xf32>, vector<256x512xf32>, vector<512x512xf32> -> vector<512x512xf32>
    %get3A_847 = arith.constant 3 : index
    %get3A_848 = arith.constant 0 : index
    %get3A_849 = arith.constant 0 : index
    %get3A_850 = vector.load %arg8[%get3A_847, %get3A_848, %get3A_849] : memref<4x1x512xf32, #tpu.memory_space<vmem>>, vector<1x1x512xf32>
    %get3A_851 = vector.shape_cast %get3A_850 : vector<1x1x512xf32> to vector<1x512xf32>
    %add3A_852 = vector.broadcast %get3A_851 : vector<1x512xf32> to vector<512x512xf32>
    %add3A_853 = arith.addf %dot_general3A_846, %add3A_852 : vector<512x512xf32>
    %get3A_854 = arith.constant 3 : index
    %get3A_855 = arith.constant 0 : index
    %get3A_856 = arith.constant 0 : index
    %get3A_857 = vector.load %arg7[%get3A_854, %get3A_855, %get3A_856] : memref<4x256x512xf32, #tpu.memory_space<vmem>>, vector<1x256x512xf32>
    %get3A_858 = vector.shape_cast %get3A_857 : vector<1x256x512xf32> to vector<256x512xf32>
    %dot_general3A_859 = arith.constant dense<0.000000e+00> : vector<512x512xf32>
    %dot_general3A_860 = tpu.matmul %add3A_839, %get3A_858, %dot_general3A_859 {dimension_numbers = #tpu.dot_dimension_numbers<[1], [0], [0], [1], [0, 0, 1, 1], [], []>, transpose_lhs_hint = false} : vector<512x256xf32>, vector<256x512xf32>, vector<512x512xf32> -> vector<512x512xf32>
    %mul3A_861 = arith.constant 4 : i32
    %mul3A_862 = arith.muli %arg0, %mul3A_861 : i32
    %add3A_863 = arith.constant 0 : i32
    %add3A_864 = arith.addi %mul3A_862, %add3A_863 : i32
    %get3A_865 = arith.index_cast %add3A_864 : i32 to index
    %get3A_866 = memref.load %arg1[%get3A_865] : memref<32xi32, #tpu.memory_space<smem>>
    %slice3A_867 = vector.extract_strided_slice %add3A_853 {offsets = [0, 0], sizes = [128, 512], strides = [1, 1]} : vector<512x512xf32> to vector<128x512xf32>
    %add3A_868 = arith.constant 1023 : i32
    %add3A_869 = arith.addi %get3A_866, %add3A_868 : i32
    %jit3A_870 = arith.constant 1024 : i32
    %div3A_871 = arith.divsi %add3A_869, %jit3A_870 : i32
    %sign3A_872 = arith.constant 0 : i32
    %sign3A_873 = arith.cmpi sgt, %add3A_869, %sign3A_872 : i32
    %sign3A_874 = arith.extui %sign3A_873 : i1 to i32
    %sign3A_875 = arith.constant 0 : i32
    %sign3A_876 = arith.cmpi slt, %add3A_869, %sign3A_875 : i32
    %sign3A_877 = arith.extui %sign3A_876 : i1 to i32
    %sign3A_878 = arith.subi %sign3A_874, %sign3A_877 : i32
    %sign3A_879 = arith.constant 0 : i32
    %sign3A_880 = arith.cmpi sgt, %jit3A_870, %sign3A_879 : i32
    %sign3A_881 = arith.extui %sign3A_880 : i1 to i32
    %sign3A_882 = arith.constant 0 : i32
    %sign3A_883 = arith.cmpi slt, %jit3A_870, %sign3A_882 : i32
    %sign3A_884 = arith.extui %sign3A_883 : i1 to i32
    %sign3A_885 = arith.subi %sign3A_881, %sign3A_884 : i32
    %ne3A_886 = arith.cmpi ne, %sign3A_878, %sign3A_885 : i32
    %rem3A_887 = arith.remsi %add3A_869, %jit3A_870 : i32
    %ne3A_888 = arith.constant 0 : i32
    %ne3A_889 = arith.cmpi ne, %rem3A_887, %ne3A_888 : i32
    %and3A_890 = arith.andi %ne3A_886, %ne3A_889 : i1
    %sub3A_891 = arith.constant 1 : i32
    %sub3A_892 = arith.subi %div3A_871, %sub3A_891 : i32
    %select_n3A_893 = arith.select %and3A_890, %sub3A_892, %div3A_871 : i32
    %broadcast_in_dim3A_894 = arith.constant 0.000000e+00 : f32
    %broadcast_in_dim3A_895 = vector.broadcast %broadcast_in_dim3A_894 : f32 to vector<128x512xf32>
    %while3A_896 = arith.constant 0 : i32
    %while3A_897 = arith.subi %select_n3A_893, %while3A_896 : i32
    %while3A_898 = arith.addi %while3A_896, %while3A_897 : i32
    %while3A_899 = arith.constant 1 : i32
    %while3A_900 = arith.divsi %while3A_897, %while3A_899 : i32
    %while3A_901 = arith.muli %while3A_900, %while3A_899 : i32
    %while3A_902 = arith.addi %while3A_896, %while3A_901 : i32
    %while3A_903 = arith.constant 1 : i32
    %while3A_904 = scf.for %while3A_1132 = %while3A_896 to %while3A_902 step %while3A_903 iter_args(%while3A_1133 = %broadcast_in_dim3A_895) -> (vector<128x512xf32>)  : i32 {
      %mul3A_1134 = arith.constant 1024 : i32
      %mul3A_1135 = arith.muli %while3A_1132, %mul3A_1134 : i32
      %get3A_1136 = arith.constant 0 : index
      %get3A_1137 = arith.constant 0 : index
      %get3A_1138 = arith.index_cast %mul3A_1135 : i32 to index
      %get3A_1139 = vector.load %arg4[%get3A_1136, %get3A_1137, %get3A_1138] : memref<1x4x65536xi32, #tpu.memory_space<vmem>>, vector<1x1x1024xi32>
      %get3A_1140 = vector.shape_cast %get3A_1139 : vector<1x1x1024xi32> to vector<1024xi32>
      %reshape3A = vector.shape_cast %get3A_1140 : vector<1024xi32> to vector<1x1024xi32>
      %shift_right_arithmetic3A = arith.constant 9 : i32
      %shift_right_arithmetic3A_1141 = vector.broadcast %shift_right_arithmetic3A : i32 to vector<1x1024xi32>
      %shift_right_arithmetic3A_1142 = arith.shrsi %reshape3A, %shift_right_arithmetic3A_1141 : vector<1x1024xi32>
      %and3A_1143 = arith.constant 511 : i32
      %and3A_1144 = vector.broadcast %and3A_1143 : i32 to vector<1x1024xi32>
      %and3A_1145 = arith.andi %reshape3A, %and3A_1144 : vector<1x1024xi32>
      %add3A_1146 = vector.broadcast %mul3A_1135 : i32 to vector<1x1024xi32>
      %add3A_1147 = arith.addi %add3A_1146, %iota3A_15 : vector<1x1024xi32>
      %lt3A = vector.broadcast %get3A_866 : i32 to vector<1x1024xi32>
      %lt3A_1148 = arith.cmpi slt, %add3A_1147, %lt3A : vector<1x1024xi32>
      %add3A_1149 = arith.constant 0 : i32
      %add3A_1150 = vector.broadcast %add3A_1149 : i32 to vector<128x1024xi32>
      %add3A_1151 = arith.addi %iota3A_16, %add3A_1150 : vector<128x1024xi32>
      %eq3A_1152 = vector.broadcast %shift_right_arithmetic3A_1142 : vector<1x1024xi32> to vector<128x1024xi32>
      %eq3A_1153 = arith.cmpi eq, %add3A_1151, %eq3A_1152 : vector<128x1024xi32>
      %and3A_1154 = vector.broadcast %lt3A_1148 : vector<1x1024xi1> to vector<128x1024xi1>
      %and3A_1155 = arith.andi %eq3A_1153, %and3A_1154 : vector<128x1024xi1>
      %convert_element_type3A_1156 = arith.extui %and3A_1155 : vector<128x1024xi1> to vector<128x1024xi32>
      %convert_element_type3A_1157 = arith.sitofp %convert_element_type3A_1156 : vector<128x1024xi32> to vector<128x1024xf32>
      %eq3A_1158 = vector.broadcast %and3A_1145 : vector<1x1024xi32> to vector<512x1024xi32>
      %eq3A_1159 = arith.cmpi eq, %iota3A_17, %eq3A_1158 : vector<512x1024xi32>
      %and3A_1160 = vector.broadcast %lt3A_1148 : vector<1x1024xi1> to vector<512x1024xi1>
      %and3A_1161 = arith.andi %eq3A_1159, %and3A_1160 : vector<512x1024xi1>
      %convert_element_type3A_1162 = arith.extui %and3A_1161 : vector<512x1024xi1> to vector<512x1024xi32>
      %convert_element_type3A_1163 = arith.sitofp %convert_element_type3A_1162 : vector<512x1024xi32> to vector<512x1024xf32>
      %dot_general3A_1164 = arith.constant dense<0.000000e+00> : vector<1024x512xf32>
      %dot_general3A_1165 = tpu.matmul %convert_element_type3A_1157, %slice3A_867, %dot_general3A_1164 {dimension_numbers = #tpu.dot_dimension_numbers<[0], [0], [1], [1], [0, 1, 1, 1], [], []>, transpose_lhs_hint = false} : vector<128x1024xf32>, vector<128x512xf32>, vector<1024x512xf32> -> vector<1024x512xf32>
      %dot_general3A_1166 = arith.constant dense<0.000000e+00> : vector<1024x512xf32>
      %dot_general3A_1167 = tpu.matmul %convert_element_type3A_1163, %dot_general3A_860, %dot_general3A_1166 {dimension_numbers = #tpu.dot_dimension_numbers<[0], [0], [1], [1], [0, 1, 1, 1], [], []>, transpose_lhs_hint = false} : vector<512x1024xf32>, vector<512x512xf32>, vector<1024x512xf32> -> vector<1024x512xf32>
      %add3A_1168 = arith.addf %dot_general3A_1165, %dot_general3A_1167 : vector<1024x512xf32>
      %logistic3A_1169 = arith.negf %add3A_1168 : vector<1024x512xf32>
      %logistic3A_1170 = math.exp %logistic3A_1169 : vector<1024x512xf32>
      %logistic3A_1171 = arith.constant 1.000000e+00 : f32
      %logistic3A_1172 = vector.broadcast %logistic3A_1171 : f32 to vector<1024x512xf32>
      %logistic3A_1173 = arith.addf %logistic3A_1172, %logistic3A_1170 : vector<1024x512xf32>
      %logistic3A_1174 = arith.divf %logistic3A_1172, %logistic3A_1173 : vector<1024x512xf32>
      %mul3A_1175 = arith.mulf %add3A_1168, %logistic3A_1174 : vector<1024x512xf32>
      %dot_general3A_1176 = arith.constant dense<0.000000e+00> : vector<128x512xf32>
      %dot_general3A_1177 = tpu.matmul %convert_element_type3A_1157, %mul3A_1175, %dot_general3A_1176 {dimension_numbers = #tpu.dot_dimension_numbers<[1], [0], [0], [1], [0, 0, 1, 1], [], []>, transpose_lhs_hint = false} : vector<128x1024xf32>, vector<1024x512xf32>, vector<128x512xf32> -> vector<128x512xf32>
      %add3A_1178 = arith.addf %while3A_1133, %dot_general3A_1177 : vector<128x512xf32>
      scf.yield %add3A_1178 : vector<128x512xf32>
    }
    %while3A_905 = arith.constant 1 : i32
    %while3A_906 = scf.for %while3A_1132 = %while3A_902 to %while3A_898 step %while3A_905 iter_args(%while3A_1133 = %while3A_904) -> (vector<128x512xf32>)  : i32 {
      %mul3A_1134 = arith.constant 1024 : i32
      %mul3A_1135 = arith.muli %while3A_1132, %mul3A_1134 : i32
      %get3A_1136 = arith.constant 0 : index
      %get3A_1137 = arith.constant 0 : index
      %get3A_1138 = arith.index_cast %mul3A_1135 : i32 to index
      %get3A_1139 = vector.load %arg4[%get3A_1136, %get3A_1137, %get3A_1138] : memref<1x4x65536xi32, #tpu.memory_space<vmem>>, vector<1x1x1024xi32>
      %get3A_1140 = vector.shape_cast %get3A_1139 : vector<1x1x1024xi32> to vector<1024xi32>
      %reshape3A = vector.shape_cast %get3A_1140 : vector<1024xi32> to vector<1x1024xi32>
      %shift_right_arithmetic3A = arith.constant 9 : i32
      %shift_right_arithmetic3A_1141 = vector.broadcast %shift_right_arithmetic3A : i32 to vector<1x1024xi32>
      %shift_right_arithmetic3A_1142 = arith.shrsi %reshape3A, %shift_right_arithmetic3A_1141 : vector<1x1024xi32>
      %and3A_1143 = arith.constant 511 : i32
      %and3A_1144 = vector.broadcast %and3A_1143 : i32 to vector<1x1024xi32>
      %and3A_1145 = arith.andi %reshape3A, %and3A_1144 : vector<1x1024xi32>
      %add3A_1146 = vector.broadcast %mul3A_1135 : i32 to vector<1x1024xi32>
      %add3A_1147 = arith.addi %add3A_1146, %iota3A_15 : vector<1x1024xi32>
      %lt3A = vector.broadcast %get3A_866 : i32 to vector<1x1024xi32>
      %lt3A_1148 = arith.cmpi slt, %add3A_1147, %lt3A : vector<1x1024xi32>
      %add3A_1149 = arith.constant 0 : i32
      %add3A_1150 = vector.broadcast %add3A_1149 : i32 to vector<128x1024xi32>
      %add3A_1151 = arith.addi %iota3A_16, %add3A_1150 : vector<128x1024xi32>
      %eq3A_1152 = vector.broadcast %shift_right_arithmetic3A_1142 : vector<1x1024xi32> to vector<128x1024xi32>
      %eq3A_1153 = arith.cmpi eq, %add3A_1151, %eq3A_1152 : vector<128x1024xi32>
      %and3A_1154 = vector.broadcast %lt3A_1148 : vector<1x1024xi1> to vector<128x1024xi1>
      %and3A_1155 = arith.andi %eq3A_1153, %and3A_1154 : vector<128x1024xi1>
      %convert_element_type3A_1156 = arith.extui %and3A_1155 : vector<128x1024xi1> to vector<128x1024xi32>
      %convert_element_type3A_1157 = arith.sitofp %convert_element_type3A_1156 : vector<128x1024xi32> to vector<128x1024xf32>
      %eq3A_1158 = vector.broadcast %and3A_1145 : vector<1x1024xi32> to vector<512x1024xi32>
      %eq3A_1159 = arith.cmpi eq, %iota3A_17, %eq3A_1158 : vector<512x1024xi32>
      %and3A_1160 = vector.broadcast %lt3A_1148 : vector<1x1024xi1> to vector<512x1024xi1>
      %and3A_1161 = arith.andi %eq3A_1159, %and3A_1160 : vector<512x1024xi1>
      %convert_element_type3A_1162 = arith.extui %and3A_1161 : vector<512x1024xi1> to vector<512x1024xi32>
      %convert_element_type3A_1163 = arith.sitofp %convert_element_type3A_1162 : vector<512x1024xi32> to vector<512x1024xf32>
      %dot_general3A_1164 = arith.constant dense<0.000000e+00> : vector<1024x512xf32>
      %dot_general3A_1165 = tpu.matmul %convert_element_type3A_1157, %slice3A_867, %dot_general3A_1164 {dimension_numbers = #tpu.dot_dimension_numbers<[0], [0], [1], [1], [0, 1, 1, 1], [], []>, transpose_lhs_hint = false} : vector<128x1024xf32>, vector<128x512xf32>, vector<1024x512xf32> -> vector<1024x512xf32>
      %dot_general3A_1166 = arith.constant dense<0.000000e+00> : vector<1024x512xf32>
      %dot_general3A_1167 = tpu.matmul %convert_element_type3A_1163, %dot_general3A_860, %dot_general3A_1166 {dimension_numbers = #tpu.dot_dimension_numbers<[0], [0], [1], [1], [0, 1, 1, 1], [], []>, transpose_lhs_hint = false} : vector<512x1024xf32>, vector<512x512xf32>, vector<1024x512xf32> -> vector<1024x512xf32>
      %add3A_1168 = arith.addf %dot_general3A_1165, %dot_general3A_1167 : vector<1024x512xf32>
      %logistic3A_1169 = arith.negf %add3A_1168 : vector<1024x512xf32>
      %logistic3A_1170 = math.exp %logistic3A_1169 : vector<1024x512xf32>
      %logistic3A_1171 = arith.constant 1.000000e+00 : f32
      %logistic3A_1172 = vector.broadcast %logistic3A_1171 : f32 to vector<1024x512xf32>
      %logistic3A_1173 = arith.addf %logistic3A_1172, %logistic3A_1170 : vector<1024x512xf32>
      %logistic3A_1174 = arith.divf %logistic3A_1172, %logistic3A_1173 : vector<1024x512xf32>
      %mul3A_1175 = arith.mulf %add3A_1168, %logistic3A_1174 : vector<1024x512xf32>
      %dot_general3A_1176 = arith.constant dense<0.000000e+00> : vector<128x512xf32>
      %dot_general3A_1177 = tpu.matmul %convert_element_type3A_1157, %mul3A_1175, %dot_general3A_1176 {dimension_numbers = #tpu.dot_dimension_numbers<[1], [0], [0], [1], [0, 0, 1, 1], [], []>, transpose_lhs_hint = false} : vector<128x1024xf32>, vector<1024x512xf32>, vector<128x512xf32> -> vector<128x512xf32>
      %add3A_1178 = arith.addf %while3A_1133, %dot_general3A_1177 : vector<128x512xf32>
      scf.yield %add3A_1178 : vector<128x512xf32>
    }
    %get3A_907 = arith.constant 3 : index
    %get3A_908 = arith.constant 0 : index
    %get3A_909 = arith.constant 0 : index
    %get3A_910 = vector.load %arg9[%get3A_907, %get3A_908, %get3A_909] : memref<4x512x256xf32, #tpu.memory_space<vmem>>, vector<1x512x256xf32>
    %get3A_911 = vector.shape_cast %get3A_910 : vector<1x512x256xf32> to vector<512x256xf32>
    %dot_general3A_912 = arith.constant dense<0.000000e+00> : vector<128x256xf32>
    %dot_general3A_913 = tpu.matmul %while3A_906, %get3A_911, %dot_general3A_912 {dimension_numbers = #tpu.dot_dimension_numbers<[1], [0], [0], [1], [0, 0, 1, 1], [], []>, transpose_lhs_hint = false} : vector<128x512xf32>, vector<512x256xf32>, vector<128x256xf32> -> vector<128x256xf32>
    %mul3A_914 = arith.constant 4 : i32
    %mul3A_915 = arith.muli %arg0, %mul3A_914 : i32
    %add3A_916 = arith.constant 1 : i32
    %add3A_917 = arith.addi %mul3A_915, %add3A_916 : i32
    %get3A_918 = arith.index_cast %add3A_917 : i32 to index
    %get3A_919 = memref.load %arg1[%get3A_918] : memref<32xi32, #tpu.memory_space<smem>>
    %slice3A_920 = vector.extract_strided_slice %add3A_853 {offsets = [128, 0], sizes = [128, 512], strides = [1, 1]} : vector<512x512xf32> to vector<128x512xf32>
    %add3A_921 = arith.constant 1023 : i32
    %add3A_922 = arith.addi %get3A_919, %add3A_921 : i32
    %jit3A_923 = arith.constant 1024 : i32
    %div3A_924 = arith.divsi %add3A_922, %jit3A_923 : i32
    %sign3A_925 = arith.constant 0 : i32
    %sign3A_926 = arith.cmpi sgt, %add3A_922, %sign3A_925 : i32
    %sign3A_927 = arith.extui %sign3A_926 : i1 to i32
    %sign3A_928 = arith.constant 0 : i32
    %sign3A_929 = arith.cmpi slt, %add3A_922, %sign3A_928 : i32
    %sign3A_930 = arith.extui %sign3A_929 : i1 to i32
    %sign3A_931 = arith.subi %sign3A_927, %sign3A_930 : i32
    %sign3A_932 = arith.constant 0 : i32
    %sign3A_933 = arith.cmpi sgt, %jit3A_923, %sign3A_932 : i32
    %sign3A_934 = arith.extui %sign3A_933 : i1 to i32
    %sign3A_935 = arith.constant 0 : i32
    %sign3A_936 = arith.cmpi slt, %jit3A_923, %sign3A_935 : i32
    %sign3A_937 = arith.extui %sign3A_936 : i1 to i32
    %sign3A_938 = arith.subi %sign3A_934, %sign3A_937 : i32
    %ne3A_939 = arith.cmpi ne, %sign3A_931, %sign3A_938 : i32
    %rem3A_940 = arith.remsi %add3A_922, %jit3A_923 : i32
    %ne3A_941 = arith.constant 0 : i32
    %ne3A_942 = arith.cmpi ne, %rem3A_940, %ne3A_941 : i32
    %and3A_943 = arith.andi %ne3A_939, %ne3A_942 : i1
    %sub3A_944 = arith.constant 1 : i32
    %sub3A_945 = arith.subi %div3A_924, %sub3A_944 : i32
    %select_n3A_946 = arith.select %and3A_943, %sub3A_945, %div3A_924 : i32
    %broadcast_in_dim3A_947 = arith.constant 0.000000e+00 : f32
    %broadcast_in_dim3A_948 = vector.broadcast %broadcast_in_dim3A_947 : f32 to vector<128x512xf32>
    %while3A_949 = arith.constant 0 : i32
    %while3A_950 = arith.subi %select_n3A_946, %while3A_949 : i32
    %while3A_951 = arith.addi %while3A_949, %while3A_950 : i32
    %while3A_952 = arith.constant 1 : i32
    %while3A_953 = arith.divsi %while3A_950, %while3A_952 : i32
    %while3A_954 = arith.muli %while3A_953, %while3A_952 : i32
    %while3A_955 = arith.addi %while3A_949, %while3A_954 : i32
    %while3A_956 = arith.constant 1 : i32
    %while3A_957 = scf.for %while3A_1132 = %while3A_949 to %while3A_955 step %while3A_956 iter_args(%while3A_1133 = %broadcast_in_dim3A_948) -> (vector<128x512xf32>)  : i32 {
      %mul3A_1134 = arith.constant 1024 : i32
      %mul3A_1135 = arith.muli %while3A_1132, %mul3A_1134 : i32
      %get3A_1136 = arith.constant 0 : index
      %get3A_1137 = arith.constant 1 : index
      %get3A_1138 = arith.index_cast %mul3A_1135 : i32 to index
      %get3A_1139 = vector.load %arg4[%get3A_1136, %get3A_1137, %get3A_1138] : memref<1x4x65536xi32, #tpu.memory_space<vmem>>, vector<1x1x1024xi32>
      %get3A_1140 = vector.shape_cast %get3A_1139 : vector<1x1x1024xi32> to vector<1024xi32>
      %reshape3A = vector.shape_cast %get3A_1140 : vector<1024xi32> to vector<1x1024xi32>
      %shift_right_arithmetic3A = arith.constant 9 : i32
      %shift_right_arithmetic3A_1141 = vector.broadcast %shift_right_arithmetic3A : i32 to vector<1x1024xi32>
      %shift_right_arithmetic3A_1142 = arith.shrsi %reshape3A, %shift_right_arithmetic3A_1141 : vector<1x1024xi32>
      %and3A_1143 = arith.constant 511 : i32
      %and3A_1144 = vector.broadcast %and3A_1143 : i32 to vector<1x1024xi32>
      %and3A_1145 = arith.andi %reshape3A, %and3A_1144 : vector<1x1024xi32>
      %add3A_1146 = vector.broadcast %mul3A_1135 : i32 to vector<1x1024xi32>
      %add3A_1147 = arith.addi %add3A_1146, %iota3A_15 : vector<1x1024xi32>
      %lt3A = vector.broadcast %get3A_919 : i32 to vector<1x1024xi32>
      %lt3A_1148 = arith.cmpi slt, %add3A_1147, %lt3A : vector<1x1024xi32>
      %add3A_1149 = arith.constant 128 : i32
      %add3A_1150 = vector.broadcast %add3A_1149 : i32 to vector<128x1024xi32>
      %add3A_1151 = arith.addi %iota3A_16, %add3A_1150 : vector<128x1024xi32>
      %eq3A_1152 = vector.broadcast %shift_right_arithmetic3A_1142 : vector<1x1024xi32> to vector<128x1024xi32>
      %eq3A_1153 = arith.cmpi eq, %add3A_1151, %eq3A_1152 : vector<128x1024xi32>
      %and3A_1154 = vector.broadcast %lt3A_1148 : vector<1x1024xi1> to vector<128x1024xi1>
      %and3A_1155 = arith.andi %eq3A_1153, %and3A_1154 : vector<128x1024xi1>
      %convert_element_type3A_1156 = arith.extui %and3A_1155 : vector<128x1024xi1> to vector<128x1024xi32>
      %convert_element_type3A_1157 = arith.sitofp %convert_element_type3A_1156 : vector<128x1024xi32> to vector<128x1024xf32>
      %eq3A_1158 = vector.broadcast %and3A_1145 : vector<1x1024xi32> to vector<512x1024xi32>
      %eq3A_1159 = arith.cmpi eq, %iota3A_17, %eq3A_1158 : vector<512x1024xi32>
      %and3A_1160 = vector.broadcast %lt3A_1148 : vector<1x1024xi1> to vector<512x1024xi1>
      %and3A_1161 = arith.andi %eq3A_1159, %and3A_1160 : vector<512x1024xi1>
      %convert_element_type3A_1162 = arith.extui %and3A_1161 : vector<512x1024xi1> to vector<512x1024xi32>
      %convert_element_type3A_1163 = arith.sitofp %convert_element_type3A_1162 : vector<512x1024xi32> to vector<512x1024xf32>
      %dot_general3A_1164 = arith.constant dense<0.000000e+00> : vector<1024x512xf32>
      %dot_general3A_1165 = tpu.matmul %convert_element_type3A_1157, %slice3A_920, %dot_general3A_1164 {dimension_numbers = #tpu.dot_dimension_numbers<[0], [0], [1], [1], [0, 1, 1, 1], [], []>, transpose_lhs_hint = false} : vector<128x1024xf32>, vector<128x512xf32>, vector<1024x512xf32> -> vector<1024x512xf32>
      %dot_general3A_1166 = arith.constant dense<0.000000e+00> : vector<1024x512xf32>
      %dot_general3A_1167 = tpu.matmul %convert_element_type3A_1163, %dot_general3A_860, %dot_general3A_1166 {dimension_numbers = #tpu.dot_dimension_numbers<[0], [0], [1], [1], [0, 1, 1, 1], [], []>, transpose_lhs_hint = false} : vector<512x1024xf32>, vector<512x512xf32>, vector<1024x512xf32> -> vector<1024x512xf32>
      %add3A_1168 = arith.addf %dot_general3A_1165, %dot_general3A_1167 : vector<1024x512xf32>
      %logistic3A_1169 = arith.negf %add3A_1168 : vector<1024x512xf32>
      %logistic3A_1170 = math.exp %logistic3A_1169 : vector<1024x512xf32>
      %logistic3A_1171 = arith.constant 1.000000e+00 : f32
      %logistic3A_1172 = vector.broadcast %logistic3A_1171 : f32 to vector<1024x512xf32>
      %logistic3A_1173 = arith.addf %logistic3A_1172, %logistic3A_1170 : vector<1024x512xf32>
      %logistic3A_1174 = arith.divf %logistic3A_1172, %logistic3A_1173 : vector<1024x512xf32>
      %mul3A_1175 = arith.mulf %add3A_1168, %logistic3A_1174 : vector<1024x512xf32>
      %dot_general3A_1176 = arith.constant dense<0.000000e+00> : vector<128x512xf32>
      %dot_general3A_1177 = tpu.matmul %convert_element_type3A_1157, %mul3A_1175, %dot_general3A_1176 {dimension_numbers = #tpu.dot_dimension_numbers<[1], [0], [0], [1], [0, 0, 1, 1], [], []>, transpose_lhs_hint = false} : vector<128x1024xf32>, vector<1024x512xf32>, vector<128x512xf32> -> vector<128x512xf32>
      %add3A_1178 = arith.addf %while3A_1133, %dot_general3A_1177 : vector<128x512xf32>
      scf.yield %add3A_1178 : vector<128x512xf32>
    }
    %while3A_958 = arith.constant 1 : i32
    %while3A_959 = scf.for %while3A_1132 = %while3A_955 to %while3A_951 step %while3A_958 iter_args(%while3A_1133 = %while3A_957) -> (vector<128x512xf32>)  : i32 {
      %mul3A_1134 = arith.constant 1024 : i32
      %mul3A_1135 = arith.muli %while3A_1132, %mul3A_1134 : i32
      %get3A_1136 = arith.constant 0 : index
      %get3A_1137 = arith.constant 1 : index
      %get3A_1138 = arith.index_cast %mul3A_1135 : i32 to index
      %get3A_1139 = vector.load %arg4[%get3A_1136, %get3A_1137, %get3A_1138] : memref<1x4x65536xi32, #tpu.memory_space<vmem>>, vector<1x1x1024xi32>
      %get3A_1140 = vector.shape_cast %get3A_1139 : vector<1x1x1024xi32> to vector<1024xi32>
      %reshape3A = vector.shape_cast %get3A_1140 : vector<1024xi32> to vector<1x1024xi32>
      %shift_right_arithmetic3A = arith.constant 9 : i32
      %shift_right_arithmetic3A_1141 = vector.broadcast %shift_right_arithmetic3A : i32 to vector<1x1024xi32>
      %shift_right_arithmetic3A_1142 = arith.shrsi %reshape3A, %shift_right_arithmetic3A_1141 : vector<1x1024xi32>
      %and3A_1143 = arith.constant 511 : i32
      %and3A_1144 = vector.broadcast %and3A_1143 : i32 to vector<1x1024xi32>
      %and3A_1145 = arith.andi %reshape3A, %and3A_1144 : vector<1x1024xi32>
      %add3A_1146 = vector.broadcast %mul3A_1135 : i32 to vector<1x1024xi32>
      %add3A_1147 = arith.addi %add3A_1146, %iota3A_15 : vector<1x1024xi32>
      %lt3A = vector.broadcast %get3A_919 : i32 to vector<1x1024xi32>
      %lt3A_1148 = arith.cmpi slt, %add3A_1147, %lt3A : vector<1x1024xi32>
      %add3A_1149 = arith.constant 128 : i32
      %add3A_1150 = vector.broadcast %add3A_1149 : i32 to vector<128x1024xi32>
      %add3A_1151 = arith.addi %iota3A_16, %add3A_1150 : vector<128x1024xi32>
      %eq3A_1152 = vector.broadcast %shift_right_arithmetic3A_1142 : vector<1x1024xi32> to vector<128x1024xi32>
      %eq3A_1153 = arith.cmpi eq, %add3A_1151, %eq3A_1152 : vector<128x1024xi32>
      %and3A_1154 = vector.broadcast %lt3A_1148 : vector<1x1024xi1> to vector<128x1024xi1>
      %and3A_1155 = arith.andi %eq3A_1153, %and3A_1154 : vector<128x1024xi1>
      %convert_element_type3A_1156 = arith.extui %and3A_1155 : vector<128x1024xi1> to vector<128x1024xi32>
      %convert_element_type3A_1157 = arith.sitofp %convert_element_type3A_1156 : vector<128x1024xi32> to vector<128x1024xf32>
      %eq3A_1158 = vector.broadcast %and3A_1145 : vector<1x1024xi32> to vector<512x1024xi32>
      %eq3A_1159 = arith.cmpi eq, %iota3A_17, %eq3A_1158 : vector<512x1024xi32>
      %and3A_1160 = vector.broadcast %lt3A_1148 : vector<1x1024xi1> to vector<512x1024xi1>
      %and3A_1161 = arith.andi %eq3A_1159, %and3A_1160 : vector<512x1024xi1>
      %convert_element_type3A_1162 = arith.extui %and3A_1161 : vector<512x1024xi1> to vector<512x1024xi32>
      %convert_element_type3A_1163 = arith.sitofp %convert_element_type3A_1162 : vector<512x1024xi32> to vector<512x1024xf32>
      %dot_general3A_1164 = arith.constant dense<0.000000e+00> : vector<1024x512xf32>
      %dot_general3A_1165 = tpu.matmul %convert_element_type3A_1157, %slice3A_920, %dot_general3A_1164 {dimension_numbers = #tpu.dot_dimension_numbers<[0], [0], [1], [1], [0, 1, 1, 1], [], []>, transpose_lhs_hint = false} : vector<128x1024xf32>, vector<128x512xf32>, vector<1024x512xf32> -> vector<1024x512xf32>
      %dot_general3A_1166 = arith.constant dense<0.000000e+00> : vector<1024x512xf32>
      %dot_general3A_1167 = tpu.matmul %convert_element_type3A_1163, %dot_general3A_860, %dot_general3A_1166 {dimension_numbers = #tpu.dot_dimension_numbers<[0], [0], [1], [1], [0, 1, 1, 1], [], []>, transpose_lhs_hint = false} : vector<512x1024xf32>, vector<512x512xf32>, vector<1024x512xf32> -> vector<1024x512xf32>
      %add3A_1168 = arith.addf %dot_general3A_1165, %dot_general3A_1167 : vector<1024x512xf32>
      %logistic3A_1169 = arith.negf %add3A_1168 : vector<1024x512xf32>
      %logistic3A_1170 = math.exp %logistic3A_1169 : vector<1024x512xf32>
      %logistic3A_1171 = arith.constant 1.000000e+00 : f32
      %logistic3A_1172 = vector.broadcast %logistic3A_1171 : f32 to vector<1024x512xf32>
      %logistic3A_1173 = arith.addf %logistic3A_1172, %logistic3A_1170 : vector<1024x512xf32>
      %logistic3A_1174 = arith.divf %logistic3A_1172, %logistic3A_1173 : vector<1024x512xf32>
      %mul3A_1175 = arith.mulf %add3A_1168, %logistic3A_1174 : vector<1024x512xf32>
      %dot_general3A_1176 = arith.constant dense<0.000000e+00> : vector<128x512xf32>
      %dot_general3A_1177 = tpu.matmul %convert_element_type3A_1157, %mul3A_1175, %dot_general3A_1176 {dimension_numbers = #tpu.dot_dimension_numbers<[1], [0], [0], [1], [0, 0, 1, 1], [], []>, transpose_lhs_hint = false} : vector<128x1024xf32>, vector<1024x512xf32>, vector<128x512xf32> -> vector<128x512xf32>
      %add3A_1178 = arith.addf %while3A_1133, %dot_general3A_1177 : vector<128x512xf32>
      scf.yield %add3A_1178 : vector<128x512xf32>
    }
    %get3A_960 = arith.constant 3 : index
    %get3A_961 = arith.constant 0 : index
    %get3A_962 = arith.constant 0 : index
    %get3A_963 = vector.load %arg9[%get3A_960, %get3A_961, %get3A_962] : memref<4x512x256xf32, #tpu.memory_space<vmem>>, vector<1x512x256xf32>
    %get3A_964 = vector.shape_cast %get3A_963 : vector<1x512x256xf32> to vector<512x256xf32>
    %dot_general3A_965 = arith.constant dense<0.000000e+00> : vector<128x256xf32>
    %dot_general3A_966 = tpu.matmul %while3A_959, %get3A_964, %dot_general3A_965 {dimension_numbers = #tpu.dot_dimension_numbers<[1], [0], [0], [1], [0, 0, 1, 1], [], []>, transpose_lhs_hint = false} : vector<128x512xf32>, vector<512x256xf32>, vector<128x256xf32> -> vector<128x256xf32>
    %mul3A_967 = arith.constant 4 : i32
    %mul3A_968 = arith.muli %arg0, %mul3A_967 : i32
    %add3A_969 = arith.constant 2 : i32
    %add3A_970 = arith.addi %mul3A_968, %add3A_969 : i32
    %get3A_971 = arith.index_cast %add3A_970 : i32 to index
    %get3A_972 = memref.load %arg1[%get3A_971] : memref<32xi32, #tpu.memory_space<smem>>
    %slice3A_973 = vector.extract_strided_slice %add3A_853 {offsets = [256, 0], sizes = [128, 512], strides = [1, 1]} : vector<512x512xf32> to vector<128x512xf32>
    %add3A_974 = arith.constant 1023 : i32
    %add3A_975 = arith.addi %get3A_972, %add3A_974 : i32
    %jit3A_976 = arith.constant 1024 : i32
    %div3A_977 = arith.divsi %add3A_975, %jit3A_976 : i32
    %sign3A_978 = arith.constant 0 : i32
    %sign3A_979 = arith.cmpi sgt, %add3A_975, %sign3A_978 : i32
    %sign3A_980 = arith.extui %sign3A_979 : i1 to i32
    %sign3A_981 = arith.constant 0 : i32
    %sign3A_982 = arith.cmpi slt, %add3A_975, %sign3A_981 : i32
    %sign3A_983 = arith.extui %sign3A_982 : i1 to i32
    %sign3A_984 = arith.subi %sign3A_980, %sign3A_983 : i32
    %sign3A_985 = arith.constant 0 : i32
    %sign3A_986 = arith.cmpi sgt, %jit3A_976, %sign3A_985 : i32
    %sign3A_987 = arith.extui %sign3A_986 : i1 to i32
    %sign3A_988 = arith.constant 0 : i32
    %sign3A_989 = arith.cmpi slt, %jit3A_976, %sign3A_988 : i32
    %sign3A_990 = arith.extui %sign3A_989 : i1 to i32
    %sign3A_991 = arith.subi %sign3A_987, %sign3A_990 : i32
    %ne3A_992 = arith.cmpi ne, %sign3A_984, %sign3A_991 : i32
    %rem3A_993 = arith.remsi %add3A_975, %jit3A_976 : i32
    %ne3A_994 = arith.constant 0 : i32
    %ne3A_995 = arith.cmpi ne, %rem3A_993, %ne3A_994 : i32
    %and3A_996 = arith.andi %ne3A_992, %ne3A_995 : i1
    %sub3A_997 = arith.constant 1 : i32
    %sub3A_998 = arith.subi %div3A_977, %sub3A_997 : i32
    %select_n3A_999 = arith.select %and3A_996, %sub3A_998, %div3A_977 : i32
    %broadcast_in_dim3A_1000 = arith.constant 0.000000e+00 : f32
    %broadcast_in_dim3A_1001 = vector.broadcast %broadcast_in_dim3A_1000 : f32 to vector<128x512xf32>
    %while3A_1002 = arith.constant 0 : i32
    %while3A_1003 = arith.subi %select_n3A_999, %while3A_1002 : i32
    %while3A_1004 = arith.addi %while3A_1002, %while3A_1003 : i32
    %while3A_1005 = arith.constant 1 : i32
    %while3A_1006 = arith.divsi %while3A_1003, %while3A_1005 : i32
    %while3A_1007 = arith.muli %while3A_1006, %while3A_1005 : i32
    %while3A_1008 = arith.addi %while3A_1002, %while3A_1007 : i32
    %while3A_1009 = arith.constant 1 : i32
    %while3A_1010 = scf.for %while3A_1132 = %while3A_1002 to %while3A_1008 step %while3A_1009 iter_args(%while3A_1133 = %broadcast_in_dim3A_1001) -> (vector<128x512xf32>)  : i32 {
      %mul3A_1134 = arith.constant 1024 : i32
      %mul3A_1135 = arith.muli %while3A_1132, %mul3A_1134 : i32
      %get3A_1136 = arith.constant 0 : index
      %get3A_1137 = arith.constant 2 : index
      %get3A_1138 = arith.index_cast %mul3A_1135 : i32 to index
      %get3A_1139 = vector.load %arg4[%get3A_1136, %get3A_1137, %get3A_1138] : memref<1x4x65536xi32, #tpu.memory_space<vmem>>, vector<1x1x1024xi32>
      %get3A_1140 = vector.shape_cast %get3A_1139 : vector<1x1x1024xi32> to vector<1024xi32>
      %reshape3A = vector.shape_cast %get3A_1140 : vector<1024xi32> to vector<1x1024xi32>
      %shift_right_arithmetic3A = arith.constant 9 : i32
      %shift_right_arithmetic3A_1141 = vector.broadcast %shift_right_arithmetic3A : i32 to vector<1x1024xi32>
      %shift_right_arithmetic3A_1142 = arith.shrsi %reshape3A, %shift_right_arithmetic3A_1141 : vector<1x1024xi32>
      %and3A_1143 = arith.constant 511 : i32
      %and3A_1144 = vector.broadcast %and3A_1143 : i32 to vector<1x1024xi32>
      %and3A_1145 = arith.andi %reshape3A, %and3A_1144 : vector<1x1024xi32>
      %add3A_1146 = vector.broadcast %mul3A_1135 : i32 to vector<1x1024xi32>
      %add3A_1147 = arith.addi %add3A_1146, %iota3A_15 : vector<1x1024xi32>
      %lt3A = vector.broadcast %get3A_972 : i32 to vector<1x1024xi32>
      %lt3A_1148 = arith.cmpi slt, %add3A_1147, %lt3A : vector<1x1024xi32>
      %add3A_1149 = arith.constant 256 : i32
      %add3A_1150 = vector.broadcast %add3A_1149 : i32 to vector<128x1024xi32>
      %add3A_1151 = arith.addi %iota3A_16, %add3A_1150 : vector<128x1024xi32>
      %eq3A_1152 = vector.broadcast %shift_right_arithmetic3A_1142 : vector<1x1024xi32> to vector<128x1024xi32>
      %eq3A_1153 = arith.cmpi eq, %add3A_1151, %eq3A_1152 : vector<128x1024xi32>
      %and3A_1154 = vector.broadcast %lt3A_1148 : vector<1x1024xi1> to vector<128x1024xi1>
      %and3A_1155 = arith.andi %eq3A_1153, %and3A_1154 : vector<128x1024xi1>
      %convert_element_type3A_1156 = arith.extui %and3A_1155 : vector<128x1024xi1> to vector<128x1024xi32>
      %convert_element_type3A_1157 = arith.sitofp %convert_element_type3A_1156 : vector<128x1024xi32> to vector<128x1024xf32>
      %eq3A_1158 = vector.broadcast %and3A_1145 : vector<1x1024xi32> to vector<512x1024xi32>
      %eq3A_1159 = arith.cmpi eq, %iota3A_17, %eq3A_1158 : vector<512x1024xi32>
      %and3A_1160 = vector.broadcast %lt3A_1148 : vector<1x1024xi1> to vector<512x1024xi1>
      %and3A_1161 = arith.andi %eq3A_1159, %and3A_1160 : vector<512x1024xi1>
      %convert_element_type3A_1162 = arith.extui %and3A_1161 : vector<512x1024xi1> to vector<512x1024xi32>
      %convert_element_type3A_1163 = arith.sitofp %convert_element_type3A_1162 : vector<512x1024xi32> to vector<512x1024xf32>
      %dot_general3A_1164 = arith.constant dense<0.000000e+00> : vector<1024x512xf32>
      %dot_general3A_1165 = tpu.matmul %convert_element_type3A_1157, %slice3A_973, %dot_general3A_1164 {dimension_numbers = #tpu.dot_dimension_numbers<[0], [0], [1], [1], [0, 1, 1, 1], [], []>, transpose_lhs_hint = false} : vector<128x1024xf32>, vector<128x512xf32>, vector<1024x512xf32> -> vector<1024x512xf32>
      %dot_general3A_1166 = arith.constant dense<0.000000e+00> : vector<1024x512xf32>
      %dot_general3A_1167 = tpu.matmul %convert_element_type3A_1163, %dot_general3A_860, %dot_general3A_1166 {dimension_numbers = #tpu.dot_dimension_numbers<[0], [0], [1], [1], [0, 1, 1, 1], [], []>, transpose_lhs_hint = false} : vector<512x1024xf32>, vector<512x512xf32>, vector<1024x512xf32> -> vector<1024x512xf32>
      %add3A_1168 = arith.addf %dot_general3A_1165, %dot_general3A_1167 : vector<1024x512xf32>
      %logistic3A_1169 = arith.negf %add3A_1168 : vector<1024x512xf32>
      %logistic3A_1170 = math.exp %logistic3A_1169 : vector<1024x512xf32>
      %logistic3A_1171 = arith.constant 1.000000e+00 : f32
      %logistic3A_1172 = vector.broadcast %logistic3A_1171 : f32 to vector<1024x512xf32>
      %logistic3A_1173 = arith.addf %logistic3A_1172, %logistic3A_1170 : vector<1024x512xf32>
      %logistic3A_1174 = arith.divf %logistic3A_1172, %logistic3A_1173 : vector<1024x512xf32>
      %mul3A_1175 = arith.mulf %add3A_1168, %logistic3A_1174 : vector<1024x512xf32>
      %dot_general3A_1176 = arith.constant dense<0.000000e+00> : vector<128x512xf32>
      %dot_general3A_1177 = tpu.matmul %convert_element_type3A_1157, %mul3A_1175, %dot_general3A_1176 {dimension_numbers = #tpu.dot_dimension_numbers<[1], [0], [0], [1], [0, 0, 1, 1], [], []>, transpose_lhs_hint = false} : vector<128x1024xf32>, vector<1024x512xf32>, vector<128x512xf32> -> vector<128x512xf32>
      %add3A_1178 = arith.addf %while3A_1133, %dot_general3A_1177 : vector<128x512xf32>
      scf.yield %add3A_1178 : vector<128x512xf32>
    }
    %while3A_1011 = arith.constant 1 : i32
    %while3A_1012 = scf.for %while3A_1132 = %while3A_1008 to %while3A_1004 step %while3A_1011 iter_args(%while3A_1133 = %while3A_1010) -> (vector<128x512xf32>)  : i32 {
      %mul3A_1134 = arith.constant 1024 : i32
      %mul3A_1135 = arith.muli %while3A_1132, %mul3A_1134 : i32
      %get3A_1136 = arith.constant 0 : index
      %get3A_1137 = arith.constant 2 : index
      %get3A_1138 = arith.index_cast %mul3A_1135 : i32 to index
      %get3A_1139 = vector.load %arg4[%get3A_1136, %get3A_1137, %get3A_1138] : memref<1x4x65536xi32, #tpu.memory_space<vmem>>, vector<1x1x1024xi32>
      %get3A_1140 = vector.shape_cast %get3A_1139 : vector<1x1x1024xi32> to vector<1024xi32>
      %reshape3A = vector.shape_cast %get3A_1140 : vector<1024xi32> to vector<1x1024xi32>
      %shift_right_arithmetic3A = arith.constant 9 : i32
      %shift_right_arithmetic3A_1141 = vector.broadcast %shift_right_arithmetic3A : i32 to vector<1x1024xi32>
      %shift_right_arithmetic3A_1142 = arith.shrsi %reshape3A, %shift_right_arithmetic3A_1141 : vector<1x1024xi32>
      %and3A_1143 = arith.constant 511 : i32
      %and3A_1144 = vector.broadcast %and3A_1143 : i32 to vector<1x1024xi32>
      %and3A_1145 = arith.andi %reshape3A, %and3A_1144 : vector<1x1024xi32>
      %add3A_1146 = vector.broadcast %mul3A_1135 : i32 to vector<1x1024xi32>
      %add3A_1147 = arith.addi %add3A_1146, %iota3A_15 : vector<1x1024xi32>
      %lt3A = vector.broadcast %get3A_972 : i32 to vector<1x1024xi32>
      %lt3A_1148 = arith.cmpi slt, %add3A_1147, %lt3A : vector<1x1024xi32>
      %add3A_1149 = arith.constant 256 : i32
      %add3A_1150 = vector.broadcast %add3A_1149 : i32 to vector<128x1024xi32>
      %add3A_1151 = arith.addi %iota3A_16, %add3A_1150 : vector<128x1024xi32>
      %eq3A_1152 = vector.broadcast %shift_right_arithmetic3A_1142 : vector<1x1024xi32> to vector<128x1024xi32>
      %eq3A_1153 = arith.cmpi eq, %add3A_1151, %eq3A_1152 : vector<128x1024xi32>
      %and3A_1154 = vector.broadcast %lt3A_1148 : vector<1x1024xi1> to vector<128x1024xi1>
      %and3A_1155 = arith.andi %eq3A_1153, %and3A_1154 : vector<128x1024xi1>
      %convert_element_type3A_1156 = arith.extui %and3A_1155 : vector<128x1024xi1> to vector<128x1024xi32>
      %convert_element_type3A_1157 = arith.sitofp %convert_element_type3A_1156 : vector<128x1024xi32> to vector<128x1024xf32>
      %eq3A_1158 = vector.broadcast %and3A_1145 : vector<1x1024xi32> to vector<512x1024xi32>
      %eq3A_1159 = arith.cmpi eq, %iota3A_17, %eq3A_1158 : vector<512x1024xi32>
      %and3A_1160 = vector.broadcast %lt3A_1148 : vector<1x1024xi1> to vector<512x1024xi1>
      %and3A_1161 = arith.andi %eq3A_1159, %and3A_1160 : vector<512x1024xi1>
      %convert_element_type3A_1162 = arith.extui %and3A_1161 : vector<512x1024xi1> to vector<512x1024xi32>
      %convert_element_type3A_1163 = arith.sitofp %convert_element_type3A_1162 : vector<512x1024xi32> to vector<512x1024xf32>
      %dot_general3A_1164 = arith.constant dense<0.000000e+00> : vector<1024x512xf32>
      %dot_general3A_1165 = tpu.matmul %convert_element_type3A_1157, %slice3A_973, %dot_general3A_1164 {dimension_numbers = #tpu.dot_dimension_numbers<[0], [0], [1], [1], [0, 1, 1, 1], [], []>, transpose_lhs_hint = false} : vector<128x1024xf32>, vector<128x512xf32>, vector<1024x512xf32> -> vector<1024x512xf32>
      %dot_general3A_1166 = arith.constant dense<0.000000e+00> : vector<1024x512xf32>
      %dot_general3A_1167 = tpu.matmul %convert_element_type3A_1163, %dot_general3A_860, %dot_general3A_1166 {dimension_numbers = #tpu.dot_dimension_numbers<[0], [0], [1], [1], [0, 1, 1, 1], [], []>, transpose_lhs_hint = false} : vector<512x1024xf32>, vector<512x512xf32>, vector<1024x512xf32> -> vector<1024x512xf32>
      %add3A_1168 = arith.addf %dot_general3A_1165, %dot_general3A_1167 : vector<1024x512xf32>
      %logistic3A_1169 = arith.negf %add3A_1168 : vector<1024x512xf32>
      %logistic3A_1170 = math.exp %logistic3A_1169 : vector<1024x512xf32>
      %logistic3A_1171 = arith.constant 1.000000e+00 : f32
      %logistic3A_1172 = vector.broadcast %logistic3A_1171 : f32 to vector<1024x512xf32>
      %logistic3A_1173 = arith.addf %logistic3A_1172, %logistic3A_1170 : vector<1024x512xf32>
      %logistic3A_1174 = arith.divf %logistic3A_1172, %logistic3A_1173 : vector<1024x512xf32>
      %mul3A_1175 = arith.mulf %add3A_1168, %logistic3A_1174 : vector<1024x512xf32>
      %dot_general3A_1176 = arith.constant dense<0.000000e+00> : vector<128x512xf32>
      %dot_general3A_1177 = tpu.matmul %convert_element_type3A_1157, %mul3A_1175, %dot_general3A_1176 {dimension_numbers = #tpu.dot_dimension_numbers<[1], [0], [0], [1], [0, 0, 1, 1], [], []>, transpose_lhs_hint = false} : vector<128x1024xf32>, vector<1024x512xf32>, vector<128x512xf32> -> vector<128x512xf32>
      %add3A_1178 = arith.addf %while3A_1133, %dot_general3A_1177 : vector<128x512xf32>
      scf.yield %add3A_1178 : vector<128x512xf32>
    }
    %get3A_1013 = arith.constant 3 : index
    %get3A_1014 = arith.constant 0 : index
    %get3A_1015 = arith.constant 0 : index
    %get3A_1016 = vector.load %arg9[%get3A_1013, %get3A_1014, %get3A_1015] : memref<4x512x256xf32, #tpu.memory_space<vmem>>, vector<1x512x256xf32>
    %get3A_1017 = vector.shape_cast %get3A_1016 : vector<1x512x256xf32> to vector<512x256xf32>
    %dot_general3A_1018 = arith.constant dense<0.000000e+00> : vector<128x256xf32>
    %dot_general3A_1019 = tpu.matmul %while3A_1012, %get3A_1017, %dot_general3A_1018 {dimension_numbers = #tpu.dot_dimension_numbers<[1], [0], [0], [1], [0, 0, 1, 1], [], []>, transpose_lhs_hint = false} : vector<128x512xf32>, vector<512x256xf32>, vector<128x256xf32> -> vector<128x256xf32>
    %mul3A_1020 = arith.constant 4 : i32
    %mul3A_1021 = arith.muli %arg0, %mul3A_1020 : i32
    %add3A_1022 = arith.constant 3 : i32
    %add3A_1023 = arith.addi %mul3A_1021, %add3A_1022 : i32
    %get3A_1024 = arith.index_cast %add3A_1023 : i32 to index
    %get3A_1025 = memref.load %arg1[%get3A_1024] : memref<32xi32, #tpu.memory_space<smem>>
    %slice3A_1026 = vector.extract_strided_slice %add3A_853 {offsets = [384, 0], sizes = [128, 512], strides = [1, 1]} : vector<512x512xf32> to vector<128x512xf32>
    %add3A_1027 = arith.constant 1023 : i32
    %add3A_1028 = arith.addi %get3A_1025, %add3A_1027 : i32
    %jit3A_1029 = arith.constant 1024 : i32
    %div3A_1030 = arith.divsi %add3A_1028, %jit3A_1029 : i32
    %sign3A_1031 = arith.constant 0 : i32
    %sign3A_1032 = arith.cmpi sgt, %add3A_1028, %sign3A_1031 : i32
    %sign3A_1033 = arith.extui %sign3A_1032 : i1 to i32
    %sign3A_1034 = arith.constant 0 : i32
    %sign3A_1035 = arith.cmpi slt, %add3A_1028, %sign3A_1034 : i32
    %sign3A_1036 = arith.extui %sign3A_1035 : i1 to i32
    %sign3A_1037 = arith.subi %sign3A_1033, %sign3A_1036 : i32
    %sign3A_1038 = arith.constant 0 : i32
    %sign3A_1039 = arith.cmpi sgt, %jit3A_1029, %sign3A_1038 : i32
    %sign3A_1040 = arith.extui %sign3A_1039 : i1 to i32
    %sign3A_1041 = arith.constant 0 : i32
    %sign3A_1042 = arith.cmpi slt, %jit3A_1029, %sign3A_1041 : i32
    %sign3A_1043 = arith.extui %sign3A_1042 : i1 to i32
    %sign3A_1044 = arith.subi %sign3A_1040, %sign3A_1043 : i32
    %ne3A_1045 = arith.cmpi ne, %sign3A_1037, %sign3A_1044 : i32
    %rem3A_1046 = arith.remsi %add3A_1028, %jit3A_1029 : i32
    %ne3A_1047 = arith.constant 0 : i32
    %ne3A_1048 = arith.cmpi ne, %rem3A_1046, %ne3A_1047 : i32
    %and3A_1049 = arith.andi %ne3A_1045, %ne3A_1048 : i1
    %sub3A_1050 = arith.constant 1 : i32
    %sub3A_1051 = arith.subi %div3A_1030, %sub3A_1050 : i32
    %select_n3A_1052 = arith.select %and3A_1049, %sub3A_1051, %div3A_1030 : i32
    %broadcast_in_dim3A_1053 = arith.constant 0.000000e+00 : f32
    %broadcast_in_dim3A_1054 = vector.broadcast %broadcast_in_dim3A_1053 : f32 to vector<128x512xf32>
    %while3A_1055 = arith.constant 0 : i32
    %while3A_1056 = arith.subi %select_n3A_1052, %while3A_1055 : i32
    %while3A_1057 = arith.addi %while3A_1055, %while3A_1056 : i32
    %while3A_1058 = arith.constant 1 : i32
    %while3A_1059 = arith.divsi %while3A_1056, %while3A_1058 : i32
    %while3A_1060 = arith.muli %while3A_1059, %while3A_1058 : i32
    %while3A_1061 = arith.addi %while3A_1055, %while3A_1060 : i32
    %while3A_1062 = arith.constant 1 : i32
    %while3A_1063 = scf.for %while3A_1132 = %while3A_1055 to %while3A_1061 step %while3A_1062 iter_args(%while3A_1133 = %broadcast_in_dim3A_1054) -> (vector<128x512xf32>)  : i32 {
      %mul3A_1134 = arith.constant 1024 : i32
      %mul3A_1135 = arith.muli %while3A_1132, %mul3A_1134 : i32
      %get3A_1136 = arith.constant 0 : index
      %get3A_1137 = arith.constant 3 : index
      %get3A_1138 = arith.index_cast %mul3A_1135 : i32 to index
      %get3A_1139 = vector.load %arg4[%get3A_1136, %get3A_1137, %get3A_1138] : memref<1x4x65536xi32, #tpu.memory_space<vmem>>, vector<1x1x1024xi32>
      %get3A_1140 = vector.shape_cast %get3A_1139 : vector<1x1x1024xi32> to vector<1024xi32>
      %reshape3A = vector.shape_cast %get3A_1140 : vector<1024xi32> to vector<1x1024xi32>
      %shift_right_arithmetic3A = arith.constant 9 : i32
      %shift_right_arithmetic3A_1141 = vector.broadcast %shift_right_arithmetic3A : i32 to vector<1x1024xi32>
      %shift_right_arithmetic3A_1142 = arith.shrsi %reshape3A, %shift_right_arithmetic3A_1141 : vector<1x1024xi32>
      %and3A_1143 = arith.constant 511 : i32
      %and3A_1144 = vector.broadcast %and3A_1143 : i32 to vector<1x1024xi32>
      %and3A_1145 = arith.andi %reshape3A, %and3A_1144 : vector<1x1024xi32>
      %add3A_1146 = vector.broadcast %mul3A_1135 : i32 to vector<1x1024xi32>
      %add3A_1147 = arith.addi %add3A_1146, %iota3A_15 : vector<1x1024xi32>
      %lt3A = vector.broadcast %get3A_1025 : i32 to vector<1x1024xi32>
      %lt3A_1148 = arith.cmpi slt, %add3A_1147, %lt3A : vector<1x1024xi32>
      %add3A_1149 = arith.constant 384 : i32
      %add3A_1150 = vector.broadcast %add3A_1149 : i32 to vector<128x1024xi32>
      %add3A_1151 = arith.addi %iota3A_16, %add3A_1150 : vector<128x1024xi32>
      %eq3A_1152 = vector.broadcast %shift_right_arithmetic3A_1142 : vector<1x1024xi32> to vector<128x1024xi32>
      %eq3A_1153 = arith.cmpi eq, %add3A_1151, %eq3A_1152 : vector<128x1024xi32>
      %and3A_1154 = vector.broadcast %lt3A_1148 : vector<1x1024xi1> to vector<128x1024xi1>
      %and3A_1155 = arith.andi %eq3A_1153, %and3A_1154 : vector<128x1024xi1>
      %convert_element_type3A_1156 = arith.extui %and3A_1155 : vector<128x1024xi1> to vector<128x1024xi32>
      %convert_element_type3A_1157 = arith.sitofp %convert_element_type3A_1156 : vector<128x1024xi32> to vector<128x1024xf32>
      %eq3A_1158 = vector.broadcast %and3A_1145 : vector<1x1024xi32> to vector<512x1024xi32>
      %eq3A_1159 = arith.cmpi eq, %iota3A_17, %eq3A_1158 : vector<512x1024xi32>
      %and3A_1160 = vector.broadcast %lt3A_1148 : vector<1x1024xi1> to vector<512x1024xi1>
      %and3A_1161 = arith.andi %eq3A_1159, %and3A_1160 : vector<512x1024xi1>
      %convert_element_type3A_1162 = arith.extui %and3A_1161 : vector<512x1024xi1> to vector<512x1024xi32>
      %convert_element_type3A_1163 = arith.sitofp %convert_element_type3A_1162 : vector<512x1024xi32> to vector<512x1024xf32>
      %dot_general3A_1164 = arith.constant dense<0.000000e+00> : vector<1024x512xf32>
      %dot_general3A_1165 = tpu.matmul %convert_element_type3A_1157, %slice3A_1026, %dot_general3A_1164 {dimension_numbers = #tpu.dot_dimension_numbers<[0], [0], [1], [1], [0, 1, 1, 1], [], []>, transpose_lhs_hint = false} : vector<128x1024xf32>, vector<128x512xf32>, vector<1024x512xf32> -> vector<1024x512xf32>
      %dot_general3A_1166 = arith.constant dense<0.000000e+00> : vector<1024x512xf32>
      %dot_general3A_1167 = tpu.matmul %convert_element_type3A_1163, %dot_general3A_860, %dot_general3A_1166 {dimension_numbers = #tpu.dot_dimension_numbers<[0], [0], [1], [1], [0, 1, 1, 1], [], []>, transpose_lhs_hint = false} : vector<512x1024xf32>, vector<512x512xf32>, vector<1024x512xf32> -> vector<1024x512xf32>
      %add3A_1168 = arith.addf %dot_general3A_1165, %dot_general3A_1167 : vector<1024x512xf32>
      %logistic3A_1169 = arith.negf %add3A_1168 : vector<1024x512xf32>
      %logistic3A_1170 = math.exp %logistic3A_1169 : vector<1024x512xf32>
      %logistic3A_1171 = arith.constant 1.000000e+00 : f32
      %logistic3A_1172 = vector.broadcast %logistic3A_1171 : f32 to vector<1024x512xf32>
      %logistic3A_1173 = arith.addf %logistic3A_1172, %logistic3A_1170 : vector<1024x512xf32>
      %logistic3A_1174 = arith.divf %logistic3A_1172, %logistic3A_1173 : vector<1024x512xf32>
      %mul3A_1175 = arith.mulf %add3A_1168, %logistic3A_1174 : vector<1024x512xf32>
      %dot_general3A_1176 = arith.constant dense<0.000000e+00> : vector<128x512xf32>
      %dot_general3A_1177 = tpu.matmul %convert_element_type3A_1157, %mul3A_1175, %dot_general3A_1176 {dimension_numbers = #tpu.dot_dimension_numbers<[1], [0], [0], [1], [0, 0, 1, 1], [], []>, transpose_lhs_hint = false} : vector<128x1024xf32>, vector<1024x512xf32>, vector<128x512xf32> -> vector<128x512xf32>
      %add3A_1178 = arith.addf %while3A_1133, %dot_general3A_1177 : vector<128x512xf32>
      scf.yield %add3A_1178 : vector<128x512xf32>
    }
    %while3A_1064 = arith.constant 1 : i32
    %while3A_1065 = scf.for %while3A_1132 = %while3A_1061 to %while3A_1057 step %while3A_1064 iter_args(%while3A_1133 = %while3A_1063) -> (vector<128x512xf32>)  : i32 {
      %mul3A_1134 = arith.constant 1024 : i32
      %mul3A_1135 = arith.muli %while3A_1132, %mul3A_1134 : i32
      %get3A_1136 = arith.constant 0 : index
      %get3A_1137 = arith.constant 3 : index
      %get3A_1138 = arith.index_cast %mul3A_1135 : i32 to index
      %get3A_1139 = vector.load %arg4[%get3A_1136, %get3A_1137, %get3A_1138] : memref<1x4x65536xi32, #tpu.memory_space<vmem>>, vector<1x1x1024xi32>
      %get3A_1140 = vector.shape_cast %get3A_1139 : vector<1x1x1024xi32> to vector<1024xi32>
      %reshape3A = vector.shape_cast %get3A_1140 : vector<1024xi32> to vector<1x1024xi32>
      %shift_right_arithmetic3A = arith.constant 9 : i32
      %shift_right_arithmetic3A_1141 = vector.broadcast %shift_right_arithmetic3A : i32 to vector<1x1024xi32>
      %shift_right_arithmetic3A_1142 = arith.shrsi %reshape3A, %shift_right_arithmetic3A_1141 : vector<1x1024xi32>
      %and3A_1143 = arith.constant 511 : i32
      %and3A_1144 = vector.broadcast %and3A_1143 : i32 to vector<1x1024xi32>
      %and3A_1145 = arith.andi %reshape3A, %and3A_1144 : vector<1x1024xi32>
      %add3A_1146 = vector.broadcast %mul3A_1135 : i32 to vector<1x1024xi32>
      %add3A_1147 = arith.addi %add3A_1146, %iota3A_15 : vector<1x1024xi32>
      %lt3A = vector.broadcast %get3A_1025 : i32 to vector<1x1024xi32>
      %lt3A_1148 = arith.cmpi slt, %add3A_1147, %lt3A : vector<1x1024xi32>
      %add3A_1149 = arith.constant 384 : i32
      %add3A_1150 = vector.broadcast %add3A_1149 : i32 to vector<128x1024xi32>
      %add3A_1151 = arith.addi %iota3A_16, %add3A_1150 : vector<128x1024xi32>
      %eq3A_1152 = vector.broadcast %shift_right_arithmetic3A_1142 : vector<1x1024xi32> to vector<128x1024xi32>
      %eq3A_1153 = arith.cmpi eq, %add3A_1151, %eq3A_1152 : vector<128x1024xi32>
      %and3A_1154 = vector.broadcast %lt3A_1148 : vector<1x1024xi1> to vector<128x1024xi1>
      %and3A_1155 = arith.andi %eq3A_1153, %and3A_1154 : vector<128x1024xi1>
      %convert_element_type3A_1156 = arith.extui %and3A_1155 : vector<128x1024xi1> to vector<128x1024xi32>
      %convert_element_type3A_1157 = arith.sitofp %convert_element_type3A_1156 : vector<128x1024xi32> to vector<128x1024xf32>
      %eq3A_1158 = vector.broadcast %and3A_1145 : vector<1x1024xi32> to vector<512x1024xi32>
      %eq3A_1159 = arith.cmpi eq, %iota3A_17, %eq3A_1158 : vector<512x1024xi32>
      %and3A_1160 = vector.broadcast %lt3A_1148 : vector<1x1024xi1> to vector<512x1024xi1>
      %and3A_1161 = arith.andi %eq3A_1159, %and3A_1160 : vector<512x1024xi1>
      %convert_element_type3A_1162 = arith.extui %and3A_1161 : vector<512x1024xi1> to vector<512x1024xi32>
      %convert_element_type3A_1163 = arith.sitofp %convert_element_type3A_1162 : vector<512x1024xi32> to vector<512x1024xf32>
      %dot_general3A_1164 = arith.constant dense<0.000000e+00> : vector<1024x512xf32>
      %dot_general3A_1165 = tpu.matmul %convert_element_type3A_1157, %slice3A_1026, %dot_general3A_1164 {dimension_numbers = #tpu.dot_dimension_numbers<[0], [0], [1], [1], [0, 1, 1, 1], [], []>, transpose_lhs_hint = false} : vector<128x1024xf32>, vector<128x512xf32>, vector<1024x512xf32> -> vector<1024x512xf32>
      %dot_general3A_1166 = arith.constant dense<0.000000e+00> : vector<1024x512xf32>
      %dot_general3A_1167 = tpu.matmul %convert_element_type3A_1163, %dot_general3A_860, %dot_general3A_1166 {dimension_numbers = #tpu.dot_dimension_numbers<[0], [0], [1], [1], [0, 1, 1, 1], [], []>, transpose_lhs_hint = false} : vector<512x1024xf32>, vector<512x512xf32>, vector<1024x512xf32> -> vector<1024x512xf32>
      %add3A_1168 = arith.addf %dot_general3A_1165, %dot_general3A_1167 : vector<1024x512xf32>
      %logistic3A_1169 = arith.negf %add3A_1168 : vector<1024x512xf32>
      %logistic3A_1170 = math.exp %logistic3A_1169 : vector<1024x512xf32>
      %logistic3A_1171 = arith.constant 1.000000e+00 : f32
      %logistic3A_1172 = vector.broadcast %logistic3A_1171 : f32 to vector<1024x512xf32>
      %logistic3A_1173 = arith.addf %logistic3A_1172, %logistic3A_1170 : vector<1024x512xf32>
      %logistic3A_1174 = arith.divf %logistic3A_1172, %logistic3A_1173 : vector<1024x512xf32>
      %mul3A_1175 = arith.mulf %add3A_1168, %logistic3A_1174 : vector<1024x512xf32>
      %dot_general3A_1176 = arith.constant dense<0.000000e+00> : vector<128x512xf32>
      %dot_general3A_1177 = tpu.matmul %convert_element_type3A_1157, %mul3A_1175, %dot_general3A_1176 {dimension_numbers = #tpu.dot_dimension_numbers<[1], [0], [0], [1], [0, 0, 1, 1], [], []>, transpose_lhs_hint = false} : vector<128x1024xf32>, vector<1024x512xf32>, vector<128x512xf32> -> vector<128x512xf32>
      %add3A_1178 = arith.addf %while3A_1133, %dot_general3A_1177 : vector<128x512xf32>
      scf.yield %add3A_1178 : vector<128x512xf32>
    }
    %get3A_1066 = arith.constant 3 : index
    %get3A_1067 = arith.constant 0 : index
    %get3A_1068 = arith.constant 0 : index
    %get3A_1069 = vector.load %arg9[%get3A_1066, %get3A_1067, %get3A_1068] : memref<4x512x256xf32, #tpu.memory_space<vmem>>, vector<1x512x256xf32>
    %get3A_1070 = vector.shape_cast %get3A_1069 : vector<1x512x256xf32> to vector<512x256xf32>
    %dot_general3A_1071 = arith.constant dense<0.000000e+00> : vector<128x256xf32>
    %dot_general3A_1072 = tpu.matmul %while3A_1065, %get3A_1070, %dot_general3A_1071 {dimension_numbers = #tpu.dot_dimension_numbers<[1], [0], [0], [1], [0, 0, 1, 1], [], []>, transpose_lhs_hint = false} : vector<128x512xf32>, vector<512x256xf32>, vector<128x256xf32> -> vector<128x256xf32>
    %concatenate3A_1073 = tpu.concatenate %dot_general3A_913, %dot_general3A_966, %dot_general3A_1019, %dot_general3A_1072 in 0 : vector<128x256xf32>, vector<128x256xf32>, vector<128x256xf32>, vector<128x256xf32> -> vector<512x256xf32>
    %get3A_1074 = arith.constant 3 : index
    %get3A_1075 = arith.constant 0 : index
    %get3A_1076 = arith.constant 0 : index
    %get3A_1077 = vector.load %arg10[%get3A_1074, %get3A_1075, %get3A_1076] : memref<4x1x256xf32, #tpu.memory_space<vmem>>, vector<1x1x256xf32>
    %get3A_1078 = vector.shape_cast %get3A_1077 : vector<1x1x256xf32> to vector<1x256xf32>
    %mul3A_1079 = vector.broadcast %get3A_8 : vector<512x1xf32> to vector<512x256xf32>
    %mul3A_1080 = vector.broadcast %get3A_1078 : vector<1x256xf32> to vector<512x256xf32>
    %mul3A_1081 = arith.mulf %mul3A_1079, %mul3A_1080 : vector<512x256xf32>
    %add3A_1082 = arith.addf %concatenate3A_1073, %mul3A_1081 : vector<512x256xf32>
    %get3A_1083 = arith.constant 3 : index
    %get3A_1084 = arith.constant 0 : index
    %get3A_1085 = arith.constant 0 : index
    %get3A_1086 = vector.load %arg11[%get3A_1083, %get3A_1084, %get3A_1085] : memref<4x256x256xf32, #tpu.memory_space<vmem>>, vector<1x256x256xf32>
    %get3A_1087 = vector.shape_cast %get3A_1086 : vector<1x256x256xf32> to vector<256x256xf32>
    %dot_general3A_1088 = arith.constant dense<0.000000e+00> : vector<512x256xf32>
    %dot_general3A_1089 = tpu.matmul %add3A_1082, %get3A_1087, %dot_general3A_1088 {dimension_numbers = #tpu.dot_dimension_numbers<[1], [0], [0], [1], [0, 0, 1, 1], [], []>, transpose_lhs_hint = false} : vector<512x256xf32>, vector<256x256xf32>, vector<512x256xf32> -> vector<512x256xf32>
    %get3A_1090 = arith.constant 3 : index
    %get3A_1091 = arith.constant 0 : index
    %get3A_1092 = arith.constant 0 : index
    %get3A_1093 = vector.load %arg12[%get3A_1090, %get3A_1091, %get3A_1092] : memref<4x1x256xf32, #tpu.memory_space<vmem>>, vector<1x1x256xf32>
    %get3A_1094 = vector.shape_cast %get3A_1093 : vector<1x1x256xf32> to vector<1x256xf32>
    %add3A_1095 = vector.broadcast %get3A_1094 : vector<1x256xf32> to vector<512x256xf32>
    %add3A_1096 = arith.addf %dot_general3A_1089, %add3A_1095 : vector<512x256xf32>
    %logistic3A_1097 = arith.negf %add3A_1096 : vector<512x256xf32>
    %logistic3A_1098 = math.exp %logistic3A_1097 : vector<512x256xf32>
    %logistic3A_1099 = arith.constant 1.000000e+00 : f32
    %logistic3A_1100 = vector.broadcast %logistic3A_1099 : f32 to vector<512x256xf32>
    %logistic3A_1101 = arith.addf %logistic3A_1100, %logistic3A_1098 : vector<512x256xf32>
    %logistic3A_1102 = arith.divf %logistic3A_1100, %logistic3A_1101 : vector<512x256xf32>
    %mul3A_1103 = arith.mulf %add3A_1096, %logistic3A_1102 : vector<512x256xf32>
    %get3A_1104 = arith.constant 3 : index
    %get3A_1105 = arith.constant 0 : index
    %get3A_1106 = arith.constant 0 : index
    %get3A_1107 = vector.load %arg13[%get3A_1104, %get3A_1105, %get3A_1106] : memref<4x256x256xf32, #tpu.memory_space<vmem>>, vector<1x256x256xf32>
    %get3A_1108 = vector.shape_cast %get3A_1107 : vector<1x256x256xf32> to vector<256x256xf32>
    %dot_general3A_1109 = arith.constant dense<0.000000e+00> : vector<512x256xf32>
    %dot_general3A_1110 = tpu.matmul %mul3A_1103, %get3A_1108, %dot_general3A_1109 {dimension_numbers = #tpu.dot_dimension_numbers<[1], [0], [0], [1], [0, 0, 1, 1], [], []>, transpose_lhs_hint = false} : vector<512x256xf32>, vector<256x256xf32>, vector<512x256xf32> -> vector<512x256xf32>
    %add3A_1111 = arith.addf %add3A_839, %dot_general3A_1110 : vector<512x256xf32>
    %get3A_1112 = arith.constant 3 : index
    %get3A_1113 = arith.constant 0 : index
    %get3A_1114 = arith.constant 0 : index
    %get3A_1115 = vector.load %arg14[%get3A_1112, %get3A_1113, %get3A_1114] : memref<4x1x256xf32, #tpu.memory_space<vmem>>, vector<1x1x256xf32>
    %get3A_1116 = vector.shape_cast %get3A_1115 : vector<1x1x256xf32> to vector<1x256xf32>
    %add3A_1117 = vector.broadcast %get3A_1116 : vector<1x256xf32> to vector<512x256xf32>
    %add3A_1118 = arith.addf %add3A_1111, %add3A_1117 : vector<512x256xf32>
    %ne3A_1119 = arith.constant 0 : i32
    %ne3A_1120 = vector.broadcast %ne3A_1119 : i32 to vector<512x1xi32>
    %ne3A_1121 = arith.cmpi ne, %get3A_3, %ne3A_1120 : vector<512x1xi32>
    %jit3A_1122 = arith.constant 0.000000e+00 : f32
    %broadcast_in_dim3A_1123 = vector.shape_cast %ne3A_1121 : vector<512x1xi1> to vector<512x1xi1>
    %broadcast_in_dim3A_1124 = vector.broadcast %broadcast_in_dim3A_1123 : vector<512x1xi1> to vector<512x256xi1>
    %broadcast_in_dim3A_1125 = vector.broadcast %jit3A_1122 : f32 to vector<512x256xf32>
    %select_n3A_1126 = arith.select %broadcast_in_dim3A_1124, %add3A_1118, %broadcast_in_dim3A_1125 : vector<512x256xi1>, vector<512x256xf32>
    %swap3A = arith.constant 0 : index
    %swap3A_1127 = arith.constant 0 : index
    %swap3A_1128 = arith.constant 0 : index
    %swap3A_1129 = vector.load %arg15[%swap3A, %swap3A_1127, %swap3A_1128] : memref<1x512x256xf32, #tpu.memory_space<vmem>>, vector<1x512x256xf32>
    %swap3A_1130 = vector.shape_cast %swap3A_1129 : vector<1x512x256xf32> to vector<512x256xf32>
    %swap3A_1131 = vector.shape_cast %select_n3A_1126 : vector<512x256xf32> to vector<1x512x256xf32>
    tpu.vector_store %arg15[%swap3A, %swap3A_1127, %swap3A_1128], %swap3A_1131 {strides = array<i32>} : memref<1x512x256xf32, #tpu.memory_space<vmem>>, vector<1x512x256xf32>,
    return
  }
  func.func @transform_0(%arg0: i32, %arg1: memref<32xi32, #tpu.memory_space<smem>>) -> (i32, i32, i32) {
    %c0_i32 = arith.constant 0 : i32
    %c0_i32_0 = arith.constant 0 : i32
    %c0_i32_1 = arith.constant 0 : i32
    return %arg0, %c0_i32, %c0_i32_0 : i32, i32, i32
  }
  func.func @transform_1(%arg0: i32, %arg1: memref<32xi32, #tpu.memory_space<smem>>) -> (i32, i32, i32) {
    %c0_i32 = arith.constant 0 : i32
    %c0_i32_0 = arith.constant 0 : i32
    %c0_i32_1 = arith.constant 0 : i32
    return %arg0, %c0_i32, %c0_i32_0 : i32, i32, i32
  }
  func.func @transform_2(%arg0: i32, %arg1: memref<32xi32, #tpu.memory_space<smem>>) -> (i32, i32, i32) {
    %c0_i32 = arith.constant 0 : i32
    %c0_i32_0 = arith.constant 0 : i32
    %c0_i32_1 = arith.constant 0 : i32
    return %arg0, %c0_i32, %c0_i32_0 : i32, i32, i32
  }
  func.func @transform_3(%arg0: i32, %arg1: memref<32xi32, #tpu.memory_space<smem>>) -> (i32, i32) {
    %c0_i32 = arith.constant 0 : i32
    %c0_i32_0 = arith.constant 0 : i32
    %c0_i32_1 = arith.constant 0 : i32
    return %c0_i32, %c0_i32_0 : i32, i32
  }
  func.func @transform_4(%arg0: i32, %arg1: memref<32xi32, #tpu.memory_space<smem>>) -> (i32, i32, i32) {
    %c0_i32 = arith.constant 0 : i32
    %c0_i32_0 = arith.constant 0 : i32
    %c0_i32_1 = arith.constant 0 : i32
    %c0_i32_2 = arith.constant 0 : i32
    return %c0_i32, %c0_i32_0, %c0_i32_1 : i32, i32, i32
  }
  func.func @transform_5(%arg0: i32, %arg1: memref<32xi32, #tpu.memory_space<smem>>) -> (i32, i32, i32) {
    %c0_i32 = arith.constant 0 : i32
    %c0_i32_0 = arith.constant 0 : i32
    %c0_i32_1 = arith.constant 0 : i32
    %c0_i32_2 = arith.constant 0 : i32
    return %c0_i32, %c0_i32_0, %c0_i32_1 : i32, i32, i32
  }
  func.func @transform_6(%arg0: i32, %arg1: memref<32xi32, #tpu.memory_space<smem>>) -> (i32, i32, i32) {
    %c0_i32 = arith.constant 0 : i32
    %c0_i32_0 = arith.constant 0 : i32
    %c0_i32_1 = arith.constant 0 : i32
    %c0_i32_2 = arith.constant 0 : i32
    return %c0_i32, %c0_i32_0, %c0_i32_1 : i32, i32, i32
  }
  func.func @transform_7(%arg0: i32, %arg1: memref<32xi32, #tpu.memory_space<smem>>) -> (i32, i32, i32) {
    %c0_i32 = arith.constant 0 : i32
    %c0_i32_0 = arith.constant 0 : i32
    %c0_i32_1 = arith.constant 0 : i32
    %c0_i32_2 = arith.constant 0 : i32
    return %c0_i32, %c0_i32_0, %c0_i32_1 : i32, i32, i32
  }
  func.func @transform_8(%arg0: i32, %arg1: memref<32xi32, #tpu.memory_space<smem>>) -> (i32, i32, i32) {
    %c0_i32 = arith.constant 0 : i32
    %c0_i32_0 = arith.constant 0 : i32
    %c0_i32_1 = arith.constant 0 : i32
    %c0_i32_2 = arith.constant 0 : i32
    return %c0_i32, %c0_i32_0, %c0_i32_1 : i32, i32, i32
  }
  func.func @transform_9(%arg0: i32, %arg1: memref<32xi32, #tpu.memory_space<smem>>) -> (i32, i32, i32) {
    %c0_i32 = arith.constant 0 : i32
    %c0_i32_0 = arith.constant 0 : i32
    %c0_i32_1 = arith.constant 0 : i32
    %c0_i32_2 = arith.constant 0 : i32
    return %c0_i32, %c0_i32_0, %c0_i32_1 : i32, i32, i32
  }
  func.func @transform_10(%arg0: i32, %arg1: memref<32xi32, #tpu.memory_space<smem>>) -> (i32, i32, i32) {
    %c0_i32 = arith.constant 0 : i32
    %c0_i32_0 = arith.constant 0 : i32
    %c0_i32_1 = arith.constant 0 : i32
    %c0_i32_2 = arith.constant 0 : i32
    return %c0_i32, %c0_i32_0, %c0_i32_1 : i32, i32, i32
  }
  func.func @transform_11(%arg0: i32, %arg1: memref<32xi32, #tpu.memory_space<smem>>) -> (i32, i32, i32) {
    %c0_i32 = arith.constant 0 : i32
    %c0_i32_0 = arith.constant 0 : i32
    %c0_i32_1 = arith.constant 0 : i32
    %c0_i32_2 = arith.constant 0 : i32
    return %c0_i32, %c0_i32_0, %c0_i32_1 : i32, i32, i32
  }
  func.func @transform_12(%arg0: i32, %arg1: memref<32xi32, #tpu.memory_space<smem>>) -> (i32, i32, i32) {
    %c0_i32 = arith.constant 0 : i32
    %c0_i32_0 = arith.constant 0 : i32
    %c0_i32_1 = arith.constant 0 : i32
    %c0_i32_2 = arith.constant 0 : i32
    return %c0_i32, %c0_i32_0, %c0_i32_1 : i32, i32, i32
  }
  func.func @transform_13(%arg0: i32, %arg1: memref<32xi32, #tpu.memory_space<smem>>) -> (i32, i32, i32) {
    %c0_i32 = arith.constant 0 : i32
    %c0_i32_0 = arith.constant 0 : i32
    %c0_i32_1 = arith.constant 0 : i32
    return %arg0, %c0_i32, %c0_i32_0 : i32, i32, i32
  }
}

</mosaic_0001>

<sc_bundles>
// kernel: kernel.4.cloned.1.call-start
scs
__scs_entry_jumppad:
0x0: {  	(pc) =	sbr.rel $0x88, $3  }
0x1: {  	(tag) =	ssettag $0x0;
	lr =	simm.s32 $0x1  }
0x2: {  	[smem:$0x3F7E] =	sst lr;
	_ =	strace $0xD0000000  }
0x3: {  	_ = 	snop  }
0x4: {  	_ = 	snop  }
0x5: {  	_ = 	snop  }
0x6: {  	_ = 	snop  }
0x7: {  	_ = 	snop  }
__scs_overlays_trampoline_lowered:
0x8: {  	[smem:$0x3F8D] =	sst s0  }
0x9: {  	[smem:$0x3F8E] =	sst s1  }
0xa: {  	[smem:$0x3F8F] =	sst s2  }
0xb: {  	[smem:$0x3F90] =	sst s3  }
0xc: {  	[smem:$0x3F91] =	sst s4  }
0xd: {  	[smem:$0x3F92] =	sst s5  }
0xe: {  	[smem:$0x3F93] =	sst s6  }
0xf: {  	[smem:$0x3F94] =	sst s7  }
0x10: {  	[smem:$0x3F95] =	sst s8  }
0x11: {  	[smem:$0x3F96] =	sst s9;
	s0 =	simm.s32 @!p0 $0x0  }
0x12: {  	s1 =	sld [smem:$0x3F7C];
	s0 =	simm.s32 @p0 $0x1  }
0x13: {  	[smem:$0x3F97] =	sst s0;
	s0 =	simm.s32 @!p1 $0x0  }
0x14: {  	s2 =	sld [smem:$0x3F7B];
	s0 =	simm.s32 @p1 $0x1  }
0x15: {  	[smem:$0x3F98] =	sst s0;
	s0 =	simm.s32 @!p2 $0x0  }
0x16: {  	s3 =	sld [smem:$0x3FDB];
	s0 =	simm.s32 @p2 $0x1  }
0x17: {  	s4 =	simm.s32 $0x1BF5;
	[smem:$0x3F9A] =	sst s0  }
0x18: {  	s0 =	sld [smem:$0x3F7D];
	_ =	swait.ge [sflag:s4], $0x0  }
0x19: {  	s7 =	sld [smem:$0x3F7E]  }
0x1a: {  	s8 =	sadd.s32 $0xFFFFE003, lr  }
0x1b: {  	s9 =	sadd.s32 $0xFFFFFEF7, lr;
	s5 =	simm.s32 $0xFFFFFFFF;
	p2 =	slt.u32 s8, $0xFFFFF086  }
0x1c: {  	p1 =	slt.u32 s9, $0xF7A;
	s5 =	simm.s32 @!p2 $0x0  }
0x1d: {  	s5 =	simm.s32 @p1 $0x1;
	p0 =	seq.s32 s7, s2  }
0x1e: {  	s7 =	smul.u32 @!p0 $0xF7A, s2;
	p2 =	seq.s32 @!p0 s5, $0x0  }
0x1f: {  	s9 =	smul.u32 $0xF7A, s1;
	s8 =	simm.s32 @!p0 $0x1BF5;
	p2 =	por !p2, p0  }
0x20: {  	[sflag:s8] =	ssyncset.s32 @!p0 $0xFFFFF086;
	s6 =	sadd.s32 @!p0 s3, s7;
	s7 =	simm.s32 @!p0 $0x108  }
0x21: {  	s3 =	sadd.s32 s3, s9;
	s6 =	sadd.s32 @!p0 $0x88, s6;
	s7 =	simm.s32 @p2 $0x1082  }
0x22: {  	[simem:s7], [sflag:s8] =	dma.local @!p0 [hbm:s6], $0xF7A  }
0x23: {  	s9 =	sor.u32 $0xD0000000, s2;
	s6 =	simm.s32 $0x108;
	_ =	swait.ge @!p0 [sflag:s8], $0x0  }
0x24: {  	s3 =	sadd.s32 $0x88, s3;
	s6 =	simm.s32 @!p1 $0x1082;
	[sflag:s4] =	ssyncset.s32 $0xFFFFF086  }
0x25: {  	[simem:s6], [sflag:s4] =	dma.local [hbm:s3], $0xF7A  }
0x26: {  	[smem:$0x3F7E] =	sst s1;
	(tag) =	ssettag s2;
	_ =	strace s9  }
0x27: {  	s1 =	sld [smem:$0x3F8E]  }
0x28: {  	s2 =	sld [smem:$0x3F8F]  }
0x29: {  	s4 =	sld [smem:$0x3F91]  }
0x2a: {  	p0 =	seq.s32 s5, $0x0;
	s5 =	sld [smem:$0x3F92]  }
0x2b: {  	s6 =	sld [smem:$0x3F93]  }
0x2c: {  	s7 =	sld [smem:$0x3F94]  }
0x2d: {  	s3 =	simm.s32 $0x108;
	s8 =	sld [smem:$0x3F95]  }
0x2e: {  	s3 =	simm.s32 @!p0 $0x1082;
	s9 =	sld [smem:$0x3F96]  }
0x2f: {  	lr =	sadd.s32 s0, s3;
	s0 =	sld [smem:$0x3F8D]  }
0x30: {  	s3 =	sld [smem:$0x3F90]  }
0x31: {  	[smem:$0x3F99] =	sst s10  }
0x32: {  	s10 =	sld [smem:$0x3F97];
	_ =	sdelay $0x3  }
0x33: {  	p0 =	seq.s32 s10, $0x1;
	s10 =	sld [smem:$0x3F99];
	_ =	sdelay $0x3  }
0x34: {  	[smem:$0x3F99] =	sst s10  }
0x35: {  	s10 =	sld [smem:$0x3F98];
	_ =	sdelay $0x3  }
0x36: {  	p1 =	seq.s32 s10, $0x1;
	s10 =	sld [smem:$0x3F99];
	_ =	sdelay $0x3  }
0x37: {  	[smem:$0x3F99] =	sst s10  }
0x38: {  	s10 =	sld [smem:$0x3F9A]  }
0x39: {  	_ = 	snop;
	(pc) =	sbr.ind lr, $3  }
0x3a: {  	_ = 	snop  }
0x3b: {  	_ = 	snop  }
0x3c: {  	p2 =	seq.s32 s10, $0x1;
	s10 =	sld [smem:$0x3F99]  }
0x3d: {  	_ =	shalt  }
0x3e: {  	_ =	shalt  }
0x3f: {  	_ =	shalt  }
0x40: {  	_ =	shalt  }
0x41: {  	_ =	shalt  }
0x42: {  	_ =	shalt  }
0x43: {  	_ =	shalt  }
0x44: {  	_ =	shalt  }
0x45: {  	_ =	shalt  }
0x46: {  	_ =	shalt  }
0x47: {  	_ =	shalt  }
0x48: {  	_ =	shalt  }
0x49: {  	_ =	shalt  }
0x4a: {  	_ =	shalt  }
0x4b: {  	_ =	shalt  }
0x4c: {  	_ =	shalt  }
0x4d: {  	_ =	shalt  }
0x4e: {  	_ =	shalt  }
0x4f: {  	_ =	shalt  }
0x50: {  	_ =	shalt  }
0x51: {  	_ =	shalt  }
0x52: {  	_ =	shalt  }
0x53: {  	_ =	shalt  }
0x54: {  	_ =	shalt  }
0x55: {  	_ =	shalt  }
0x56: {  	_ =	shalt  }
0x57: {  	_ =	shalt  }
0x58: {  	_ =	shalt  }
0x59: {  	_ =	shalt  }
0x5a: {  	_ =	shalt  }
0x5b: {  	_ =	shalt  }
0x5c: {  	_ =	shalt  }
0x5d: {  	_ =	shalt  }
0x5e: {  	_ =	shalt  }
0x5f: {  	_ =	shalt  }
0x60: {  	_ =	shalt  }
0x61: {  	_ =	shalt  }
0x62: {  	_ =	shalt  }
0x63: {  	_ =	shalt  }
0x64: {  	_ =	shalt  }
0x65: {  	_ =	shalt  }
0x66: {  	_ =	shalt  }
0x67: {  	_ =	shalt  }
0x68: {  	_ =	shalt  }
0x69: {  	_ =	shalt  }
0x6a: {  	_ =	shalt  }
0x6b: {  	_ =	shalt  }
0x6c: {  	_ =	shalt  }
0x6d: {  	_ =	shalt  }
0x6e: {  	_ =	shalt  }
0x6f: {  	_ =	shalt  }
0x70: {  	_ =	shalt  }
0x71: {  	_ =	shalt  }
0x72: {  	_ =	shalt  }
0x73: {  	_ =	shalt  }
0x74: {  	_ =	shalt  }
0x75: {  	_ =	shalt  }
0x76: {  	_ =	shalt  }
0x77: {  	_ =	shalt  }
0x78: {  	_ =	shalt  }
0x79: {  	_ =	shalt  }
0x7a: {  	_ =	shalt  }
0x7b: {  	_ =	shalt  }
0x7c: {  	_ =	shalt  }
0x7d: {  	_ =	shalt  }
0x7e: {  	_ =	shalt  }
0x7f: {  	_ =	shalt  }
0x80: {  	_ =	shalt  }
0x81: {  	_ =	shalt  }
0x82: {  	_ =	shalt  }
0x83: {  	_ =	shalt  }
0x84: {  	_ =	shalt  }
0x85: {  	_ =	shalt  }
0x86: {  	_ =	shalt  }
0x87: {  	_ =	shalt  }
.Lfunc_end0:
.L_simem_size_0:
called_computation_lowered:
.L_overlay_start_0:
0x88: {  	s2 =	sld [smem:$0x3FD9]  }
0x89: {  	s3 =	sld [smem:$0x3FFE];
	_ =	sdelay $0x1  }
0x8a: {  	s1 =	srdreg.scid  }
0x8b: {  	s0 =	sand.u32 $0x1, s1  }
0x8c: {  	s14 =	sshll.u32 s0, $0xA;
	s2 =	sadd.s32 s3, s2  }
0x8d: {  	s2 =	sadd.s32 s2, s14  }
0x8e: {  	[smem:$0x3FA5] =	sst s2  }
0x8f: {  	_ = 	snop  }
0x90: {  	s2 =	sld [smem:$0x3FD0];
	_ =	sdelay $0x2  }
0x91: {  	s15 =	simm.s32 $0xA;
	s4 =	simm.s32 $0x10  }
0x92: {  	[smem:s4], [sflag:s15] =	dma.local [hbm:s2], $0x1  }
0x93: {  	_ =	swait.eq [sflag:s15], $0x1  }
0x94: {  	[sflag:s15] =	ssyncset.done $0x0  }
0x95: {  	[sflag:s15] =	ssyncadd.s32 $0xFFFFFFFF  }
0x96: {  	s16 =	sld [smem:$0x10];
	(tm) =	ssettm $0x1  }
0x97: {  	s17 =	sld [smem:$0x3FFB];
	_ =	sdelay $0x3  }
0x98: {  	_ =	strace s17  }
0x99: {  	s3 =	sld [smem:$0x3FFC];
	_ =	sdelay $0x3  }
0x9a: {  	_ =	strace s3  }
0x9b: {  	s3 =	sld [smem:$0x3FFD];
	_ =	sdelay $0x3  }
0x9c: {  	_ =	strace s3  }
0x9d: {  	_ =	strace $0x8FFFFFFF  }
0x9e: {  	s18 =	sld [smem:$0x3FDB];
	_ =	sdelay $0x1  }
0x9f: {  	s19 =	simm.s32 $_scs_section_size  }
0xa0: {  	s5 =	simm.s32 $_size__tile_overlayer_lowered;
	s6 =	simm.s32 $_tile_overlayer_lowered  }
0xa1: {  	s22 =	simm.s32 $0x1BFF;
	s21 =	sshll.u32 s6, $0x1;
	s3 =	sadd.s32 s19, s18  }
0xa2: {  	s7 =	simm.s32 $0x0;
	s20 =	sshll.u32 s5, $0x1;
	s5 =	sadd.s32 s21, s3  }
0xa3: {  	[timem:s7], [sflag:s22] =	dma.local [hbm:s5], s20  }
0xa4: {  	_ =	swait.ge [sflag:s22], s20  }
0xa5: {  	s4 =	ssub.s32 $0x0, s20;
	[sflag:s22] =	ssyncset.done $0x0  }
0xa6: {  	[sflag:s22] =	ssyncadd.s32 s4;
	_ =	sdelay $0x1  }
0xa7: {  	s23 =	simm.s32 $0x1B8B  }
0xa8: {  	_ =	swait.ge [sflag:s23], $0x1  }
0xa9: {  	[sflag:s23] =	ssyncset.done $0x0  }
0xaa: {  	s25 =	simm.s32 $0x1B8E;
	s24 =	sld [smem:$0x3FFE];
	[sflag:s23] =	ssyncadd.s32 $0xFFFFFFFF  }
0xab: {  	s26 =	simm.s32 $execute0_lowered;
	[smem:$0x3FD2] =	sst s25  }
0xac: {  	s5 =	sshll.u32 s26, $0x1;
	_ =	strace $0x80000046;
	[dreg:$0x1] =	wrdreg $0xFFFFFFFF  }
0xad: {  	s28 =	simm.s32 $_size_execute0_lowered;
	s3 =	sadd.s32 s3, s5;
	[dreg:$0x0] =	wrdreg $0x0  }
0xae: {  	s5 =	sshll.u32 s28, $0x1;
	[dreg:$0x2] =	wrdreg s3  }
0xaf: {  	[dreg:$0x3] =	wrdreg s5  }
0xb0: {  	[dreg:$0x4] =	wrdreg $0xC0  }
0xb1: {  	_ =	task [dreg:s7], $0x5FFFF  }
0xb2: {  	[dreg:$0x1] =	wrdreg $0xFFFFFFFF  }
0xb3: {  	[dreg:$0x0] =	wrdreg $0x60  }
0xb4: {  	[dreg:$0x2] =	wrdreg s24  }
0xb5: {  	[dreg:$0x3] =	wrdreg s16  }
0xb6: {  	[dreg:$0x4] =	wrdreg $0x9  }
0xb7: {  	_ =	task.clear_ibuf [dreg:s7], $0x5FFFF;
	_ =	strace $0x90000046  }
0xb8: {  	s29 =	simm.s32 $0x9;
	_ =	strace $0x80000048  }
0xb9: {  	_ =	swait.ge [sflag:s29], $0x1  }
0xba: {  	[sflag:s29] =	ssyncadd.s32 $0xFFFFFFFF  }
0xbb: {  	_ =	strace $0x90000048  }
0xbc: {  	_ =	sfence  }
0xbd: {  	s30 =	sld [smem:$0x0];
	_ =	sdelay $0x2  }
0xbe: {  	s31 =	sshll.u32 s1, $0xD;
	s1 =	sshrl.u32 s1, $0x2  }
0xbf: {  	s3 =	sand.u32 $0x4000, s31;
	s1 =	sadd.s32 s1, s30  }
0xc0: {  	s0 =	sor.u32 s3, s0;
	s1 =	sshll.u32 s1, $0x11  }
0xc1: {  	s0 =	sor.u32 s1, s0  }
0xc2: {  	s0 =	sadd.s32 $0x8F2B, s0  }
0xc3: {  	[sflag:s0] =	ssyncadd.remote.s32 $0x1  }
0xc4: {  	_ =	sfence.sel $0xFFFF  }
0xc5: {  	[dreg:$0x0] =	wrdreg $0xFFFFFFFF;
	(pc) =	sbr.abs _section_cstart, $3  }
0xc6: {  	[dreg:$0x1] =	wrdreg $0xFFFFFFFF  }
0xc7: {  	_ =	task.clear_ibuf [dreg:s7], $0x2FFFF;
	_ =	strace $0x9FFFFFFF  }
0xc8: {  	(tm) =	ssettm $0x7FFFFFFF  }
0xc9: {  	_ =	shalt  }
tec
execute0_lowered:
.L_overlay_start_1:
0x0: {  	(tag) =	ssettag $0x1  }
0x1: {  	s3 =	rddreg [dreg:$0x0]  }
0x2: {  	s6 =	rddreg [dreg:$0x1];
	s1 =	srdreg.scid  }
0x3: {  	s0 =	rddreg [dreg:$0x2];
	s2 =	simm.s32 $0x0;
	s10 =	simm.s32 $0x12400  }
0x4: {  	s11 =	simm.s32 $0x0;
	s4 =	sand.u32 $0x1, s1;
	[smem:$0x7FF] =	sst s2  }
0x5: {  	s1 =	stileid.u32;
	s5 =	sshll.u32 s4, $0x4;
	s4 =	ssub.s32 $0x2, s4  }
0x6: {  	_ =	strace $0x80000047;
	s7 =	sor.u32 s1, s5;
	s8 =	sshrl.u32 s4, $0x1  }
0x7: {  	s9 =	sshll.u32 s1, $0x10;
	s5 =	sshll.u32 s7, $0xD;
	s8 =	ssub.s32 s4, s8  }
0x8: {  	s7 =	sshll.u32 s7, $0x7;
	s5 =	sadd.s32 s5, s3;
	s3 =	sand.u32 $0x30000, s9  }
0x9: {  	v0 =	vlaneseq.u32;
	s6 =	sadd.s32 s6, s7;
	s7 =	smax.u32 s8, $0x1;
	s8 =	simm.s32 $0x1  }
0xa: {  	v1 =	vimm.s32 $0x0;
	v2 =	vor.u32 $0x10000, v0;
	s9 =	simm.s32 $0x2000;
	s4 =	sadd.s32 $0x4C00, s5;
	s5 =	sadd.s32 $0x44C00, s5  }
.LBB2_1:
0xb: {  	s13 =	simm.s32 $0x0;
	s12 =	simm.s32 $0x0  }
.LBB2_2:
0xc: {  	s15 =	sshll.u32 s12, $0xA;
	s14 =	simm.s32 $0x0  }
0xd: {  	s15 =	sadd.s32 s15, s4;
	v3 =	vor.u32 s14, v0  }
0xe: {  	[tilespmem:s14], [sflag:$0x1] =	stream.linear.gather [hbm4b:s15+s14], $0x2000, $0x38;
	[tilespmem:$0x12800] =	vst v63  }
0xf: {  	_ =	swait.ge [sflag:s8], $0x2000  }
0x10: {  	[sflag:s8] =	ssyncset.done $0x0  }
0x11: {  	[sflag:s8] =	ssyncadd.s32 $0xFFFFE000  }
0x12: {  	v3 =	vld.idx.msk [tilespmem:v3+s2+$0x0], $0xffff;
	_ =	sdelay $0x4  }
0x13: {  	vm0 =	vne.s32 v3, $0x0  }
0x14: {  	v3 =	vsel vm0, $0x1, v1  }
0x15: {  	(xrf0) =	vadd.scan.msk.s32 $0xffff, v3;
	_ =	sdelay $0x2  }
0x16: {  	v3 =	vmov s13  }
0x17: {  	v3 =	vadd.s32 $0xFFFFFFFF, v3  }
0x18: {  	v3 =	vbroadcast v3, $0x0  }
0x19: {  	v4, _, _ =	vpop (xrf0)  }
0x1a: {  	v3 =	vadd.s32 v4, v3;
	(v2sf) =	vpush v4, $0xF  }
0x1b: {  	s16 =	sshll.u32 s12, $0xD;
	s15 =	simm.s32 $0x10;
	v3 =	vsel vm0, v3, v2  }
0x1c: {  	s17 =	simm.s32 $0x20;
	s16 =	sadd.s32 s3, s16;
	v4 =	vor.u32 s15, v0  }
.LBB2_3:
0x1d: {  	p0 =	sne.s32 s17, $0x1FF0  }
0x1e: {  	s18 =	sor.u32 s16, s14;
	s14 =	smov.u32 s15;
	s15 =	smov.u32 s17  }
0x1f: {  	v5 =	vor.u32 s18, v0  }
0x20: {  	[tilespmem:v3+s9+$0x0] =	vst.idx.msk $0xffff, v5  }
0x21: {  	v3 =	vld.idx.msk [tilespmem:v4+s2+$0x0], $0xffff;
	_ =	sdelay $0x5  }
0x22: {  	vm0 =	vne.s32 v3, $0x0  }
0x23: {  	v3 =	vsel vm0, $0x1, v1  }
0x24: {  	(xrf0) =	vadd.scan.msk.s32 $0xffff, v3;
	s18 =	spop (v2sf)  }
0x25: {  	s13 =	sadd.s32 s13, s18  }
0x26: {  	v3 =	vmov s13  }
0x27: {  	v3 =	vadd.s32 $0xFFFFFFFF, v3  }
0x28: {  	v3 =	vbroadcast v3, $0x0  }
.Ltmp0:
0x29: {  	(pc) =	sbr.rel @p0 .LBB2_3-.Ltmp0, $4  }
0x2a: {  	v4, _, _ =	vpop (xrf0)  }
0x2b: {  	v3 =	vadd.s32 v4, v3;
	(v2sf) =	vpush v4, $0xF  }
0x2c: {  	v3 =	vsel vm0, v3, v2  }
0x2d: {  	s17 =	sadd.s32 $0x10, s17;
	v4 =	vor.u32 s15, v0  }
0x2e: {  	_ =	sdelay $0x1  }
0x2f: {  	s14 =	sor.u32 s16, s14  }
0x30: {  	v5 =	vor.u32 s14, v0  }
0x31: {  	[tilespmem:v3+s9+$0x0] =	vst.idx.msk $0xffff, v5  }
0x32: {  	v3 =	vld.idx.msk [tilespmem:v4+s2+$0x0], $0xffff;
	_ =	sdelay $0x4  }
0x33: {  	vm0 =	vne.s32 v3, $0x0  }
0x34: {  	v3 =	vsel vm0, $0x1, v1  }
0x35: {  	(xrf0) =	vadd.scan.msk.s32 $0xffff, v3;
	_ =	sdelay $0x5  }
0x36: {  	v3, _, _ =	vpop (xrf0)  }
0x37: {  	(v2sf) =	vpush v3, $0xF;
	_ =	sdelay $0x3  }
0x38: {  	s29 =	spop (v2sf)  }
0x39: {  	s13 =	sadd.s32 s13, s29  }
0x3a: {  	v62 =	vmov s13  }
0x3b: {  	v4 =	vadd.s32 $0xFFFFFFFF, v62  }
0x3c: {  	v4 =	vbroadcast v4, $0x0;
	_ =	sdelay $0x1  }
0x3d: {  	s12 =	sadd.s32 $0x1, s12;
	v3 =	vadd.s32 v3, v4  }
0x3e: {  	p0 =	sne.s32 s12, $0x8;
	v3 =	vsel vm0, v3, v2  }
.Ltmp1:
0x3f: {  	_ = 	snop;
	(pc) =	sbr.rel @p0 .LBB2_2-.Ltmp1, $4  }
0x40: {  	_ = 	snop  }
0x41: {  	s30 =	sor.u32 s16, s15  }
0x42: {  	v63 =	vor.u32 s30, v0;
	s31 =	spop (v2sf)  }
0x43: {  	[tilespmem:v3+s9+$0x0] =	vst.idx.msk $0xffff, v63;
	s13 =	sadd.s32 s13, s31  }
0x44: {  	[hbm4b:s5+s2] =	stream.linear.scatter [tilespmem:s9], [sflag:$0x1], $0x10000, $0x38;
	[tilespmem:$0x12800] =	vst v63  }
0x45: {  	_ =	swait.ge [sflag:s8], $0x10000  }
0x46: {  	s11 =	sadd.s32 $0x1, s11;
	[sflag:s8] =	ssyncset.done $0x0  }
0x47: {  	v3 =	vmov s13;
	p0 =	sne.s32 s11, s7;
	[sflag:s8] =	ssyncadd.s32 $0xFFFF0000  }
.Ltmp2:
0x48: {  	[tilespmem:$0x12400] =	vst v3;
	(pc) =	sbr.rel @p0 .LBB2_1-.Ltmp2, $4  }
0x49: {  	[hbm4b:s6+s2] =	stream.linear.scatter [tilespmem:s10], [sflag:$0x1], $0x400, $0x38;
	[tilespmem:$0x12800] =	vst v63  }
0x4a: {  	_ =	swait.ge [sflag:s8], $0x400  }
0x4b: {  	[sflag:s8] =	ssyncset.done $0x0  }
0x4c: {  	[sflag:s8] =	ssyncadd.s32 $0xFFFFFC00  }
0x4d: {  	_ =	sfence.sel $0x180000  }
0x4e: {  	[bflag:$0x0] =	sbarrier.arrive $0xFFFF  }
0x4f: {  	p0 =	sne.s32 s1, $0x0;
	_ =	strace $0x90000047  }
0x50: {  	s0 =	sadd.s32 @!p0 $0x100000, s0;
	[bflag:$0x2] =	sbarrier.arrive $0xFFFF  }
0x51: {  	[sflag:s0] =	ssyncadd.tile.s32 @!p0 $0x1;
	_ =	shalt  }
.Lfunc_end2:
_tile_overlayer_lowered:
.L_overlay_start_2:
0x52: {  	(tag) =	ssettag $0x2  }
0x53: {  	s0 =	rddreg [dreg:$0x0];
	s2 =	stileid.u32  }
0x54: {  	s1 =	rddreg [dreg:$0x1];
	p0 =	sne.s32 s2, $0x0  }
0x55: {  	s3 =	rddreg [dreg:$0x2];
	[bflag:$0x3] =	sbarrier.arrive $0xFFFF;
	s2 =	simm.s32 @!p0 $0x1C01  }
0x56: {  	[timem:s3], [sflag:s2] =	dma.local @!p0 [hbm:s0], s1  }
0x57: {  	s0 =	simm.s32 @!p0 $0x1  }
0x58: {  	_ =	swait.ge @!p0 [sflag:s0], s1  }
0x59: {  	s1 =	ssub.s32 @!p0 $0x0, s1;
	[sflag:s0] =	ssyncset.done @!p0 $0x0  }
0x5a: {  	[sflag:s0] =	ssyncadd.s32 @!p0 s1  }
0x5b: {  	[bflag:$0x3] =	sbarrier.arrive $0xFFFF  }
0x5c: {  	_ =	shalt  }

</sc_bundles>
